<compile_context>
chip_gen: v7x
topology: tpu7x:2x2x1
jax: 0.10.2.dev20260603
libtpu: 0.0.44.dev20260713+nightly
codegen_flags: <defaults>
</compile_context>

<pallas_src>
import functools

import jax
import jax.numpy as jnp
from jax import lax
from jax.experimental import pallas as pl
from jax.experimental.pallas import tpu as pltpu
from jax.experimental.pallas import tpu_sc as plsc

N = 10000
E = 320000
D = 128
NC = 2
NS = 16
NW = NC * NS
K = 128
CHUNKS = 79
EPW = K * CHUNKS
E_PAD = EPW * NW
ACC_ROWS = 10112
RPS = ACC_ROWS // NS

_mesh = plsc.VectorSubcoreMesh(core_axis_name="c", subcore_axis_name="s")


@functools.partial(
    pl.kernel,
    out_type=jax.ShapeDtypeStruct((NC * ACC_ROWS, 16), jnp.float32),
    mesh=_mesh,
    scratch_types=[
        pltpu.VMEM((K,), jnp.int32),
        pltpu.VMEM((K,), jnp.int32),
        pltpu.VMEM((K, 16), jnp.float32),
        pltpu.VMEM_SHARED((ACC_ROWS, 16), jnp.float32),
        pltpu.SemaphoreType.DMA,
        pltpu.SemaphoreType.DMA,
    ],
)
def _sc_degree(dst_hbm, out_hbm, dst_a, dst_b, buf_v, acc_sh, sem_a, sem_b):
    cid = lax.axis_index("c")
    sid = lax.axis_index("s")
    wid = sid * NC + cid
    base = wid * EPW

    def iload(j, dv, sem):
        pltpu.async_copy(dst_hbm.at[pl.ds(base + j * K, K)], dv, sem)

    def iwait(j, dv, sem):
        pltpu.make_async_copy(dst_hbm.at[pl.ds(base + j * K, K)], dv,
                              sem).wait()

    iload(0, dst_a, sem_a)

    def fill(val):
        def step(i, _):
            buf_v[i] = jnp.full((16,), val, jnp.float32)
            return 0
        lax.fori_loop(0, K, step, 0)

    fill(0.0)

    def zero_slice(k, _):
        pltpu.sync_copy(buf_v, acc_sh.at[pl.ds(sid * RPS + k * K, K)])
        return 0

    lax.fori_loop(0, RPS // K, zero_slice, 0)
    pltpu.sync_copy(
        buf_v.at[pl.ds(0, RPS - (RPS // K) * K)],
        acc_sh.at[pl.ds(sid * RPS + (RPS // K) * K, RPS - (RPS // K) * K)],
    )
    fill(1.0)
    plsc.subcore_barrier()

    def body(t, _):
        ja = 2 * t
        jb = 2 * t + 1
        iwait(ja, dst_a, sem_a)
        iload(jb, dst_b, sem_b)
        pltpu.sync_copy(buf_v, acc_sh.at[dst_a], add=True)
        iwait(jb, dst_b, sem_b)
        iload(jb + 1, dst_a, sem_a)
        pltpu.sync_copy(buf_v, acc_sh.at[dst_b], add=True)
        return 0

    lax.fori_loop(0, (CHUNKS - 1) // 2, body, 0)
    iwait(CHUNKS - 1, dst_a, sem_a)
    pltpu.sync_copy(buf_v, acc_sh.at[dst_a], add=True)
    plsc.subcore_barrier()
    pltpu.sync_copy(
        acc_sh.at[pl.ds(sid * RPS, RPS)],
        out_hbm.at[pl.ds(cid * ACC_ROWS + sid * RPS, RPS)],
    )


@functools.partial(
    pl.kernel,
    out_type=jax.ShapeDtypeStruct((NC * ACC_ROWS, D), jnp.float32),
    mesh=_mesh,
    scratch_types=(
        [pltpu.VMEM((K,), jnp.int32) for _ in range(8)]
        + [pltpu.VMEM((K, D), jnp.float32) for _ in range(2)]
        + [pltpu.VMEM_SHARED((ACC_ROWS, D), jnp.float32)]
        + [pltpu.SemaphoreType.DMA for _ in range(8)]
    ),
)
def _sc_scatter(y_hbm, src_hbm, dst_hbm, out_hbm,
                si0, si1, si2, si3, di0, di1, di2, di3,
                rows_a, rows_b, acc_sh,
                is0, is1, is2, is3, gs0, gs1, ss0, ss1):
    cid = lax.axis_index("c")
    sid = lax.axis_index("s")
    wid = sid * NC + cid
    base = wid * EPW

    src_i = [si0, si1, si2, si3]
    dst_i = [di0, di1, di2, di3]
    isem = [is0, is1, is2, is3]
    rows = [rows_a, rows_b]
    gsem = [gs0, gs1]
    ssem = [ss0, ss1]

    def zero_rows(t, _):
        rows_a[t // 8, pl.ds((t % 8) * 16, 16)] = jnp.zeros((16,), jnp.float32)
        return 0

    lax.fori_loop(0, K * (D // 16), zero_rows, 0)

    def zero_slice(k, _):
        pltpu.sync_copy(rows_a, acc_sh.at[pl.ds(sid * RPS + k * K, K)])
        return 0

    lax.fori_loop(0, RPS // K, zero_slice, 0)
    pltpu.sync_copy(
        rows_a.at[pl.ds(0, RPS - (RPS // K) * K)],
        acc_sh.at[pl.ds(sid * RPS + (RPS // K) * K, RPS - (RPS // K) * K)],
    )

    def iload(j, p):
        pltpu.async_copy(src_hbm.at[pl.ds(base + j * K, K)], src_i[p], isem[p])
        pltpu.async_copy(dst_hbm.at[pl.ds(base + j * K, K)], dst_i[p], isem[p])

    def iwait(j, p):
        pltpu.make_async_copy(src_hbm.at[pl.ds(base + j * K, K)], src_i[p],
                              isem[p]).wait()
        pltpu.make_async_copy(dst_hbm.at[pl.ds(base + j * K, K)], dst_i[p],
                              isem[p]).wait()

    def gstart(p, r):
        pltpu.async_copy(y_hbm.at[src_i[p]], rows[r], gsem[r])

    def gwait(p, r):
        pltpu.make_async_copy(y_hbm.at[src_i[p]], rows[r], gsem[r]).wait()

    def sstart(p, r):
        pltpu.async_copy(rows[r], acc_sh.at[dst_i[p]], ssem[r], add=True)

    def swait(p, r):
        pltpu.make_async_copy(rows[r], acc_sh.at[dst_i[p]], ssem[r]).wait()

    def step(j, o, first=False, do1=True, do2=True):
        p = o % 4
        r = o % 2
        pn = (o + 1) % 4
        rn = (o + 1) % 2
        if do1:
            iwait(j + 1, pn)
        if not first:
            swait((o - 1) % 4, rn)
        if do1:
            gstart(pn, rn)
            if do2:
                iload(j + 2, (o + 2) % 4)
        gwait(p, r)
        sstart(p, r)

    iload(0, 0)
    iload(1, 1)
    iwait(0, 0)
    gstart(0, 0)
    plsc.subcore_barrier()

    QUADS = (CHUNKS - 3) // 4
    step(0, 0, first=True)
    for j in range(1, 4):
        step(j, j)

    def quad(t, _):
        j0 = 4 * t
        for o in range(4):
            step(j0 + o, o)
        return 0

    lax.fori_loop(1, QUADS, quad, 0)
    for j in range(4 * QUADS, CHUNKS):
        step(j, j % 4, do1=(j + 1 < CHUNKS), do2=(j + 2 < CHUNKS))
    swait((CHUNKS - 1) % 4, (CHUNKS - 1) % 2)
    plsc.subcore_barrier()
    pltpu.sync_copy(
        acc_sh.at[pl.ds(sid * RPS, RPS)],
        out_hbm.at[pl.ds(cid * ACC_ROWS + sid * RPS, RPS)],
    )


_ROWS_BLK = 1000
_GRID = N // _ROWS_BLK


def _tc1(x, W1, d0, d1):
    def body(x_ref, w_ref, d0_ref, d1_ref, y_ref):
        dinv = lax.rsqrt(d0_ref[...] + d1_ref[...] + 1.0)
        y_ref[...] = (
            jnp.dot(x_ref[...], w_ref[...], preferred_element_type=jnp.float32)
            * dinv
        )

    return pl.pallas_call(
        body,
        grid=(_GRID,),
        in_specs=[
            pl.BlockSpec((_ROWS_BLK, D), lambda i: (i, 0)),
            pl.BlockSpec((D, D), lambda i: (0, 0)),
            pl.BlockSpec((_ROWS_BLK, 1), lambda i: (i, 0)),
            pl.BlockSpec((_ROWS_BLK, 1), lambda i: (i, 0)),
        ],
        out_specs=pl.BlockSpec((_ROWS_BLK, D), lambda i: (i, 0)),
        out_shape=jax.ShapeDtypeStruct((N, D), jnp.float32),
    )(x, W1, d0, d1)


def _tc2(p0, p1, y1, d0, d1, b1, W2):
    def body(p0_ref, p1_ref, y1_ref, d0_ref, d1_ref, b_ref, w_ref, out_ref):
        dinv = lax.rsqrt(d0_ref[...] + d1_ref[...] + 1.0)
        h = dinv * (p0_ref[...] + p1_ref[...] + y1_ref[...]) + b_ref[...]
        h = jnp.where(h > 0, h, 0.01 * h)
        out_ref[...] = (
            jnp.dot(h, w_ref[...], preferred_element_type=jnp.float32) * dinv
        )

    return pl.pallas_call(
        body,
        grid=(_GRID,),
        in_specs=[
            pl.BlockSpec((_ROWS_BLK, D), lambda i: (i, 0)),
            pl.BlockSpec((_ROWS_BLK, D), lambda i: (i, 0)),
            pl.BlockSpec((_ROWS_BLK, D), lambda i: (i, 0)),
            pl.BlockSpec((_ROWS_BLK, 1), lambda i: (i, 0)),
            pl.BlockSpec((_ROWS_BLK, 1), lambda i: (i, 0)),
            pl.BlockSpec((1, D), lambda i: (0, 0)),
            pl.BlockSpec((D, D), lambda i: (0, 0)),
        ],
        out_specs=pl.BlockSpec((_ROWS_BLK, D), lambda i: (i, 0)),
        out_shape=jax.ShapeDtypeStruct((N, D), jnp.float32),
    )(p0, p1, y1, d0, d1, b1, W2)


def _tc3(q0, q1, y2, d0, d1, b2):
    def body(q0_ref, q1_ref, y2_ref, d0_ref, d1_ref, b_ref, out_ref):
        dinv = lax.rsqrt(d0_ref[...] + d1_ref[...] + 1.0)
        out_ref[...] = dinv * (q0_ref[...] + q1_ref[...] + y2_ref[...]) + b_ref[...]

    return pl.pallas_call(
        body,
        grid=(_GRID,),
        in_specs=[
            pl.BlockSpec((_ROWS_BLK, D), lambda i: (i, 0)),
            pl.BlockSpec((_ROWS_BLK, D), lambda i: (i, 0)),
            pl.BlockSpec((_ROWS_BLK, D), lambda i: (i, 0)),
            pl.BlockSpec((_ROWS_BLK, 1), lambda i: (i, 0)),
            pl.BlockSpec((_ROWS_BLK, 1), lambda i: (i, 0)),
            pl.BlockSpec((1, D), lambda i: (0, 0)),
        ],
        out_specs=pl.BlockSpec((_ROWS_BLK, D), lambda i: (i, 0)),
        out_shape=jax.ShapeDtypeStruct((N, D), jnp.float32),
    )(q0, q1, y2, d0, d1, b2)


def kernel(x, edge_index, W1, b1, W2, b2):
    src = edge_index[0]
    dst = edge_index[1]
    pad = E_PAD - E
    srcp = jnp.concatenate([src, jnp.zeros((pad,), jnp.int32)])
    dstp = jnp.concatenate([dst, jnp.full((pad,), N, jnp.int32)])

    degp = _sc_degree(dstp)
    d0 = degp[:N, :1]
    d1 = degp[ACC_ROWS:ACC_ROWS + N, :1]

    y1 = _tc1(x, W1, d0, d1)

    p = _sc_scatter(y1, srcp, dstp)
    y2 = _tc2(p[:N], p[ACC_ROWS:ACC_ROWS + N], y1, d0, d1,
              b1.reshape(1, D), W2)

    q = _sc_scatter(y2, srcp, dstp)
    return _tc3(q[:N], q[ACC_ROWS:ACC_ROWS + N], y2, d0, d1,
                b2.reshape(1, D))

# --- scband reference (transcript-rebuilt; emitter-appended) ---
"""Pipeline reference for scband-gnnencoder-24945170055874 (READ-ONLY COPY).

The authoritative reference and input builder live on the scoring server;
editing this copy changes nothing except your own understanding.
"""

import jax, jax.numpy as jnp
import numpy as np

N_NODES = 10000
N_EDGES = 320000
IN_CH = 128
HID_CH = 128


def gcn_conv(x, edge_index, W, b, num_nodes):
    # PyG GCNConv with add_self_loops=True, symmetric normalization
    src = edge_index[0]
    dst = edge_index[1]
    loop = jnp.arange(num_nodes, dtype=src.dtype)
    src = jnp.concatenate([src, loop])
    dst = jnp.concatenate([dst, loop])
    edge_weight = jnp.ones(src.shape[0], dtype=x.dtype)
    deg = jax.ops.segment_sum(edge_weight, dst, num_segments=num_nodes)
    deg_inv_sqrt = jnp.where(deg > 0, 1.0 / jnp.sqrt(deg), 0.0)
    norm = deg_inv_sqrt[src] * deg_inv_sqrt[dst]
    xw = x @ W
    msg = xw[src] * norm[:, None]
    out = jax.ops.segment_sum(msg, dst, num_segments=num_nodes)
    return out + b


def setup_inputs(seed: int = 0) -> dict:
    key = jax.random.key(seed)
    k1, k2, k3, k4, k5 = jax.random.split(key, 5)
    x = jax.random.normal(k1, (N_NODES, IN_CH), dtype=jnp.float32)
    edge_index = jax.random.randint(k2, (2, N_EDGES), 0, N_NODES, dtype=jnp.int32)
    W1 = jax.random.normal(k3, (IN_CH, HID_CH), dtype=jnp.float32) * (1.0 / np.sqrt(IN_CH))
    b1 = jnp.zeros((HID_CH,), dtype=jnp.float32)
    W2 = jax.random.normal(k4, (HID_CH, HID_CH), dtype=jnp.float32) * (1.0 / np.sqrt(HID_CH))
    b2 = jnp.zeros((HID_CH,), dtype=jnp.float32)
    return {"x": x, "edge_index": edge_index, "W1": W1, "b1": b1, "W2": W2, "b2": b2}


def reference(x, edge_index, W1, b1, W2, b2):
    # layer 1
    h = gcn_conv(x, edge_index, W1, b1, N_NODES)
    h = jnp.where(h > 0, h, 0.01 * h)  # leaky_relu (default negative_slope=0.01)
    # dropout is identity in eval mode
    # layer 2 (last layer: no activation/dropout)
    out = gcn_conv(h, edge_index, W2, b2, N_NODES)
    return out

if __name__ == "__main__":
    import jax
    _d = setup_inputs()
    print(jax.jit(kernel)(*tuple(_d.values())))

</pallas_src>

<mosaic_0001>
#map = affine_map<(d0, d1) -> (0, 0)>
#map1 = affine_map<(d0, d1) -> (0)>
module attributes {stable_mosaic.version = 14 : i64} {
  func.func @_sc_scatter(%arg0: i32, %arg1: i32, %arg2: memref<10000x128xf32, #tpu.memory_space<hbm>>, %arg3: memref<323584xi32, #tpu.memory_space<hbm>>, %arg4: memref<323584xi32, #tpu.memory_space<hbm>>, %arg5: memref<20224x128xf32, #tpu.memory_space<hbm>>, %arg6: memref<128xi32, #tpu.memory_space<vmem>>, %arg7: memref<128xi32, #tpu.memory_space<vmem>>, %arg8: memref<128xi32, #tpu.memory_space<vmem>>, %arg9: memref<128xi32, #tpu.memory_space<vmem>>, %arg10: memref<128xi32, #tpu.memory_space<vmem>>, %arg11: memref<128xi32, #tpu.memory_space<vmem>>, %arg12: memref<128xi32, #tpu.memory_space<vmem>>, %arg13: memref<128xi32, #tpu.memory_space<vmem>>, %arg14: memref<128x128xf32, #tpu.memory_space<vmem>>, %arg15: memref<128x128xf32, #tpu.memory_space<vmem>>, %arg16: memref<10112x128xf32, #tpu.memory_space<vmem_shared>>, %arg17: memref<!tpu.dma_semaphore, #tpu.memory_space<semaphore_mem>>, %arg18: memref<!tpu.dma_semaphore, #tpu.memory_space<semaphore_mem>>, %arg19: memref<!tpu.dma_semaphore, #tpu.memory_space<semaphore_mem>>, %arg20: memref<!tpu.dma_semaphore, #tpu.memory_space<semaphore_mem>>, %arg21: memref<!tpu.dma_semaphore, #tpu.memory_space<semaphore_mem>>, %arg22: memref<!tpu.dma_semaphore, #tpu.memory_space<semaphore_mem>>, %arg23: memref<!tpu.dma_semaphore, #tpu.memory_space<semaphore_mem>>, %arg24: memref<!tpu.dma_semaphore, #tpu.memory_space<semaphore_mem>>) attributes {dimension_semantics = [#tpu.dimension_semantics<core_parallel>, #tpu.dimension_semantics<subcore_parallel>], iteration_bounds = array<i64: 2, 16>, scalar_prefetch = 0 : i64, scratch_operands = 19 : i64, tpu.core_type = #tpu.core_type<sc_vector_subcore>, window_params = [{transform_indices = #map}, {transform_indices = #map1}, {transform_indices = #map1}, {transform_indices = #map}]} {
    %mul3A = arith.constant 2 : i32
    %mul3A_0 = arith.muli %arg1, %mul3A : i32
    %add3A = arith.addi %mul3A_0, %arg0 : i32
    %mul3A_1 = arith.constant 10112 : i32
    %mul3A_2 = arith.muli %add3A, %mul3A_1 : i32
    %scan3A = arith.constant 0 : i32
    %scan3A_3 = arith.constant 0 : i32
    %scan3A_4 = arith.constant 1024 : i32
    %scan3A_5 = arith.addi %scan3A_3, %scan3A_4 : i32
    %scan3A_6 = arith.constant 1 : i32
    %scan3A_7 = scf.for %scan3A_229 = %scan3A_3 to %scan3A_5 step %scan3A_6 iter_args(%scan3A_230 = %scan3A) -> (i32)  : i32 {
      %broadcast_in_dim3A = arith.constant 0.000000e+00 : f32
      %broadcast_in_dim3A_231 = vector.broadcast %broadcast_in_dim3A : f32 to vector<16xf32>
      %jit3A = arith.constant 8 : i32
      %div3A = arith.divsi %scan3A_229, %jit3A : i32
      %sign3A = arith.constant 0 : i32
      %sign3A_232 = arith.cmpi sgt, %scan3A_229, %sign3A : i32
      %sign3A_233 = arith.extui %sign3A_232 : i1 to i32
      %sign3A_234 = arith.constant 0 : i32
      %sign3A_235 = arith.cmpi slt, %scan3A_229, %sign3A_234 : i32
      %sign3A_236 = arith.extui %sign3A_235 : i1 to i32
      %sign3A_237 = arith.subi %sign3A_233, %sign3A_236 : i32
      %sign3A_238 = arith.constant 0 : i32
      %sign3A_239 = arith.cmpi sgt, %jit3A, %sign3A_238 : i32
      %sign3A_240 = arith.extui %sign3A_239 : i1 to i32
      %sign3A_241 = arith.constant 0 : i32
      %sign3A_242 = arith.cmpi slt, %jit3A, %sign3A_241 : i32
      %sign3A_243 = arith.extui %sign3A_242 : i1 to i32
      %sign3A_244 = arith.subi %sign3A_240, %sign3A_243 : i32
      %ne3A = arith.cmpi ne, %sign3A_237, %sign3A_244 : i32
      %rem3A = arith.remsi %scan3A_229, %jit3A : i32
      %ne3A_245 = arith.constant 0 : i32
      %ne3A_246 = arith.cmpi ne, %rem3A, %ne3A_245 : i32
      %and3A = arith.andi %ne3A, %ne3A_246 : i1
      %sub3A = arith.constant 1 : i32
      %sub3A_247 = arith.subi %div3A, %sub3A : i32
      %select_n3A = arith.select %and3A, %sub3A_247, %div3A : i32
      %jit3A_248 = arith.constant 8 : i32
      %eq3A = arith.constant 0 : i32
      %eq3A_249 = arith.cmpi eq, %jit3A_248, %eq3A : i32
      %jit3A_250 = arith.constant 1 : i32
      %select_n3A_251 = arith.select %eq3A_249, %jit3A_250, %jit3A_248 : i32
      %rem3A_252 = arith.remsi %scan3A_229, %select_n3A_251 : i32
      %ne3A_253 = arith.constant 0 : i32
      %ne3A_254 = arith.cmpi ne, %rem3A_252, %ne3A_253 : i32
      %lt3A = arith.constant 0 : i32
      %lt3A_255 = arith.cmpi slt, %rem3A_252, %lt3A : i32
      %lt3A_256 = arith.constant 0 : i32
      %lt3A_257 = arith.cmpi slt, %select_n3A_251, %lt3A_256 : i32
      %ne3A_258 = arith.xori %lt3A_255, %lt3A_257 : i1
      %and3A_259 = arith.andi %ne3A_258, %ne3A_254 : i1
      %add3A_260 = arith.addi %rem3A_252, %select_n3A_251 : i32
      %select_n3A_261 = arith.select %and3A_259, %add3A_260, %rem3A_252 : i32
      %mul3A_262 = arith.constant 16 : i32
      %mul3A_263 = arith.muli %select_n3A_261, %mul3A_262 : i32
      %swap3A = arith.index_cast %select_n3A : i32 to index
      %swap3A_264 = arith.index_cast %mul3A_263 : i32 to index
      %swap3A_265 = tpu.vector_load %arg14[%swap3A, %swap3A_264] {strides = array<i32>} : memref<128x128xf32, #tpu.memory_space<vmem>>, vector<1x16xf32>,
      %swap3A_266 = vector.shape_cast %swap3A_265 : vector<1x16xf32> to vector<16xf32>
      %swap3A_267 = vector.shape_cast %broadcast_in_dim3A_231 : vector<16xf32> to vector<1x16xf32>
      tpu.vector_store %arg14[%swap3A, %swap3A_264], %swap3A_267 {strides = array<i32>} : memref<128x128xf32, #tpu.memory_space<vmem>>, vector<1x16xf32>,
      %scan3A_268 = arith.constant 0 : i32
      scf.yield %scan3A_268 : i32
    }
    %scan3A_8 = arith.constant 1024 : i32
    %scan3A_9 = arith.constant 0 : i32
    %scan3A_10 = arith.constant 0 : i32
    %scan3A_11 = arith.constant 4 : i32
    %scan3A_12 = arith.addi %scan3A_10, %scan3A_11 : i32
    %scan3A_13 = arith.constant 1 : i32
    %scan3A_14 = scf.for %scan3A_229 = %scan3A_10 to %scan3A_12 step %scan3A_13 iter_args(%scan3A_230 = %scan3A_9) -> (i32)  : i32 {
      %mul3A_231 = arith.constant 632 : i32
      %mul3A_232 = arith.muli %arg1, %mul3A_231 : i32
      %mul3A_233 = arith.constant 128 : i32
      %mul3A_234 = arith.muli %scan3A_229, %mul3A_233 : i32
      %add3A_235 = arith.addi %mul3A_232, %mul3A_234 : i32
      "tpu.region"() ({
        %run_scoped3A = tpu.sem_alloc : memref<!tpu.dma_semaphore, #tpu.memory_space<semaphore_mem>>
        %dma_start3A_237 = arith.constant 0 : i32
        %dma_start3A_238 = tpu.memref_slice %arg16[%add3A_235, %dma_start3A_237] : memref<10112x128xf32, #tpu.memory_space<vmem_shared>> -> memref<128x128xf32, #tpu.memory_space<vmem_shared>>
        %dma_start3A_239 = arith.constant 0 : i32
        %dma_start3A_240 = tpu.memref_slice %arg16[%add3A_235, %dma_start3A_239] : memref<10112x128xf32, #tpu.memory_space<vmem_shared>> -> memref<128x128xf32, #tpu.memory_space<vmem_shared>>
        tpu.enqueue_dma source(%arg14 : memref<128x128xf32, #tpu.memory_space<vmem>>) target(%dma_start3A_240 : memref<128x128xf32, #tpu.memory_space<vmem_shared>>) target_semaphore(%run_scoped3A : memref<!tpu.dma_semaphore, #tpu.memory_space<semaphore_mem>>)
        %dma_wait3A_241 = arith.constant 0 : i32
        %dma_wait3A_242 = tpu.memref_slice %arg16[%add3A_235, %dma_wait3A_241] : memref<10112x128xf32, #tpu.memory_space<vmem_shared>> -> memref<128x128xf32, #tpu.memory_space<vmem_shared>>
        %dma_wait3A_243 = arith.constant 0 : i32
        %dma_wait3A_244 = tpu.memref_slice %arg16[%add3A_235, %dma_wait3A_243] : memref<10112x128xf32, #tpu.memory_space<vmem_shared>> -> memref<128x128xf32, #tpu.memory_space<vmem_shared>>
        tpu.wait_dma2 semaphore(%run_scoped3A : memref<!tpu.dma_semaphore, #tpu.memory_space<semaphore_mem>>) src(%arg14 : memref<128x128xf32, #tpu.memory_space<vmem>>) dst(%dma_wait3A_244 : memref<128x128xf32, #tpu.memory_space<vmem_shared>>)
        tpu.yield
      }) : () -> ()
      %scan3A_236 = arith.constant 0 : i32
      scf.yield %scan3A_236 : i32
    }
    %scan3A_15 = arith.constant 4 : i32
    %mul3A_16 = arith.constant 632 : i32
    %mul3A_17 = arith.muli %arg1, %mul3A_16 : i32
    %add3A_18 = arith.constant 512 : i32
    %add3A_19 = arith.addi %mul3A_17, %add3A_18 : i32
    "tpu.region"() ({
      %run_scoped3A = tpu.sem_alloc : memref<!tpu.dma_semaphore, #tpu.memory_space<semaphore_mem>>
      %dma_start3A_229 = arith.constant 0 : i32
      %dma_start3A_230 = arith.constant 0 : i32
      %dma_start3A_231 = tpu.memref_slice %arg14[%dma_start3A_229, %dma_start3A_230] : memref<128x128xf32, #tpu.memory_space<vmem>> -> memref<120x128xf32, #tpu.memory_space<vmem>>
      %dma_start3A_232 = arith.constant 0 : i32
      %dma_start3A_233 = tpu.memref_slice %arg16[%add3A_19, %dma_start3A_232] : memref<10112x128xf32, #tpu.memory_space<vmem_shared>> -> memref<120x128xf32, #tpu.memory_space<vmem_shared>>
      %dma_start3A_234 = arith.constant 0 : i32
      %dma_start3A_235 = tpu.memref_slice %arg16[%add3A_19, %dma_start3A_234] : memref<10112x128xf32, #tpu.memory_space<vmem_shared>> -> memref<120x128xf32, #tpu.memory_space<vmem_shared>>
      %dma_start3A_236 = arith.constant 0 : i32
      %dma_start3A_237 = arith.constant 0 : i32
      %dma_start3A_238 = tpu.memref_slice %arg14[%dma_start3A_236, %dma_start3A_237] : memref<128x128xf32, #tpu.memory_space<vmem>> -> memref<120x128xf32, #tpu.memory_space<vmem>>
      tpu.enqueue_dma source(%dma_start3A_238 : memref<120x128xf32, #tpu.memory_space<vmem>>) target(%dma_start3A_235 : memref<120x128xf32, #tpu.memory_space<vmem_shared>>) target_semaphore(%run_scoped3A : memref<!tpu.dma_semaphore, #tpu.memory_space<semaphore_mem>>)
      %dma_wait3A_239 = arith.constant 0 : i32
      %dma_wait3A_240 = arith.constant 0 : i32
      %dma_wait3A_241 = tpu.memref_slice %arg14[%dma_wait3A_239, %dma_wait3A_240] : memref<128x128xf32, #tpu.memory_space<vmem>> -> memref<120x128xf32, #tpu.memory_space<vmem>>
      %dma_wait3A_242 = arith.constant 0 : i32
      %dma_wait3A_243 = tpu.memref_slice %arg16[%add3A_19, %dma_wait3A_242] : memref<10112x128xf32, #tpu.memory_space<vmem_shared>> -> memref<120x128xf32, #tpu.memory_space<vmem_shared>>
      %dma_wait3A_244 = arith.constant 0 : i32
      %dma_wait3A_245 = tpu.memref_slice %arg16[%add3A_19, %dma_wait3A_244] : memref<10112x128xf32, #tpu.memory_space<vmem_shared>> -> memref<120x128xf32, #tpu.memory_space<vmem_shared>>
      %dma_wait3A_246 = arith.constant 0 : i32
      %dma_wait3A_247 = arith.constant 0 : i32
      %dma_wait3A_248 = tpu.memref_slice %arg14[%dma_wait3A_246, %dma_wait3A_247] : memref<128x128xf32, #tpu.memory_space<vmem>> -> memref<120x128xf32, #tpu.memory_space<vmem>>
      tpu.wait_dma2 semaphore(%run_scoped3A : memref<!tpu.dma_semaphore, #tpu.memory_space<semaphore_mem>>) src(%dma_wait3A_248 : memref<120x128xf32, #tpu.memory_space<vmem>>) dst(%dma_wait3A_245 : memref<120x128xf32, #tpu.memory_space<vmem_shared>>)
      tpu.yield
    }) : () -> ()
    %add3A_20 = arith.constant 0 : i32
    %add3A_21 = arith.addi %mul3A_2, %add3A_20 : i32
    %dma_start3A = tpu.memref_slice %arg3[%add3A_21] : memref<323584xi32, #tpu.memory_space<hbm>> -> memref<128xi32, #tpu.memory_space<hbm>>
    %dma_start3A_22 = tpu.memref_slice %arg3[%add3A_21] : memref<323584xi32, #tpu.memory_space<hbm>> -> memref<128xi32, #tpu.memory_space<hbm>>
    tpu.enqueue_dma source(%dma_start3A_22 : memref<128xi32, #tpu.memory_space<hbm>>) target(%arg6 : memref<128xi32, #tpu.memory_space<vmem>>) target_semaphore(%arg17 : memref<!tpu.dma_semaphore, #tpu.memory_space<semaphore_mem>>)
    %add3A_23 = arith.constant 0 : i32
    %add3A_24 = arith.addi %mul3A_2, %add3A_23 : i32
    %dma_start3A_25 = tpu.memref_slice %arg4[%add3A_24] : memref<323584xi32, #tpu.memory_space<hbm>> -> memref<128xi32, #tpu.memory_space<hbm>>
    %dma_start3A_26 = tpu.memref_slice %arg4[%add3A_24] : memref<323584xi32, #tpu.memory_space<hbm>> -> memref<128xi32, #tpu.memory_space<hbm>>
    tpu.enqueue_dma source(%dma_start3A_26 : memref<128xi32, #tpu.memory_space<hbm>>) target(%arg10 : memref<128xi32, #tpu.memory_space<vmem>>) target_semaphore(%arg17 : memref<!tpu.dma_semaphore, #tpu.memory_space<semaphore_mem>>)
    %add3A_27 = arith.constant 128 : i32
    %add3A_28 = arith.addi %mul3A_2, %add3A_27 : i32
    %dma_start3A_29 = tpu.memref_slice %arg3[%add3A_28] : memref<323584xi32, #tpu.memory_space<hbm>> -> memref<128xi32, #tpu.memory_space<hbm>>
    %dma_start3A_30 = tpu.memref_slice %arg3[%add3A_28] : memref<323584xi32, #tpu.memory_space<hbm>> -> memref<128xi32, #tpu.memory_space<hbm>>
    tpu.enqueue_dma source(%dma_start3A_30 : memref<128xi32, #tpu.memory_space<hbm>>) target(%arg7 : memref<128xi32, #tpu.memory_space<vmem>>) target_semaphore(%arg18 : memref<!tpu.dma_semaphore, #tpu.memory_space<semaphore_mem>>)
    %add3A_31 = arith.constant 128 : i32
    %add3A_32 = arith.addi %mul3A_2, %add3A_31 : i32
    %dma_start3A_33 = tpu.memref_slice %arg4[%add3A_32] : memref<323584xi32, #tpu.memory_space<hbm>> -> memref<128xi32, #tpu.memory_space<hbm>>
    %dma_start3A_34 = tpu.memref_slice %arg4[%add3A_32] : memref<323584xi32, #tpu.memory_space<hbm>> -> memref<128xi32, #tpu.memory_space<hbm>>
    tpu.enqueue_dma source(%dma_start3A_34 : memref<128xi32, #tpu.memory_space<hbm>>) target(%arg11 : memref<128xi32, #tpu.memory_space<vmem>>) target_semaphore(%arg18 : memref<!tpu.dma_semaphore, #tpu.memory_space<semaphore_mem>>)
    %add3A_35 = arith.constant 0 : i32
    %add3A_36 = arith.addi %mul3A_2, %add3A_35 : i32
    %dma_wait3A = tpu.memref_slice %arg3[%add3A_36] : memref<323584xi32, #tpu.memory_space<hbm>> -> memref<128xi32, #tpu.memory_space<hbm>>
    %dma_wait3A_37 = tpu.memref_slice %arg3[%add3A_36] : memref<323584xi32, #tpu.memory_space<hbm>> -> memref<128xi32, #tpu.memory_space<hbm>>
    tpu.wait_dma2 semaphore(%arg17 : memref<!tpu.dma_semaphore, #tpu.memory_space<semaphore_mem>>) src(%dma_wait3A_37 : memref<128xi32, #tpu.memory_space<hbm>>) dst(%arg6 : memref<128xi32, #tpu.memory_space<vmem>>)
    %add3A_38 = arith.constant 0 : i32
    %add3A_39 = arith.addi %mul3A_2, %add3A_38 : i32
    %dma_wait3A_40 = tpu.memref_slice %arg4[%add3A_39] : memref<323584xi32, #tpu.memory_space<hbm>> -> memref<128xi32, #tpu.memory_space<hbm>>
    %dma_wait3A_41 = tpu.memref_slice %arg4[%add3A_39] : memref<323584xi32, #tpu.memory_space<hbm>> -> memref<128xi32, #tpu.memory_space<hbm>>
    tpu.wait_dma2 semaphore(%arg17 : memref<!tpu.dma_semaphore, #tpu.memory_space<semaphore_mem>>) src(%dma_wait3A_41 : memref<128xi32, #tpu.memory_space<hbm>>) dst(%arg10 : memref<128xi32, #tpu.memory_space<vmem>>)
    %dma_start3A_42 = arith.constant 0 : i32
    %dma_start3A_43 = arith.constant 0 : i32
    %dma_start3A_44 = tpu.memref_slice %arg2[%dma_start3A_42, %dma_start3A_43] : memref<10000x128xf32, #tpu.memory_space<hbm>> -> memref<10000x128xf32, #tpu.memory_space<hbm>>
    tpu.enqueue_indirect_dma source(%dma_start3A_44 : memref<10000x128xf32, #tpu.memory_space<hbm>>) target(%arg14 : memref<128x128xf32, #tpu.memory_space<vmem>>) offsets(%arg6 : memref<128xi32, #tpu.memory_space<vmem>>) semaphore(%arg21 : memref<!tpu.dma_semaphore, #tpu.memory_space<semaphore_mem>>)
    %barrier3A = arith.constant 0 : index
    tpu.barrier barrier_id(%barrier3A)
    %add3A_45 = arith.constant 128 : i32
    %add3A_46 = arith.addi %mul3A_2, %add3A_45 : i32
    %dma_wait3A_47 = tpu.memref_slice %arg3[%add3A_46] : memref<323584xi32, #tpu.memory_space<hbm>> -> memref<128xi32, #tpu.memory_space<hbm>>
    %dma_wait3A_48 = tpu.memref_slice %arg3[%add3A_46] : memref<323584xi32, #tpu.memory_space<hbm>> -> memref<128xi32, #tpu.memory_space<hbm>>
    tpu.wait_dma2 semaphore(%arg18 : memref<!tpu.dma_semaphore, #tpu.memory_space<semaphore_mem>>) src(%dma_wait3A_48 : memref<128xi32, #tpu.memory_space<hbm>>) dst(%arg7 : memref<128xi32, #tpu.memory_space<vmem>>)
    %add3A_49 = arith.constant 128 : i32
    %add3A_50 = arith.addi %mul3A_2, %add3A_49 : i32
    %dma_wait3A_51 = tpu.memref_slice %arg4[%add3A_50] : memref<323584xi32, #tpu.memory_space<hbm>> -> memref<128xi32, #tpu.memory_space<hbm>>
    %dma_wait3A_52 = tpu.memref_slice %arg4[%add3A_50] : memref<323584xi32, #tpu.memory_space<hbm>> -> memref<128xi32, #tpu.memory_space<hbm>>
    tpu.wait_dma2 semaphore(%arg18 : memref<!tpu.dma_semaphore, #tpu.memory_space<semaphore_mem>>) src(%dma_wait3A_52 : memref<128xi32, #tpu.memory_space<hbm>>) dst(%arg11 : memref<128xi32, #tpu.memory_space<vmem>>)
    %dma_start3A_53 = arith.constant 0 : i32
    %dma_start3A_54 = arith.constant 0 : i32
    %dma_start3A_55 = tpu.memref_slice %arg2[%dma_start3A_53, %dma_start3A_54] : memref<10000x128xf32, #tpu.memory_space<hbm>> -> memref<10000x128xf32, #tpu.memory_space<hbm>>
    tpu.enqueue_indirect_dma source(%dma_start3A_55 : memref<10000x128xf32, #tpu.memory_space<hbm>>) target(%arg15 : memref<128x128xf32, #tpu.memory_space<vmem>>) offsets(%arg7 : memref<128xi32, #tpu.memory_space<vmem>>) semaphore(%arg22 : memref<!tpu.dma_semaphore, #tpu.memory_space<semaphore_mem>>)
    %add3A_56 = arith.constant 256 : i32
    %add3A_57 = arith.addi %mul3A_2, %add3A_56 : i32
    %dma_start3A_58 = tpu.memref_slice %arg3[%add3A_57] : memref<323584xi32, #tpu.memory_space<hbm>> -> memref<128xi32, #tpu.memory_space<hbm>>
    %dma_start3A_59 = tpu.memref_slice %arg3[%add3A_57] : memref<323584xi32, #tpu.memory_space<hbm>> -> memref<128xi32, #tpu.memory_space<hbm>>
    tpu.enqueue_dma source(%dma_start3A_59 : memref<128xi32, #tpu.memory_space<hbm>>) target(%arg8 : memref<128xi32, #tpu.memory_space<vmem>>) target_semaphore(%arg19 : memref<!tpu.dma_semaphore, #tpu.memory_space<semaphore_mem>>)
    %add3A_60 = arith.constant 256 : i32
    %add3A_61 = arith.addi %mul3A_2, %add3A_60 : i32
    %dma_start3A_62 = tpu.memref_slice %arg4[%add3A_61] : memref<323584xi32, #tpu.memory_space<hbm>> -> memref<128xi32, #tpu.memory_space<hbm>>
    %dma_start3A_63 = tpu.memref_slice %arg4[%add3A_61] : memref<323584xi32, #tpu.memory_space<hbm>> -> memref<128xi32, #tpu.memory_space<hbm>>
    tpu.enqueue_dma source(%dma_start3A_63 : memref<128xi32, #tpu.memory_space<hbm>>) target(%arg12 : memref<128xi32, #tpu.memory_space<vmem>>) target_semaphore(%arg19 : memref<!tpu.dma_semaphore, #tpu.memory_space<semaphore_mem>>)
    %dma_wait3A_64 = arith.constant 0 : i32
    %dma_wait3A_65 = arith.constant 0 : i32
    %dma_wait3A_66 = tpu.memref_slice %arg2[%dma_wait3A_64, %dma_wait3A_65] : memref<10000x128xf32, #tpu.memory_space<hbm>> -> memref<10000x128xf32, #tpu.memory_space<hbm>>
    tpu.wait_indirect_dma semaphore(%arg21 : memref<!tpu.dma_semaphore, #tpu.memory_space<semaphore_mem>>) src(%dma_wait3A_66 : memref<10000x128xf32, #tpu.memory_space<hbm>>) dst(%arg14 : memref<128x128xf32, #tpu.memory_space<vmem>>)
    %dma_start3A_67 = arith.constant 0 : i32
    %dma_start3A_68 = arith.constant 0 : i32
    %dma_start3A_69 = tpu.memref_slice %arg16[%dma_start3A_67, %dma_start3A_68] : memref<10112x128xf32, #tpu.memory_space<vmem_shared>> -> memref<10112x128xf32, #tpu.memory_space<vmem_shared>>
    tpu.enqueue_indirect_dma source(%arg14 : memref<128x128xf32, #tpu.memory_space<vmem>>) target(%dma_start3A_69 : memref<10112x128xf32, #tpu.memory_space<vmem_shared>>) offsets(%arg10 : memref<128xi32, #tpu.memory_space<vmem>>) semaphore(%arg23 : memref<!tpu.dma_semaphore, #tpu.memory_space<semaphore_mem>>) {add = true}
    %add3A_70 = arith.constant 256 : i32
    %add3A_71 = arith.addi %mul3A_2, %add3A_70 : i32
    %dma_wait3A_72 = tpu.memref_slice %arg3[%add3A_71] : memref<323584xi32, #tpu.memory_space<hbm>> -> memref<128xi32, #tpu.memory_space<hbm>>
    %dma_wait3A_73 = tpu.memref_slice %arg3[%add3A_71] : memref<323584xi32, #tpu.memory_space<hbm>> -> memref<128xi32, #tpu.memory_space<hbm>>
    tpu.wait_dma2 semaphore(%arg19 : memref<!tpu.dma_semaphore, #tpu.memory_space<semaphore_mem>>) src(%dma_wait3A_73 : memref<128xi32, #tpu.memory_space<hbm>>) dst(%arg8 : memref<128xi32, #tpu.memory_space<vmem>>)
    %add3A_74 = arith.constant 256 : i32
    %add3A_75 = arith.addi %mul3A_2, %add3A_74 : i32
    %dma_wait3A_76 = tpu.memref_slice %arg4[%add3A_75] : memref<323584xi32, #tpu.memory_space<hbm>> -> memref<128xi32, #tpu.memory_space<hbm>>
    %dma_wait3A_77 = tpu.memref_slice %arg4[%add3A_75] : memref<323584xi32, #tpu.memory_space<hbm>> -> memref<128xi32, #tpu.memory_space<hbm>>
    tpu.wait_dma2 semaphore(%arg19 : memref<!tpu.dma_semaphore, #tpu.memory_space<semaphore_mem>>) src(%dma_wait3A_77 : memref<128xi32, #tpu.memory_space<hbm>>) dst(%arg12 : memref<128xi32, #tpu.memory_space<vmem>>)
    %dma_wait3A_78 = arith.constant 0 : i32
    %dma_wait3A_79 = arith.constant 0 : i32
    %dma_wait3A_80 = tpu.memref_slice %arg16[%dma_wait3A_78, %dma_wait3A_79] : memref<10112x128xf32, #tpu.memory_space<vmem_shared>> -> memref<10112x128xf32, #tpu.memory_space<vmem_shared>>
    tpu.wait_indirect_dma semaphore(%arg23 : memref<!tpu.dma_semaphore, #tpu.memory_space<semaphore_mem>>) src(%arg14 : memref<128x128xf32, #tpu.memory_space<vmem>>) dst(%dma_wait3A_80 : memref<10112x128xf32, #tpu.memory_space<vmem_shared>>)
    %dma_start3A_81 = arith.constant 0 : i32
    %dma_start3A_82 = arith.constant 0 : i32
    %dma_start3A_83 = tpu.memref_slice %arg2[%dma_start3A_81, %dma_start3A_82] : memref<10000x128xf32, #tpu.memory_space<hbm>> -> memref<10000x128xf32, #tpu.memory_space<hbm>>
    tpu.enqueue_indirect_dma source(%dma_start3A_83 : memref<10000x128xf32, #tpu.memory_space<hbm>>) target(%arg14 : memref<128x128xf32, #tpu.memory_space<vmem>>) offsets(%arg8 : memref<128xi32, #tpu.memory_space<vmem>>) semaphore(%arg21 : memref<!tpu.dma_semaphore, #tpu.memory_space<semaphore_mem>>)
    %add3A_84 = arith.constant 384 : i32
    %add3A_85 = arith.addi %mul3A_2, %add3A_84 : i32
    %dma_start3A_86 = tpu.memref_slice %arg3[%add3A_85] : memref<323584xi32, #tpu.memory_space<hbm>> -> memref<128xi32, #tpu.memory_space<hbm>>
    %dma_start3A_87 = tpu.memref_slice %arg3[%add3A_85] : memref<323584xi32, #tpu.memory_space<hbm>> -> memref<128xi32, #tpu.memory_space<hbm>>
    tpu.enqueue_dma source(%dma_start3A_87 : memref<128xi32, #tpu.memory_space<hbm>>) target(%arg9 : memref<128xi32, #tpu.memory_space<vmem>>) target_semaphore(%arg20 : memref<!tpu.dma_semaphore, #tpu.memory_space<semaphore_mem>>)
    %add3A_88 = arith.constant 384 : i32
    %add3A_89 = arith.addi %mul3A_2, %add3A_88 : i32
    %dma_start3A_90 = tpu.memref_slice %arg4[%add3A_89] : memref<323584xi32, #tpu.memory_space<hbm>> -> memref<128xi32, #tpu.memory_space<hbm>>
    %dma_start3A_91 = tpu.memref_slice %arg4[%add3A_89] : memref<323584xi32, #tpu.memory_space<hbm>> -> memref<128xi32, #tpu.memory_space<hbm>>
    tpu.enqueue_dma source(%dma_start3A_91 : memref<128xi32, #tpu.memory_space<hbm>>) target(%arg13 : memref<128xi32, #tpu.memory_space<vmem>>) target_semaphore(%arg20 : memref<!tpu.dma_semaphore, #tpu.memory_space<semaphore_mem>>)
    %dma_wait3A_92 = arith.constant 0 : i32
    %dma_wait3A_93 = arith.constant 0 : i32
    %dma_wait3A_94 = tpu.memref_slice %arg2[%dma_wait3A_92, %dma_wait3A_93] : memref<10000x128xf32, #tpu.memory_space<hbm>> -> memref<10000x128xf32, #tpu.memory_space<hbm>>
    tpu.wait_indirect_dma semaphore(%arg22 : memref<!tpu.dma_semaphore, #tpu.memory_space<semaphore_mem>>) src(%dma_wait3A_94 : memref<10000x128xf32, #tpu.memory_space<hbm>>) dst(%arg15 : memref<128x128xf32, #tpu.memory_space<vmem>>)
    %dma_start3A_95 = arith.constant 0 : i32
    %dma_start3A_96 = arith.constant 0 : i32
    %dma_start3A_97 = tpu.memref_slice %arg16[%dma_start3A_95, %dma_start3A_96] : memref<10112x128xf32, #tpu.memory_space<vmem_shared>> -> memref<10112x128xf32, #tpu.memory_space<vmem_shared>>
    tpu.enqueue_indirect_dma source(%arg15 : memref<128x128xf32, #tpu.memory_space<vmem>>) target(%dma_start3A_97 : memref<10112x128xf32, #tpu.memory_space<vmem_shared>>) offsets(%arg11 : memref<128xi32, #tpu.memory_space<vmem>>) semaphore(%arg24 : memref<!tpu.dma_semaphore, #tpu.memory_space<semaphore_mem>>) {add = true}
    %add3A_98 = arith.constant 384 : i32
    %add3A_99 = arith.addi %mul3A_2, %add3A_98 : i32
    %dma_wait3A_100 = tpu.memref_slice %arg3[%add3A_99] : memref<323584xi32, #tpu.memory_space<hbm>> -> memref<128xi32, #tpu.memory_space<hbm>>
    %dma_wait3A_101 = tpu.memref_slice %arg3[%add3A_99] : memref<323584xi32, #tpu.memory_space<hbm>> -> memref<128xi32, #tpu.memory_space<hbm>>
    tpu.wait_dma2 semaphore(%arg20 : memref<!tpu.dma_semaphore, #tpu.memory_space<semaphore_mem>>) src(%dma_wait3A_101 : memref<128xi32, #tpu.memory_space<hbm>>) dst(%arg9 : memref<128xi32, #tpu.memory_space<vmem>>)
    %add3A_102 = arith.constant 384 : i32
    %add3A_103 = arith.addi %mul3A_2, %add3A_102 : i32
    %dma_wait3A_104 = tpu.memref_slice %arg4[%add3A_103] : memref<323584xi32, #tpu.memory_space<hbm>> -> memref<128xi32, #tpu.memory_space<hbm>>
    %dma_wait3A_105 = tpu.memref_slice %arg4[%add3A_103] : memref<323584xi32, #tpu.memory_space<hbm>> -> memref<128xi32, #tpu.memory_space<hbm>>
    tpu.wait_dma2 semaphore(%arg20 : memref<!tpu.dma_semaphore, #tpu.memory_space<semaphore_mem>>) src(%dma_wait3A_105 : memref<128xi32, #tpu.memory_space<hbm>>) dst(%arg13 : memref<128xi32, #tpu.memory_space<vmem>>)
    %dma_wait3A_106 = arith.constant 0 : i32
    %dma_wait3A_107 = arith.constant 0 : i32
    %dma_wait3A_108 = tpu.memref_slice %arg16[%dma_wait3A_106, %dma_wait3A_107] : memref<10112x128xf32, #tpu.memory_space<vmem_shared>> -> memref<10112x128xf32, #tpu.memory_space<vmem_shared>>
    tpu.wait_indirect_dma semaphore(%arg24 : memref<!tpu.dma_semaphore, #tpu.memory_space<semaphore_mem>>) src(%arg15 : memref<128x128xf32, #tpu.memory_space<vmem>>) dst(%dma_wait3A_108 : memref<10112x128xf32, #tpu.memory_space<vmem_shared>>)
    %dma_start3A_109 = arith.constant 0 : i32
    %dma_start3A_110 = arith.constant 0 : i32
    %dma_start3A_111 = tpu.memref_slice %arg2[%dma_start3A_109, %dma_start3A_110] : memref<10000x128xf32, #tpu.memory_space<hbm>> -> memref<10000x128xf32, #tpu.memory_space<hbm>>
    tpu.enqueue_indirect_dma source(%dma_start3A_111 : memref<10000x128xf32, #tpu.memory_space<hbm>>) target(%arg15 : memref<128x128xf32, #tpu.memory_space<vmem>>) offsets(%arg9 : memref<128xi32, #tpu.memory_space<vmem>>) semaphore(%arg22 : memref<!tpu.dma_semaphore, #tpu.memory_space<semaphore_mem>>)
    %add3A_112 = arith.constant 512 : i32
    %add3A_113 = arith.addi %mul3A_2, %add3A_112 : i32
    %dma_start3A_114 = tpu.memref_slice %arg3[%add3A_113] : memref<323584xi32, #tpu.memory_space<hbm>> -> memref<128xi32, #tpu.memory_space<hbm>>
    %dma_start3A_115 = tpu.memref_slice %arg3[%add3A_113] : memref<323584xi32, #tpu.memory_space<hbm>> -> memref<128xi32, #tpu.memory_space<hbm>>
    tpu.enqueue_dma source(%dma_start3A_115 : memref<128xi32, #tpu.memory_space<hbm>>) target(%arg6 : memref<128xi32, #tpu.memory_space<vmem>>) target_semaphore(%arg17 : memref<!tpu.dma_semaphore, #tpu.memory_space<semaphore_mem>>)
    %add3A_116 = arith.constant 512 : i32
    %add3A_117 = arith.addi %mul3A_2, %add3A_116 : i32
    %dma_start3A_118 = tpu.memref_slice %arg4[%add3A_117] : memref<323584xi32, #tpu.memory_space<hbm>> -> memref<128xi32, #tpu.memory_space<hbm>>
    %dma_start3A_119 = tpu.memref_slice %arg4[%add3A_117] : memref<323584xi32, #tpu.memory_space<hbm>> -> memref<128xi32, #tpu.memory_space<hbm>>
    tpu.enqueue_dma source(%dma_start3A_119 : memref<128xi32, #tpu.memory_space<hbm>>) target(%arg10 : memref<128xi32, #tpu.memory_space<vmem>>) target_semaphore(%arg17 : memref<!tpu.dma_semaphore, #tpu.memory_space<semaphore_mem>>)
    %dma_wait3A_120 = arith.constant 0 : i32
    %dma_wait3A_121 = arith.constant 0 : i32
    %dma_wait3A_122 = tpu.memref_slice %arg2[%dma_wait3A_120, %dma_wait3A_121] : memref<10000x128xf32, #tpu.memory_space<hbm>> -> memref<10000x128xf32, #tpu.memory_space<hbm>>
    tpu.wait_indirect_dma semaphore(%arg21 : memref<!tpu.dma_semaphore, #tpu.memory_space<semaphore_mem>>) src(%dma_wait3A_122 : memref<10000x128xf32, #tpu.memory_space<hbm>>) dst(%arg14 : memref<128x128xf32, #tpu.memory_space<vmem>>)
    %dma_start3A_123 = arith.constant 0 : i32
    %dma_start3A_124 = arith.constant 0 : i32
    %dma_start3A_125 = tpu.memref_slice %arg16[%dma_start3A_123, %dma_start3A_124] : memref<10112x128xf32, #tpu.memory_space<vmem_shared>> -> memref<10112x128xf32, #tpu.memory_space<vmem_shared>>
    tpu.enqueue_indirect_dma source(%arg14 : memref<128x128xf32, #tpu.memory_space<vmem>>) target(%dma_start3A_125 : memref<10112x128xf32, #tpu.memory_space<vmem_shared>>) offsets(%arg12 : memref<128xi32, #tpu.memory_space<vmem>>) semaphore(%arg23 : memref<!tpu.dma_semaphore, #tpu.memory_space<semaphore_mem>>) {add = true}
    %add3A_126 = arith.constant 512 : i32
    %add3A_127 = arith.addi %mul3A_2, %add3A_126 : i32
    %dma_wait3A_128 = tpu.memref_slice %arg3[%add3A_127] : memref<323584xi32, #tpu.memory_space<hbm>> -> memref<128xi32, #tpu.memory_space<hbm>>
    %dma_wait3A_129 = tpu.memref_slice %arg3[%add3A_127] : memref<323584xi32, #tpu.memory_space<hbm>> -> memref<128xi32, #tpu.memory_space<hbm>>
    tpu.wait_dma2 semaphore(%arg17 : memref<!tpu.dma_semaphore, #tpu.memory_space<semaphore_mem>>) src(%dma_wait3A_129 : memref<128xi32, #tpu.memory_space<hbm>>) dst(%arg6 : memref<128xi32, #tpu.memory_space<vmem>>)
    %add3A_130 = arith.constant 512 : i32
    %add3A_131 = arith.addi %mul3A_2, %add3A_130 : i32
    %dma_wait3A_132 = tpu.memref_slice %arg4[%add3A_131] : memref<323584xi32, #tpu.memory_space<hbm>> -> memref<128xi32, #tpu.memory_space<hbm>>
    %dma_wait3A_133 = tpu.memref_slice %arg4[%add3A_131] : memref<323584xi32, #tpu.memory_space<hbm>> -> memref<128xi32, #tpu.memory_space<hbm>>
    tpu.wait_dma2 semaphore(%arg17 : memref<!tpu.dma_semaphore, #tpu.memory_space<semaphore_mem>>) src(%dma_wait3A_133 : memref<128xi32, #tpu.memory_space<hbm>>) dst(%arg10 : memref<128xi32, #tpu.memory_space<vmem>>)
    %dma_wait3A_134 = arith.constant 0 : i32
    %dma_wait3A_135 = arith.constant 0 : i32
    %dma_wait3A_136 = tpu.memref_slice %arg16[%dma_wait3A_134, %dma_wait3A_135] : memref<10112x128xf32, #tpu.memory_space<vmem_shared>> -> memref<10112x128xf32, #tpu.memory_space<vmem_shared>>
    tpu.wait_indirect_dma semaphore(%arg23 : memref<!tpu.dma_semaphore, #tpu.memory_space<semaphore_mem>>) src(%arg14 : memref<128x128xf32, #tpu.memory_space<vmem>>) dst(%dma_wait3A_136 : memref<10112x128xf32, #tpu.memory_space<vmem_shared>>)
    %dma_start3A_137 = arith.constant 0 : i32
    %dma_start3A_138 = arith.constant 0 : i32
    %dma_start3A_139 = tpu.memref_slice %arg2[%dma_start3A_137, %dma_start3A_138] : memref<10000x128xf32, #tpu.memory_space<hbm>> -> memref<10000x128xf32, #tpu.memory_space<hbm>>
    tpu.enqueue_indirect_dma source(%dma_start3A_139 : memref<10000x128xf32, #tpu.memory_space<hbm>>) target(%arg14 : memref<128x128xf32, #tpu.memory_space<vmem>>) offsets(%arg6 : memref<128xi32, #tpu.memory_space<vmem>>) semaphore(%arg21 : memref<!tpu.dma_semaphore, #tpu.memory_space<semaphore_mem>>)
    %add3A_140 = arith.constant 640 : i32
    %add3A_141 = arith.addi %mul3A_2, %add3A_140 : i32
    %dma_start3A_142 = tpu.memref_slice %arg3[%add3A_141] : memref<323584xi32, #tpu.memory_space<hbm>> -> memref<128xi32, #tpu.memory_space<hbm>>
    %dma_start3A_143 = tpu.memref_slice %arg3[%add3A_141] : memref<323584xi32, #tpu.memory_space<hbm>> -> memref<128xi32, #tpu.memory_space<hbm>>
    tpu.enqueue_dma source(%dma_start3A_143 : memref<128xi32, #tpu.memory_space<hbm>>) target(%arg7 : memref<128xi32, #tpu.memory_space<vmem>>) target_semaphore(%arg18 : memref<!tpu.dma_semaphore, #tpu.memory_space<semaphore_mem>>)
    %add3A_144 = arith.constant 640 : i32
    %add3A_145 = arith.addi %mul3A_2, %add3A_144 : i32
    %dma_start3A_146 = tpu.memref_slice %arg4[%add3A_145] : memref<323584xi32, #tpu.memory_space<hbm>> -> memref<128xi32, #tpu.memory_space<hbm>>
    %dma_start3A_147 = tpu.memref_slice %arg4[%add3A_145] : memref<323584xi32, #tpu.memory_space<hbm>> -> memref<128xi32, #tpu.memory_space<hbm>>
    tpu.enqueue_dma source(%dma_start3A_147 : memref<128xi32, #tpu.memory_space<hbm>>) target(%arg11 : memref<128xi32, #tpu.memory_space<vmem>>) target_semaphore(%arg18 : memref<!tpu.dma_semaphore, #tpu.memory_space<semaphore_mem>>)
    %dma_wait3A_148 = arith.constant 0 : i32
    %dma_wait3A_149 = arith.constant 0 : i32
    %dma_wait3A_150 = tpu.memref_slice %arg2[%dma_wait3A_148, %dma_wait3A_149] : memref<10000x128xf32, #tpu.memory_space<hbm>> -> memref<10000x128xf32, #tpu.memory_space<hbm>>
    tpu.wait_indirect_dma semaphore(%arg22 : memref<!tpu.dma_semaphore, #tpu.memory_space<semaphore_mem>>) src(%dma_wait3A_150 : memref<10000x128xf32, #tpu.memory_space<hbm>>) dst(%arg15 : memref<128x128xf32, #tpu.memory_space<vmem>>)
    %dma_start3A_151 = arith.constant 0 : i32
    %dma_start3A_152 = arith.constant 0 : i32
    %dma_start3A_153 = tpu.memref_slice %arg16[%dma_start3A_151, %dma_start3A_152] : memref<10112x128xf32, #tpu.memory_space<vmem_shared>> -> memref<10112x128xf32, #tpu.memory_space<vmem_shared>>
    tpu.enqueue_indirect_dma source(%arg15 : memref<128x128xf32, #tpu.memory_space<vmem>>) target(%dma_start3A_153 : memref<10112x128xf32, #tpu.memory_space<vmem_shared>>) offsets(%arg13 : memref<128xi32, #tpu.memory_space<vmem>>) semaphore(%arg24 : memref<!tpu.dma_semaphore, #tpu.memory_space<semaphore_mem>>) {add = true}
    %scan3A_154 = arith.constant 0 : i32
    %scan3A_155 = arith.constant 1 : i32
    %scan3A_156 = arith.constant 18 : i32
    %scan3A_157 = arith.addi %scan3A_155, %scan3A_156 : i32
    %scan3A_158 = arith.constant 1 : i32
    %scan3A_159 = scf.for %scan3A_229 = %scan3A_155 to %scan3A_157 step %scan3A_158 iter_args(%scan3A_230 = %scan3A_154) -> (i32)  : i32 {
      %mul3A_231 = arith.constant 4 : i32
      %mul3A_232 = arith.muli %mul3A_231, %scan3A_229 : i32
      %add3A_233 = arith.constant 0 : i32
      %add3A_234 = arith.addi %mul3A_232, %add3A_233 : i32
      %add3A_235 = arith.constant 1 : i32
      %add3A_236 = arith.addi %add3A_234, %add3A_235 : i32
      %mul3A_237 = arith.constant 128 : i32
      %mul3A_238 = arith.muli %add3A_236, %mul3A_237 : i32
      %add3A_239 = arith.addi %mul3A_2, %mul3A_238 : i32
      %dma_wait3A_240 = tpu.memref_slice %arg3[%add3A_239] : memref<323584xi32, #tpu.memory_space<hbm>> -> memref<128xi32, #tpu.memory_space<hbm>>
      %dma_wait3A_241 = tpu.memref_slice %arg3[%add3A_239] : memref<323584xi32, #tpu.memory_space<hbm>> -> memref<128xi32, #tpu.memory_space<hbm>>
      tpu.wait_dma2 semaphore(%arg18 : memref<!tpu.dma_semaphore, #tpu.memory_space<semaphore_mem>>) src(%dma_wait3A_241 : memref<128xi32, #tpu.memory_space<hbm>>) dst(%arg7 : memref<128xi32, #tpu.memory_space<vmem>>)
      %mul3A_242 = arith.constant 128 : i32
      %mul3A_243 = arith.muli %add3A_236, %mul3A_242 : i32
      %add3A_244 = arith.addi %mul3A_2, %mul3A_243 : i32
      %dma_wait3A_245 = tpu.memref_slice %arg4[%add3A_244] : memref<323584xi32, #tpu.memory_space<hbm>> -> memref<128xi32, #tpu.memory_space<hbm>>
      %dma_wait3A_246 = tpu.memref_slice %arg4[%add3A_244] : memref<323584xi32, #tpu.memory_space<hbm>> -> memref<128xi32, #tpu.memory_space<hbm>>
      tpu.wait_dma2 semaphore(%arg18 : memref<!tpu.dma_semaphore, #tpu.memory_space<semaphore_mem>>) src(%dma_wait3A_246 : memref<128xi32, #tpu.memory_space<hbm>>) dst(%arg11 : memref<128xi32, #tpu.memory_space<vmem>>)
      %dma_wait3A_247 = arith.constant 0 : i32
      %dma_wait3A_248 = arith.constant 0 : i32
      %dma_wait3A_249 = tpu.memref_slice %arg16[%dma_wait3A_247, %dma_wait3A_248] : memref<10112x128xf32, #tpu.memory_space<vmem_shared>> -> memref<10112x128xf32, #tpu.memory_space<vmem_shared>>
      tpu.wait_indirect_dma semaphore(%arg24 : memref<!tpu.dma_semaphore, #tpu.memory_space<semaphore_mem>>) src(%arg15 : memref<128x128xf32, #tpu.memory_space<vmem>>) dst(%dma_wait3A_249 : memref<10112x128xf32, #tpu.memory_space<vmem_shared>>)
      %dma_start3A_250 = arith.constant 0 : i32
      %dma_start3A_251 = arith.constant 0 : i32
      %dma_start3A_252 = tpu.memref_slice %arg2[%dma_start3A_250, %dma_start3A_251] : memref<10000x128xf32, #tpu.memory_space<hbm>> -> memref<10000x128xf32, #tpu.memory_space<hbm>>
      tpu.enqueue_indirect_dma source(%dma_start3A_252 : memref<10000x128xf32, #tpu.memory_space<hbm>>) target(%arg15 : memref<128x128xf32, #tpu.memory_space<vmem>>) offsets(%arg7 : memref<128xi32, #tpu.memory_space<vmem>>) semaphore(%arg22 : memref<!tpu.dma_semaphore, #tpu.memory_space<semaphore_mem>>)
      %add3A_253 = arith.constant 2 : i32
      %add3A_254 = arith.addi %add3A_234, %add3A_253 : i32
      %mul3A_255 = arith.constant 128 : i32
      %mul3A_256 = arith.muli %add3A_254, %mul3A_255 : i32
      %add3A_257 = arith.addi %mul3A_2, %mul3A_256 : i32
      %dma_start3A_258 = tpu.memref_slice %arg3[%add3A_257] : memref<323584xi32, #tpu.memory_space<hbm>> -> memref<128xi32, #tpu.memory_space<hbm>>
      %dma_start3A_259 = tpu.memref_slice %arg3[%add3A_257] : memref<323584xi32, #tpu.memory_space<hbm>> -> memref<128xi32, #tpu.memory_space<hbm>>
      tpu.enqueue_dma source(%dma_start3A_259 : memref<128xi32, #tpu.memory_space<hbm>>) target(%arg8 : memref<128xi32, #tpu.memory_space<vmem>>) target_semaphore(%arg19 : memref<!tpu.dma_semaphore, #tpu.memory_space<semaphore_mem>>)
      %mul3A_260 = arith.constant 128 : i32
      %mul3A_261 = arith.muli %add3A_254, %mul3A_260 : i32
      %add3A_262 = arith.addi %mul3A_2, %mul3A_261 : i32
      %dma_start3A_263 = tpu.memref_slice %arg4[%add3A_262] : memref<323584xi32, #tpu.memory_space<hbm>> -> memref<128xi32, #tpu.memory_space<hbm>>
      %dma_start3A_264 = tpu.memref_slice %arg4[%add3A_262] : memref<323584xi32, #tpu.memory_space<hbm>> -> memref<128xi32, #tpu.memory_space<hbm>>
      tpu.enqueue_dma source(%dma_start3A_264 : memref<128xi32, #tpu.memory_space<hbm>>) target(%arg12 : memref<128xi32, #tpu.memory_space<vmem>>) target_semaphore(%arg19 : memref<!tpu.dma_semaphore, #tpu.memory_space<semaphore_mem>>)
      %dma_wait3A_265 = arith.constant 0 : i32
      %dma_wait3A_266 = arith.constant 0 : i32
      %dma_wait3A_267 = tpu.memref_slice %arg2[%dma_wait3A_265, %dma_wait3A_266] : memref<10000x128xf32, #tpu.memory_space<hbm>> -> memref<10000x128xf32, #tpu.memory_space<hbm>>
      tpu.wait_indirect_dma semaphore(%arg21 : memref<!tpu.dma_semaphore, #tpu.memory_space<semaphore_mem>>) src(%dma_wait3A_267 : memref<10000x128xf32, #tpu.memory_space<hbm>>) dst(%arg14 : memref<128x128xf32, #tpu.memory_space<vmem>>)
      %dma_start3A_268 = arith.constant 0 : i32
      %dma_start3A_269 = arith.constant 0 : i32
      %dma_start3A_270 = tpu.memref_slice %arg16[%dma_start3A_268, %dma_start3A_269] : memref<10112x128xf32, #tpu.memory_space<vmem_shared>> -> memref<10112x128xf32, #tpu.memory_space<vmem_shared>>
      tpu.enqueue_indirect_dma source(%arg14 : memref<128x128xf32, #tpu.memory_space<vmem>>) target(%dma_start3A_270 : memref<10112x128xf32, #tpu.memory_space<vmem_shared>>) offsets(%arg10 : memref<128xi32, #tpu.memory_space<vmem>>) semaphore(%arg23 : memref<!tpu.dma_semaphore, #tpu.memory_space<semaphore_mem>>) {add = true}
      %add3A_271 = arith.constant 1 : i32
      %add3A_272 = arith.addi %mul3A_232, %add3A_271 : i32
      %add3A_273 = arith.constant 1 : i32
      %add3A_274 = arith.addi %add3A_272, %add3A_273 : i32
      %mul3A_275 = arith.constant 128 : i32
      %mul3A_276 = arith.muli %add3A_274, %mul3A_275 : i32
      %add3A_277 = arith.addi %mul3A_2, %mul3A_276 : i32
      %dma_wait3A_278 = tpu.memref_slice %arg3[%add3A_277] : memref<323584xi32, #tpu.memory_space<hbm>> -> memref<128xi32, #tpu.memory_space<hbm>>
      %dma_wait3A_279 = tpu.memref_slice %arg3[%add3A_277] : memref<323584xi32, #tpu.memory_space<hbm>> -> memref<128xi32, #tpu.memory_space<hbm>>
      tpu.wait_dma2 semaphore(%arg19 : memref<!tpu.dma_semaphore, #tpu.memory_space<semaphore_mem>>) src(%dma_wait3A_279 : memref<128xi32, #tpu.memory_space<hbm>>) dst(%arg8 : memref<128xi32, #tpu.memory_space<vmem>>)
      %mul3A_280 = arith.constant 128 : i32
      %mul3A_281 = arith.muli %add3A_274, %mul3A_280 : i32
      %add3A_282 = arith.addi %mul3A_2, %mul3A_281 : i32
      %dma_wait3A_283 = tpu.memref_slice %arg4[%add3A_282] : memref<323584xi32, #tpu.memory_space<hbm>> -> memref<128xi32, #tpu.memory_space<hbm>>
      %dma_wait3A_284 = tpu.memref_slice %arg4[%add3A_282] : memref<323584xi32, #tpu.memory_space<hbm>> -> memref<128xi32, #tpu.memory_space<hbm>>
      tpu.wait_dma2 semaphore(%arg19 : memref<!tpu.dma_semaphore, #tpu.memory_space<semaphore_mem>>) src(%dma_wait3A_284 : memref<128xi32, #tpu.memory_space<hbm>>) dst(%arg12 : memref<128xi32, #tpu.memory_space<vmem>>)
      %dma_wait3A_285 = arith.constant 0 : i32
      %dma_wait3A_286 = arith.constant 0 : i32
      %dma_wait3A_287 = tpu.memref_slice %arg16[%dma_wait3A_285, %dma_wait3A_286] : memref<10112x128xf32, #tpu.memory_space<vmem_shared>> -> memref<10112x128xf32, #tpu.memory_space<vmem_shared>>
      tpu.wait_indirect_dma semaphore(%arg23 : memref<!tpu.dma_semaphore, #tpu.memory_space<semaphore_mem>>) src(%arg14 : memref<128x128xf32, #tpu.memory_space<vmem>>) dst(%dma_wait3A_287 : memref<10112x128xf32, #tpu.memory_space<vmem_shared>>)
      %dma_start3A_288 = arith.constant 0 : i32
      %dma_start3A_289 = arith.constant 0 : i32
      %dma_start3A_290 = tpu.memref_slice %arg2[%dma_start3A_288, %dma_start3A_289] : memref<10000x128xf32, #tpu.memory_space<hbm>> -> memref<10000x128xf32, #tpu.memory_space<hbm>>
      tpu.enqueue_indirect_dma source(%dma_start3A_290 : memref<10000x128xf32, #tpu.memory_space<hbm>>) target(%arg14 : memref<128x128xf32, #tpu.memory_space<vmem>>) offsets(%arg8 : memref<128xi32, #tpu.memory_space<vmem>>) semaphore(%arg21 : memref<!tpu.dma_semaphore, #tpu.memory_space<semaphore_mem>>)
      %add3A_291 = arith.constant 2 : i32
      %add3A_292 = arith.addi %add3A_272, %add3A_291 : i32
      %mul3A_293 = arith.constant 128 : i32
      %mul3A_294 = arith.muli %add3A_292, %mul3A_293 : i32
      %add3A_295 = arith.addi %mul3A_2, %mul3A_294 : i32
      %dma_start3A_296 = tpu.memref_slice %arg3[%add3A_295] : memref<323584xi32, #tpu.memory_space<hbm>> -> memref<128xi32, #tpu.memory_space<hbm>>
      %dma_start3A_297 = tpu.memref_slice %arg3[%add3A_295] : memref<323584xi32, #tpu.memory_space<hbm>> -> memref<128xi32, #tpu.memory_space<hbm>>
      tpu.enqueue_dma source(%dma_start3A_297 : memref<128xi32, #tpu.memory_space<hbm>>) target(%arg9 : memref<128xi32, #tpu.memory_space<vmem>>) target_semaphore(%arg20 : memref<!tpu.dma_semaphore, #tpu.memory_space<semaphore_mem>>)
      %mul3A_298 = arith.constant 128 : i32
      %mul3A_299 = arith.muli %add3A_292, %mul3A_298 : i32
      %add3A_300 = arith.addi %mul3A_2, %mul3A_299 : i32
      %dma_start3A_301 = tpu.memref_slice %arg4[%add3A_300] : memref<323584xi32, #tpu.memory_space<hbm>> -> memref<128xi32, #tpu.memory_space<hbm>>
      %dma_start3A_302 = tpu.memref_slice %arg4[%add3A_300] : memref<323584xi32, #tpu.memory_space<hbm>> -> memref<128xi32, #tpu.memory_space<hbm>>
      tpu.enqueue_dma source(%dma_start3A_302 : memref<128xi32, #tpu.memory_space<hbm>>) target(%arg13 : memref<128xi32, #tpu.memory_space<vmem>>) target_semaphore(%arg20 : memref<!tpu.dma_semaphore, #tpu.memory_space<semaphore_mem>>)
      %dma_wait3A_303 = arith.constant 0 : i32
      %dma_wait3A_304 = arith.constant 0 : i32
      %dma_wait3A_305 = tpu.memref_slice %arg2[%dma_wait3A_303, %dma_wait3A_304] : memref<10000x128xf32, #tpu.memory_space<hbm>> -> memref<10000x128xf32, #tpu.memory_space<hbm>>
      tpu.wait_indirect_dma semaphore(%arg22 : memref<!tpu.dma_semaphore, #tpu.memory_space<semaphore_mem>>) src(%dma_wait3A_305 : memref<10000x128xf32, #tpu.memory_space<hbm>>) dst(%arg15 : memref<128x128xf32, #tpu.memory_space<vmem>>)
      %dma_start3A_306 = arith.constant 0 : i32
      %dma_start3A_307 = arith.constant 0 : i32
      %dma_start3A_308 = tpu.memref_slice %arg16[%dma_start3A_306, %dma_start3A_307] : memref<10112x128xf32, #tpu.memory_space<vmem_shared>> -> memref<10112x128xf32, #tpu.memory_space<vmem_shared>>
      tpu.enqueue_indirect_dma source(%arg15 : memref<128x128xf32, #tpu.memory_space<vmem>>) target(%dma_start3A_308 : memref<10112x128xf32, #tpu.memory_space<vmem_shared>>) offsets(%arg11 : memref<128xi32, #tpu.memory_space<vmem>>) semaphore(%arg24 : memref<!tpu.dma_semaphore, #tpu.memory_space<semaphore_mem>>) {add = true}
      %add3A_309 = arith.constant 2 : i32
      %add3A_310 = arith.addi %mul3A_232, %add3A_309 : i32
      %add3A_311 = arith.constant 1 : i32
      %add3A_312 = arith.addi %add3A_310, %add3A_311 : i32
      %mul3A_313 = arith.constant 128 : i32
      %mul3A_314 = arith.muli %add3A_312, %mul3A_313 : i32
      %add3A_315 = arith.addi %mul3A_2, %mul3A_314 : i32
      %dma_wait3A_316 = tpu.memref_slice %arg3[%add3A_315] : memref<323584xi32, #tpu.memory_space<hbm>> -> memref<128xi32, #tpu.memory_space<hbm>>
      %dma_wait3A_317 = tpu.memref_slice %arg3[%add3A_315] : memref<323584xi32, #tpu.memory_space<hbm>> -> memref<128xi32, #tpu.memory_space<hbm>>
      tpu.wait_dma2 semaphore(%arg20 : memref<!tpu.dma_semaphore, #tpu.memory_space<semaphore_mem>>) src(%dma_wait3A_317 : memref<128xi32, #tpu.memory_space<hbm>>) dst(%arg9 : memref<128xi32, #tpu.memory_space<vmem>>)
      %mul3A_318 = arith.constant 128 : i32
      %mul3A_319 = arith.muli %add3A_312, %mul3A_318 : i32
      %add3A_320 = arith.addi %mul3A_2, %mul3A_319 : i32
      %dma_wait3A_321 = tpu.memref_slice %arg4[%add3A_320] : memref<323584xi32, #tpu.memory_space<hbm>> -> memref<128xi32, #tpu.memory_space<hbm>>
      %dma_wait3A_322 = tpu.memref_slice %arg4[%add3A_320] : memref<323584xi32, #tpu.memory_space<hbm>> -> memref<128xi32, #tpu.memory_space<hbm>>
      tpu.wait_dma2 semaphore(%arg20 : memref<!tpu.dma_semaphore, #tpu.memory_space<semaphore_mem>>) src(%dma_wait3A_322 : memref<128xi32, #tpu.memory_space<hbm>>) dst(%arg13 : memref<128xi32, #tpu.memory_space<vmem>>)
      %dma_wait3A_323 = arith.constant 0 : i32
      %dma_wait3A_324 = arith.constant 0 : i32
      %dma_wait3A_325 = tpu.memref_slice %arg16[%dma_wait3A_323, %dma_wait3A_324] : memref<10112x128xf32, #tpu.memory_space<vmem_shared>> -> memref<10112x128xf32, #tpu.memory_space<vmem_shared>>
      tpu.wait_indirect_dma semaphore(%arg24 : memref<!tpu.dma_semaphore, #tpu.memory_space<semaphore_mem>>) src(%arg15 : memref<128x128xf32, #tpu.memory_space<vmem>>) dst(%dma_wait3A_325 : memref<10112x128xf32, #tpu.memory_space<vmem_shared>>)
      %dma_start3A_326 = arith.constant 0 : i32
      %dma_start3A_327 = arith.constant 0 : i32
      %dma_start3A_328 = tpu.memref_slice %arg2[%dma_start3A_326, %dma_start3A_327] : memref<10000x128xf32, #tpu.memory_space<hbm>> -> memref<10000x128xf32, #tpu.memory_space<hbm>>
      tpu.enqueue_indirect_dma source(%dma_start3A_328 : memref<10000x128xf32, #tpu.memory_space<hbm>>) target(%arg15 : memref<128x128xf32, #tpu.memory_space<vmem>>) offsets(%arg9 : memref<128xi32, #tpu.memory_space<vmem>>) semaphore(%arg22 : memref<!tpu.dma_semaphore, #tpu.memory_space<semaphore_mem>>)
      %add3A_329 = arith.constant 2 : i32
      %add3A_330 = arith.addi %add3A_310, %add3A_329 : i32
      %mul3A_331 = arith.constant 128 : i32
      %mul3A_332 = arith.muli %add3A_330, %mul3A_331 : i32
      %add3A_333 = arith.addi %mul3A_2, %mul3A_332 : i32
      %dma_start3A_334 = tpu.memref_slice %arg3[%add3A_333] : memref<323584xi32, #tpu.memory_space<hbm>> -> memref<128xi32, #tpu.memory_space<hbm>>
      %dma_start3A_335 = tpu.memref_slice %arg3[%add3A_333] : memref<323584xi32, #tpu.memory_space<hbm>> -> memref<128xi32, #tpu.memory_space<hbm>>
      tpu.enqueue_dma source(%dma_start3A_335 : memref<128xi32, #tpu.memory_space<hbm>>) target(%arg6 : memref<128xi32, #tpu.memory_space<vmem>>) target_semaphore(%arg17 : memref<!tpu.dma_semaphore, #tpu.memory_space<semaphore_mem>>)
      %mul3A_336 = arith.constant 128 : i32
      %mul3A_337 = arith.muli %add3A_330, %mul3A_336 : i32
      %add3A_338 = arith.addi %mul3A_2, %mul3A_337 : i32
      %dma_start3A_339 = tpu.memref_slice %arg4[%add3A_338] : memref<323584xi32, #tpu.memory_space<hbm>> -> memref<128xi32, #tpu.memory_space<hbm>>
      %dma_start3A_340 = tpu.memref_slice %arg4[%add3A_338] : memref<323584xi32, #tpu.memory_space<hbm>> -> memref<128xi32, #tpu.memory_space<hbm>>
      tpu.enqueue_dma source(%dma_start3A_340 : memref<128xi32, #tpu.memory_space<hbm>>) target(%arg10 : memref<128xi32, #tpu.memory_space<vmem>>) target_semaphore(%arg17 : memref<!tpu.dma_semaphore, #tpu.memory_space<semaphore_mem>>)
      %dma_wait3A_341 = arith.constant 0 : i32
      %dma_wait3A_342 = arith.constant 0 : i32
      %dma_wait3A_343 = tpu.memref_slice %arg2[%dma_wait3A_341, %dma_wait3A_342] : memref<10000x128xf32, #tpu.memory_space<hbm>> -> memref<10000x128xf32, #tpu.memory_space<hbm>>
      tpu.wait_indirect_dma semaphore(%arg21 : memref<!tpu.dma_semaphore, #tpu.memory_space<semaphore_mem>>) src(%dma_wait3A_343 : memref<10000x128xf32, #tpu.memory_space<hbm>>) dst(%arg14 : memref<128x128xf32, #tpu.memory_space<vmem>>)
      %dma_start3A_344 = arith.constant 0 : i32
      %dma_start3A_345 = arith.constant 0 : i32
      %dma_start3A_346 = tpu.memref_slice %arg16[%dma_start3A_344, %dma_start3A_345] : memref<10112x128xf32, #tpu.memory_space<vmem_shared>> -> memref<10112x128xf32, #tpu.memory_space<vmem_shared>>
      tpu.enqueue_indirect_dma source(%arg14 : memref<128x128xf32, #tpu.memory_space<vmem>>) target(%dma_start3A_346 : memref<10112x128xf32, #tpu.memory_space<vmem_shared>>) offsets(%arg12 : memref<128xi32, #tpu.memory_space<vmem>>) semaphore(%arg23 : memref<!tpu.dma_semaphore, #tpu.memory_space<semaphore_mem>>) {add = true}
      %add3A_347 = arith.constant 3 : i32
      %add3A_348 = arith.addi %mul3A_232, %add3A_347 : i32
      %add3A_349 = arith.constant 1 : i32
      %add3A_350 = arith.addi %add3A_348, %add3A_349 : i32
      %mul3A_351 = arith.constant 128 : i32
      %mul3A_352 = arith.muli %add3A_350, %mul3A_351 : i32
      %add3A_353 = arith.addi %mul3A_2, %mul3A_352 : i32
      %dma_wait3A_354 = tpu.memref_slice %arg3[%add3A_353] : memref<323584xi32, #tpu.memory_space<hbm>> -> memref<128xi32, #tpu.memory_space<hbm>>
      %dma_wait3A_355 = tpu.memref_slice %arg3[%add3A_353] : memref<323584xi32, #tpu.memory_space<hbm>> -> memref<128xi32, #tpu.memory_space<hbm>>
      tpu.wait_dma2 semaphore(%arg17 : memref<!tpu.dma_semaphore, #tpu.memory_space<semaphore_mem>>) src(%dma_wait3A_355 : memref<128xi32, #tpu.memory_space<hbm>>) dst(%arg6 : memref<128xi32, #tpu.memory_space<vmem>>)
      %mul3A_356 = arith.constant 128 : i32
      %mul3A_357 = arith.muli %add3A_350, %mul3A_356 : i32
      %add3A_358 = arith.addi %mul3A_2, %mul3A_357 : i32
      %dma_wait3A_359 = tpu.memref_slice %arg4[%add3A_358] : memref<323584xi32, #tpu.memory_space<hbm>> -> memref<128xi32, #tpu.memory_space<hbm>>
      %dma_wait3A_360 = tpu.memref_slice %arg4[%add3A_358] : memref<323584xi32, #tpu.memory_space<hbm>> -> memref<128xi32, #tpu.memory_space<hbm>>
      tpu.wait_dma2 semaphore(%arg17 : memref<!tpu.dma_semaphore, #tpu.memory_space<semaphore_mem>>) src(%dma_wait3A_360 : memref<128xi32, #tpu.memory_space<hbm>>) dst(%arg10 : memref<128xi32, #tpu.memory_space<vmem>>)
      %dma_wait3A_361 = arith.constant 0 : i32
      %dma_wait3A_362 = arith.constant 0 : i32
      %dma_wait3A_363 = tpu.memref_slice %arg16[%dma_wait3A_361, %dma_wait3A_362] : memref<10112x128xf32, #tpu.memory_space<vmem_shared>> -> memref<10112x128xf32, #tpu.memory_space<vmem_shared>>
      tpu.wait_indirect_dma semaphore(%arg23 : memref<!tpu.dma_semaphore, #tpu.memory_space<semaphore_mem>>) src(%arg14 : memref<128x128xf32, #tpu.memory_space<vmem>>) dst(%dma_wait3A_363 : memref<10112x128xf32, #tpu.memory_space<vmem_shared>>)
      %dma_start3A_364 = arith.constant 0 : i32
      %dma_start3A_365 = arith.constant 0 : i32
      %dma_start3A_366 = tpu.memref_slice %arg2[%dma_start3A_364, %dma_start3A_365] : memref<10000x128xf32, #tpu.memory_space<hbm>> -> memref<10000x128xf32, #tpu.memory_space<hbm>>
      tpu.enqueue_indirect_dma source(%dma_start3A_366 : memref<10000x128xf32, #tpu.memory_space<hbm>>) target(%arg14 : memref<128x128xf32, #tpu.memory_space<vmem>>) offsets(%arg6 : memref<128xi32, #tpu.memory_space<vmem>>) semaphore(%arg21 : memref<!tpu.dma_semaphore, #tpu.memory_space<semaphore_mem>>)
      %add3A_367 = arith.constant 2 : i32
      %add3A_368 = arith.addi %add3A_348, %add3A_367 : i32
      %mul3A_369 = arith.constant 128 : i32
      %mul3A_370 = arith.muli %add3A_368, %mul3A_369 : i32
      %add3A_371 = arith.addi %mul3A_2, %mul3A_370 : i32
      %dma_start3A_372 = tpu.memref_slice %arg3[%add3A_371] : memref<323584xi32, #tpu.memory_space<hbm>> -> memref<128xi32, #tpu.memory_space<hbm>>
      %dma_start3A_373 = tpu.memref_slice %arg3[%add3A_371] : memref<323584xi32, #tpu.memory_space<hbm>> -> memref<128xi32, #tpu.memory_space<hbm>>
      tpu.enqueue_dma source(%dma_start3A_373 : memref<128xi32, #tpu.memory_space<hbm>>) target(%arg7 : memref<128xi32, #tpu.memory_space<vmem>>) target_semaphore(%arg18 : memref<!tpu.dma_semaphore, #tpu.memory_space<semaphore_mem>>)
      %mul3A_374 = arith.constant 128 : i32
      %mul3A_375 = arith.muli %add3A_368, %mul3A_374 : i32
      %add3A_376 = arith.addi %mul3A_2, %mul3A_375 : i32
      %dma_start3A_377 = tpu.memref_slice %arg4[%add3A_376] : memref<323584xi32, #tpu.memory_space<hbm>> -> memref<128xi32, #tpu.memory_space<hbm>>
      %dma_start3A_378 = tpu.memref_slice %arg4[%add3A_376] : memref<323584xi32, #tpu.memory_space<hbm>> -> memref<128xi32, #tpu.memory_space<hbm>>
      tpu.enqueue_dma source(%dma_start3A_378 : memref<128xi32, #tpu.memory_space<hbm>>) target(%arg11 : memref<128xi32, #tpu.memory_space<vmem>>) target_semaphore(%arg18 : memref<!tpu.dma_semaphore, #tpu.memory_space<semaphore_mem>>)
      %dma_wait3A_379 = arith.constant 0 : i32
      %dma_wait3A_380 = arith.constant 0 : i32
      %dma_wait3A_381 = tpu.memref_slice %arg2[%dma_wait3A_379, %dma_wait3A_380] : memref<10000x128xf32, #tpu.memory_space<hbm>> -> memref<10000x128xf32, #tpu.memory_space<hbm>>
      tpu.wait_indirect_dma semaphore(%arg22 : memref<!tpu.dma_semaphore, #tpu.memory_space<semaphore_mem>>) src(%dma_wait3A_381 : memref<10000x128xf32, #tpu.memory_space<hbm>>) dst(%arg15 : memref<128x128xf32, #tpu.memory_space<vmem>>)
      %dma_start3A_382 = arith.constant 0 : i32
      %dma_start3A_383 = arith.constant 0 : i32
      %dma_start3A_384 = tpu.memref_slice %arg16[%dma_start3A_382, %dma_start3A_383] : memref<10112x128xf32, #tpu.memory_space<vmem_shared>> -> memref<10112x128xf32, #tpu.memory_space<vmem_shared>>
      tpu.enqueue_indirect_dma source(%arg15 : memref<128x128xf32, #tpu.memory_space<vmem>>) target(%dma_start3A_384 : memref<10112x128xf32, #tpu.memory_space<vmem_shared>>) offsets(%arg13 : memref<128xi32, #tpu.memory_space<vmem>>) semaphore(%arg24 : memref<!tpu.dma_semaphore, #tpu.memory_space<semaphore_mem>>) {add = true}
      %scan3A_385 = arith.constant 0 : i32
      scf.yield %scan3A_385 : i32
    }
    %scan3A_160 = arith.constant 18 : i32
    %add3A_161 = arith.constant 9856 : i32
    %add3A_162 = arith.addi %mul3A_2, %add3A_161 : i32
    %dma_wait3A_163 = tpu.memref_slice %arg3[%add3A_162] : memref<323584xi32, #tpu.memory_space<hbm>> -> memref<128xi32, #tpu.memory_space<hbm>>
    %dma_wait3A_164 = tpu.memref_slice %arg3[%add3A_162] : memref<323584xi32, #tpu.memory_space<hbm>> -> memref<128xi32, #tpu.memory_space<hbm>>
    tpu.wait_dma2 semaphore(%arg18 : memref<!tpu.dma_semaphore, #tpu.memory_space<semaphore_mem>>) src(%dma_wait3A_164 : memref<128xi32, #tpu.memory_space<hbm>>) dst(%arg7 : memref<128xi32, #tpu.memory_space<vmem>>)
    %add3A_165 = arith.constant 9856 : i32
    %add3A_166 = arith.addi %mul3A_2, %add3A_165 : i32
    %dma_wait3A_167 = tpu.memref_slice %arg4[%add3A_166] : memref<323584xi32, #tpu.memory_space<hbm>> -> memref<128xi32, #tpu.memory_space<hbm>>
    %dma_wait3A_168 = tpu.memref_slice %arg4[%add3A_166] : memref<323584xi32, #tpu.memory_space<hbm>> -> memref<128xi32, #tpu.memory_space<hbm>>
    tpu.wait_dma2 semaphore(%arg18 : memref<!tpu.dma_semaphore, #tpu.memory_space<semaphore_mem>>) src(%dma_wait3A_168 : memref<128xi32, #tpu.memory_space<hbm>>) dst(%arg11 : memref<128xi32, #tpu.memory_space<vmem>>)
    %dma_wait3A_169 = arith.constant 0 : i32
    %dma_wait3A_170 = arith.constant 0 : i32
    %dma_wait3A_171 = tpu.memref_slice %arg16[%dma_wait3A_169, %dma_wait3A_170] : memref<10112x128xf32, #tpu.memory_space<vmem_shared>> -> memref<10112x128xf32, #tpu.memory_space<vmem_shared>>
    tpu.wait_indirect_dma semaphore(%arg24 : memref<!tpu.dma_semaphore, #tpu.memory_space<semaphore_mem>>) src(%arg15 : memref<128x128xf32, #tpu.memory_space<vmem>>) dst(%dma_wait3A_171 : memref<10112x128xf32, #tpu.memory_space<vmem_shared>>)
    %dma_start3A_172 = arith.constant 0 : i32
    %dma_start3A_173 = arith.constant 0 : i32
    %dma_start3A_174 = tpu.memref_slice %arg2[%dma_start3A_172, %dma_start3A_173] : memref<10000x128xf32, #tpu.memory_space<hbm>> -> memref<10000x128xf32, #tpu.memory_space<hbm>>
    tpu.enqueue_indirect_dma source(%dma_start3A_174 : memref<10000x128xf32, #tpu.memory_space<hbm>>) target(%arg15 : memref<128x128xf32, #tpu.memory_space<vmem>>) offsets(%arg7 : memref<128xi32, #tpu.memory_space<vmem>>) semaphore(%arg22 : memref<!tpu.dma_semaphore, #tpu.memory_space<semaphore_mem>>)
    %add3A_175 = arith.constant 9984 : i32
    %add3A_176 = arith.addi %mul3A_2, %add3A_175 : i32
    %dma_start3A_177 = tpu.memref_slice %arg3[%add3A_176] : memref<323584xi32, #tpu.memory_space<hbm>> -> memref<128xi32, #tpu.memory_space<hbm>>
    %dma_start3A_178 = tpu.memref_slice %arg3[%add3A_176] : memref<323584xi32, #tpu.memory_space<hbm>> -> memref<128xi32, #tpu.memory_space<hbm>>
    tpu.enqueue_dma source(%dma_start3A_178 : memref<128xi32, #tpu.memory_space<hbm>>) target(%arg8 : memref<128xi32, #tpu.memory_space<vmem>>) target_semaphore(%arg19 : memref<!tpu.dma_semaphore, #tpu.memory_space<semaphore_mem>>)
    %add3A_179 = arith.constant 9984 : i32
    %add3A_180 = arith.addi %mul3A_2, %add3A_179 : i32
    %dma_start3A_181 = tpu.memref_slice %arg4[%add3A_180] : memref<323584xi32, #tpu.memory_space<hbm>> -> memref<128xi32, #tpu.memory_space<hbm>>
    %dma_start3A_182 = tpu.memref_slice %arg4[%add3A_180] : memref<323584xi32, #tpu.memory_space<hbm>> -> memref<128xi32, #tpu.memory_space<hbm>>
    tpu.enqueue_dma source(%dma_start3A_182 : memref<128xi32, #tpu.memory_space<hbm>>) target(%arg12 : memref<128xi32, #tpu.memory_space<vmem>>) target_semaphore(%arg19 : memref<!tpu.dma_semaphore, #tpu.memory_space<semaphore_mem>>)
    %dma_wait3A_183 = arith.constant 0 : i32
    %dma_wait3A_184 = arith.constant 0 : i32
    %dma_wait3A_185 = tpu.memref_slice %arg2[%dma_wait3A_183, %dma_wait3A_184] : memref<10000x128xf32, #tpu.memory_space<hbm>> -> memref<10000x128xf32, #tpu.memory_space<hbm>>
    tpu.wait_indirect_dma semaphore(%arg21 : memref<!tpu.dma_semaphore, #tpu.memory_space<semaphore_mem>>) src(%dma_wait3A_185 : memref<10000x128xf32, #tpu.memory_space<hbm>>) dst(%arg14 : memref<128x128xf32, #tpu.memory_space<vmem>>)
    %dma_start3A_186 = arith.constant 0 : i32
    %dma_start3A_187 = arith.constant 0 : i32
    %dma_start3A_188 = tpu.memref_slice %arg16[%dma_start3A_186, %dma_start3A_187] : memref<10112x128xf32, #tpu.memory_space<vmem_shared>> -> memref<10112x128xf32, #tpu.memory_space<vmem_shared>>
    tpu.enqueue_indirect_dma source(%arg14 : memref<128x128xf32, #tpu.memory_space<vmem>>) target(%dma_start3A_188 : memref<10112x128xf32, #tpu.memory_space<vmem_shared>>) offsets(%arg10 : memref<128xi32, #tpu.memory_space<vmem>>) semaphore(%arg23 : memref<!tpu.dma_semaphore, #tpu.memory_space<semaphore_mem>>) {add = true}
    %add3A_189 = arith.constant 9984 : i32
    %add3A_190 = arith.addi %mul3A_2, %add3A_189 : i32
    %dma_wait3A_191 = tpu.memref_slice %arg3[%add3A_190] : memref<323584xi32, #tpu.memory_space<hbm>> -> memref<128xi32, #tpu.memory_space<hbm>>
    %dma_wait3A_192 = tpu.memref_slice %arg3[%add3A_190] : memref<323584xi32, #tpu.memory_space<hbm>> -> memref<128xi32, #tpu.memory_space<hbm>>
    tpu.wait_dma2 semaphore(%arg19 : memref<!tpu.dma_semaphore, #tpu.memory_space<semaphore_mem>>) src(%dma_wait3A_192 : memref<128xi32, #tpu.memory_space<hbm>>) dst(%arg8 : memref<128xi32, #tpu.memory_space<vmem>>)
    %add3A_193 = arith.constant 9984 : i32
    %add3A_194 = arith.addi %mul3A_2, %add3A_193 : i32
    %dma_wait3A_195 = tpu.memref_slice %arg4[%add3A_194] : memref<323584xi32, #tpu.memory_space<hbm>> -> memref<128xi32, #tpu.memory_space<hbm>>
    %dma_wait3A_196 = tpu.memref_slice %arg4[%add3A_194] : memref<323584xi32, #tpu.memory_space<hbm>> -> memref<128xi32, #tpu.memory_space<hbm>>
    tpu.wait_dma2 semaphore(%arg19 : memref<!tpu.dma_semaphore, #tpu.memory_space<semaphore_mem>>) src(%dma_wait3A_196 : memref<128xi32, #tpu.memory_space<hbm>>) dst(%arg12 : memref<128xi32, #tpu.memory_space<vmem>>)
    %dma_wait3A_197 = arith.constant 0 : i32
    %dma_wait3A_198 = arith.constant 0 : i32
    %dma_wait3A_199 = tpu.memref_slice %arg16[%dma_wait3A_197, %dma_wait3A_198] : memref<10112x128xf32, #tpu.memory_space<vmem_shared>> -> memref<10112x128xf32, #tpu.memory_space<vmem_shared>>
    tpu.wait_indirect_dma semaphore(%arg23 : memref<!tpu.dma_semaphore, #tpu.memory_space<semaphore_mem>>) src(%arg14 : memref<128x128xf32, #tpu.memory_space<vmem>>) dst(%dma_wait3A_199 : memref<10112x128xf32, #tpu.memory_space<vmem_shared>>)
    %dma_start3A_200 = arith.constant 0 : i32
    %dma_start3A_201 = arith.constant 0 : i32
    %dma_start3A_202 = tpu.memref_slice %arg2[%dma_start3A_200, %dma_start3A_201] : memref<10000x128xf32, #tpu.memory_space<hbm>> -> memref<10000x128xf32, #tpu.memory_space<hbm>>
    tpu.enqueue_indirect_dma source(%dma_start3A_202 : memref<10000x128xf32, #tpu.memory_space<hbm>>) target(%arg14 : memref<128x128xf32, #tpu.memory_space<vmem>>) offsets(%arg8 : memref<128xi32, #tpu.memory_space<vmem>>) semaphore(%arg21 : memref<!tpu.dma_semaphore, #tpu.memory_space<semaphore_mem>>)
    %dma_wait3A_203 = arith.constant 0 : i32
    %dma_wait3A_204 = arith.constant 0 : i32
    %dma_wait3A_205 = tpu.memref_slice %arg2[%dma_wait3A_203, %dma_wait3A_204] : memref<10000x128xf32, #tpu.memory_space<hbm>> -> memref<10000x128xf32, #tpu.memory_space<hbm>>
    tpu.wait_indirect_dma semaphore(%arg22 : memref<!tpu.dma_semaphore, #tpu.memory_space<semaphore_mem>>) src(%dma_wait3A_205 : memref<10000x128xf32, #tpu.memory_space<hbm>>) dst(%arg15 : memref<128x128xf32, #tpu.memory_space<vmem>>)
    %dma_start3A_206 = arith.constant 0 : i32
    %dma_start3A_207 = arith.constant 0 : i32
    %dma_start3A_208 = tpu.memref_slice %arg16[%dma_start3A_206, %dma_start3A_207] : memref<10112x128xf32, #tpu.memory_space<vmem_shared>> -> memref<10112x128xf32, #tpu.memory_space<vmem_shared>>
    tpu.enqueue_indirect_dma source(%arg15 : memref<128x128xf32, #tpu.memory_space<vmem>>) target(%dma_start3A_208 : memref<10112x128xf32, #tpu.memory_space<vmem_shared>>) offsets(%arg11 : memref<128xi32, #tpu.memory_space<vmem>>) semaphore(%arg24 : memref<!tpu.dma_semaphore, #tpu.memory_space<semaphore_mem>>) {add = true}
    %dma_wait3A_209 = arith.constant 0 : i32
    %dma_wait3A_210 = arith.constant 0 : i32
    %dma_wait3A_211 = tpu.memref_slice %arg16[%dma_wait3A_209, %dma_wait3A_210] : memref<10112x128xf32, #tpu.memory_space<vmem_shared>> -> memref<10112x128xf32, #tpu.memory_space<vmem_shared>>
    tpu.wait_indirect_dma semaphore(%arg24 : memref<!tpu.dma_semaphore, #tpu.memory_space<semaphore_mem>>) src(%arg15 : memref<128x128xf32, #tpu.memory_space<vmem>>) dst(%dma_wait3A_211 : memref<10112x128xf32, #tpu.memory_space<vmem_shared>>)
    %dma_wait3A_212 = arith.constant 0 : i32
    %dma_wait3A_213 = arith.constant 0 : i32
    %dma_wait3A_214 = tpu.memref_slice %arg2[%dma_wait3A_212, %dma_wait3A_213] : memref<10000x128xf32, #tpu.memory_space<hbm>> -> memref<10000x128xf32, #tpu.memory_space<hbm>>
    tpu.wait_indirect_dma semaphore(%arg21 : memref<!tpu.dma_semaphore, #tpu.memory_space<semaphore_mem>>) src(%dma_wait3A_214 : memref<10000x128xf32, #tpu.memory_space<hbm>>) dst(%arg14 : memref<128x128xf32, #tpu.memory_space<vmem>>)
    %dma_start3A_215 = arith.constant 0 : i32
    %dma_start3A_216 = arith.constant 0 : i32
    %dma_start3A_217 = tpu.memref_slice %arg16[%dma_start3A_215, %dma_start3A_216] : memref<10112x128xf32, #tpu.memory_space<vmem_shared>> -> memref<10112x128xf32, #tpu.memory_space<vmem_shared>>
    tpu.enqueue_indirect_dma source(%arg14 : memref<128x128xf32, #tpu.memory_space<vmem>>) target(%dma_start3A_217 : memref<10112x128xf32, #tpu.memory_space<vmem_shared>>) offsets(%arg12 : memref<128xi32, #tpu.memory_space<vmem>>) semaphore(%arg23 : memref<!tpu.dma_semaphore, #tpu.memory_space<semaphore_mem>>) {add = true}
    %dma_wait3A_218 = arith.constant 0 : i32
    %dma_wait3A_219 = arith.constant 0 : i32
    %dma_wait3A_220 = tpu.memref_slice %arg16[%dma_wait3A_218, %dma_wait3A_219] : memref<10112x128xf32, #tpu.memory_space<vmem_shared>> -> memref<10112x128xf32, #tpu.memory_space<vmem_shared>>
    tpu.wait_indirect_dma semaphore(%arg23 : memref<!tpu.dma_semaphore, #tpu.memory_space<semaphore_mem>>) src(%arg14 : memref<128x128xf32, #tpu.memory_space<vmem>>) dst(%dma_wait3A_220 : memref<10112x128xf32, #tpu.memory_space<vmem_shared>>)
    %barrier3A_221 = arith.constant 0 : index
    tpu.barrier barrier_id(%barrier3A_221)
    %mul3A_222 = arith.constant 632 : i32
    %mul3A_223 = arith.muli %arg1, %mul3A_222 : i32
    %mul3A_224 = arith.constant 10112 : i32
    %mul3A_225 = arith.muli %arg0, %mul3A_224 : i32
    %mul3A_226 = arith.constant 632 : i32
    %mul3A_227 = arith.muli %arg1, %mul3A_226 : i32
    %add3A_228 = arith.addi %mul3A_225, %mul3A_227 : i32
    "tpu.region"() ({
      %run_scoped3A = tpu.sem_alloc : memref<!tpu.dma_semaphore, #tpu.memory_space<semaphore_mem>>
      %dma_start3A_229 = arith.constant 0 : i32
      %dma_start3A_230 = tpu.memref_slice %arg5[%add3A_228, %dma_start3A_229] : memref<20224x128xf32, #tpu.memory_space<hbm>> -> memref<632x128xf32, #tpu.memory_space<hbm>>
      %dma_start3A_231 = arith.constant 0 : i32
      %dma_start3A_232 = tpu.memref_slice %arg16[%mul3A_223, %dma_start3A_231] : memref<10112x128xf32, #tpu.memory_space<vmem_shared>> -> memref<632x128xf32, #tpu.memory_space<vmem_shared>>
      tpu.enqueue_dma source(%dma_start3A_232 : memref<632x128xf32, #tpu.memory_space<vmem_shared>>) target(%dma_start3A_230 : memref<632x128xf32, #tpu.memory_space<hbm>>) target_semaphore(%run_scoped3A : memref<!tpu.dma_semaphore, #tpu.memory_space<semaphore_mem>>)
      %dma_wait3A_233 = arith.constant 0 : i32
      %dma_wait3A_234 = tpu.memref_slice %arg5[%add3A_228, %dma_wait3A_233] : memref<20224x128xf32, #tpu.memory_space<hbm>> -> memref<632x128xf32, #tpu.memory_space<hbm>>
      %dma_wait3A_235 = arith.constant 0 : i32
      %dma_wait3A_236 = tpu.memref_slice %arg16[%mul3A_223, %dma_wait3A_235] : memref<10112x128xf32, #tpu.memory_space<vmem_shared>> -> memref<632x128xf32, #tpu.memory_space<vmem_shared>>
      tpu.wait_dma2 semaphore(%run_scoped3A : memref<!tpu.dma_semaphore, #tpu.memory_space<semaphore_mem>>) src(%dma_wait3A_236 : memref<632x128xf32, #tpu.memory_space<vmem_shared>>) dst(%dma_wait3A_234 : memref<632x128xf32, #tpu.memory_space<hbm>>)
      tpu.yield
    }) : () -> ()
    return
  }
}

#map = affine_map<(d0, d1) -> (0)>
#map1 = affine_map<(d0, d1) -> (0, 0)>
module attributes {stable_mosaic.version = 14 : i64} {
  func.func @_sc_degree(%arg0: i32, %arg1: i32, %arg2: memref<323584xi32, #tpu.memory_space<hbm>>, %arg3: memref<20224x16xf32, #tpu.memory_space<hbm>>, %arg4: memref<128xi32, #tpu.memory_space<vmem>>, %arg5: memref<128xi32, #tpu.memory_space<vmem>>, %arg6: memref<128x16xf32, #tpu.memory_space<vmem>>, %arg7: memref<10112x16xf32, #tpu.memory_space<vmem_shared>>, %arg8: memref<!tpu.dma_semaphore, #tpu.memory_space<semaphore_mem>>, %arg9: memref<!tpu.dma_semaphore, #tpu.memory_space<semaphore_mem>>) attributes {dimension_semantics = [#tpu.dimension_semantics<core_parallel>, #tpu.dimension_semantics<subcore_parallel>], iteration_bounds = array<i64: 2, 16>, scalar_prefetch = 0 : i64, scratch_operands = 6 : i64, tpu.core_type = #tpu.core_type<sc_vector_subcore>, window_params = [{transform_indices = #map}, {transform_indices = #map1}]} {
    %mul3A = arith.constant 2 : i32
    %mul3A_0 = arith.muli %arg1, %mul3A : i32
    %add3A = arith.addi %mul3A_0, %arg0 : i32
    %mul3A_1 = arith.constant 10112 : i32
    %mul3A_2 = arith.muli %add3A, %mul3A_1 : i32
    %add3A_3 = arith.constant 0 : i32
    %add3A_4 = arith.addi %mul3A_2, %add3A_3 : i32
    %dma_start3A = tpu.memref_slice %arg2[%add3A_4] : memref<323584xi32, #tpu.memory_space<hbm>> -> memref<128xi32, #tpu.memory_space<hbm>>
    %dma_start3A_5 = tpu.memref_slice %arg2[%add3A_4] : memref<323584xi32, #tpu.memory_space<hbm>> -> memref<128xi32, #tpu.memory_space<hbm>>
    tpu.enqueue_dma source(%dma_start3A_5 : memref<128xi32, #tpu.memory_space<hbm>>) target(%arg4 : memref<128xi32, #tpu.memory_space<vmem>>) target_semaphore(%arg8 : memref<!tpu.dma_semaphore, #tpu.memory_space<semaphore_mem>>)
    %scan3A = arith.constant 0 : i32
    %scan3A_6 = arith.constant 0 : i32
    %scan3A_7 = arith.constant 128 : i32
    %scan3A_8 = arith.addi %scan3A_6, %scan3A_7 : i32
    %scan3A_9 = arith.constant 1 : i32
    %scan3A_10 = scf.for %scan3A_48 = %scan3A_6 to %scan3A_8 step %scan3A_9 iter_args(%scan3A_49 = %scan3A) -> (i32)  : i32 {
      %broadcast_in_dim3A = arith.constant 0.000000e+00 : f32
      %broadcast_in_dim3A_50 = vector.broadcast %broadcast_in_dim3A : f32 to vector<16xf32>
      %swap3A = arith.index_cast %scan3A_48 : i32 to index
      %swap3A_51 = arith.constant 0 : index
      %swap3A_52 = tpu.vector_load %arg6[%swap3A, %swap3A_51] {strides = array<i32>} : memref<128x16xf32, #tpu.memory_space<vmem>>, vector<1x16xf32>,
      %swap3A_53 = vector.shape_cast %swap3A_52 : vector<1x16xf32> to vector<16xf32>
      %swap3A_54 = vector.shape_cast %broadcast_in_dim3A_50 : vector<16xf32> to vector<1x16xf32>
      tpu.vector_store %arg6[%swap3A, %swap3A_51], %swap3A_54 {strides = array<i32>} : memref<128x16xf32, #tpu.memory_space<vmem>>, vector<1x16xf32>,
      %scan3A_55 = arith.constant 0 : i32
      scf.yield %scan3A_55 : i32
    }
    %scan3A_11 = arith.constant 128 : i32
    %scan3A_12 = arith.constant 0 : i32
    %scan3A_13 = arith.constant 0 : i32
    %scan3A_14 = arith.constant 4 : i32
    %scan3A_15 = arith.addi %scan3A_13, %scan3A_14 : i32
    %scan3A_16 = arith.constant 1 : i32
    %scan3A_17 = scf.for %scan3A_48 = %scan3A_13 to %scan3A_15 step %scan3A_16 iter_args(%scan3A_49 = %scan3A_12) -> (i32)  : i32 {
      %mul3A_50 = arith.constant 632 : i32
      %mul3A_51 = arith.muli %arg1, %mul3A_50 : i32
      %mul3A_52 = arith.constant 128 : i32
      %mul3A_53 = arith.muli %scan3A_48, %mul3A_52 : i32
      %add3A_54 = arith.addi %mul3A_51, %mul3A_53 : i32
      "tpu.region"() ({
        %run_scoped3A = tpu.sem_alloc : memref<!tpu.dma_semaphore, #tpu.memory_space<semaphore_mem>>
        %dma_start3A_56 = arith.constant 0 : i32
        %dma_start3A_57 = tpu.memref_slice %arg7[%add3A_54, %dma_start3A_56] : memref<10112x16xf32, #tpu.memory_space<vmem_shared>> -> memref<128x16xf32, #tpu.memory_space<vmem_shared>>
        %dma_start3A_58 = arith.constant 0 : i32
        %dma_start3A_59 = tpu.memref_slice %arg7[%add3A_54, %dma_start3A_58] : memref<10112x16xf32, #tpu.memory_space<vmem_shared>> -> memref<128x16xf32, #tpu.memory_space<vmem_shared>>
        tpu.enqueue_dma source(%arg6 : memref<128x16xf32, #tpu.memory_space<vmem>>) target(%dma_start3A_59 : memref<128x16xf32, #tpu.memory_space<vmem_shared>>) target_semaphore(%run_scoped3A : memref<!tpu.dma_semaphore, #tpu.memory_space<semaphore_mem>>)
        %dma_wait3A_60 = arith.constant 0 : i32
        %dma_wait3A_61 = tpu.memref_slice %arg7[%add3A_54, %dma_wait3A_60] : memref<10112x16xf32, #tpu.memory_space<vmem_shared>> -> memref<128x16xf32, #tpu.memory_space<vmem_shared>>
        %dma_wait3A_62 = arith.constant 0 : i32
        %dma_wait3A_63 = tpu.memref_slice %arg7[%add3A_54, %dma_wait3A_62] : memref<10112x16xf32, #tpu.memory_space<vmem_shared>> -> memref<128x16xf32, #tpu.memory_space<vmem_shared>>
        tpu.wait_dma2 semaphore(%run_scoped3A : memref<!tpu.dma_semaphore, #tpu.memory_space<semaphore_mem>>) src(%arg6 : memref<128x16xf32, #tpu.memory_space<vmem>>) dst(%dma_wait3A_63 : memref<128x16xf32, #tpu.memory_space<vmem_shared>>)
        tpu.yield
      }) : () -> ()
      %scan3A_55 = arith.constant 0 : i32
      scf.yield %scan3A_55 : i32
    }
    %scan3A_18 = arith.constant 4 : i32
    %mul3A_19 = arith.constant 632 : i32
    %mul3A_20 = arith.muli %arg1, %mul3A_19 : i32
    %add3A_21 = arith.constant 512 : i32
    %add3A_22 = arith.addi %mul3A_20, %add3A_21 : i32
    "tpu.region"() ({
      %run_scoped3A = tpu.sem_alloc : memref<!tpu.dma_semaphore, #tpu.memory_space<semaphore_mem>>
      %dma_start3A_48 = arith.constant 0 : i32
      %dma_start3A_49 = arith.constant 0 : i32
      %dma_start3A_50 = tpu.memref_slice %arg6[%dma_start3A_48, %dma_start3A_49] : memref<128x16xf32, #tpu.memory_space<vmem>> -> memref<120x16xf32, #tpu.memory_space<vmem>>
      %dma_start3A_51 = arith.constant 0 : i32
      %dma_start3A_52 = tpu.memref_slice %arg7[%add3A_22, %dma_start3A_51] : memref<10112x16xf32, #tpu.memory_space<vmem_shared>> -> memref<120x16xf32, #tpu.memory_space<vmem_shared>>
      %dma_start3A_53 = arith.constant 0 : i32
      %dma_start3A_54 = tpu.memref_slice %arg7[%add3A_22, %dma_start3A_53] : memref<10112x16xf32, #tpu.memory_space<vmem_shared>> -> memref<120x16xf32, #tpu.memory_space<vmem_shared>>
      %dma_start3A_55 = arith.constant 0 : i32
      %dma_start3A_56 = arith.constant 0 : i32
      %dma_start3A_57 = tpu.memref_slice %arg6[%dma_start3A_55, %dma_start3A_56] : memref<128x16xf32, #tpu.memory_space<vmem>> -> memref<120x16xf32, #tpu.memory_space<vmem>>
      tpu.enqueue_dma source(%dma_start3A_57 : memref<120x16xf32, #tpu.memory_space<vmem>>) target(%dma_start3A_54 : memref<120x16xf32, #tpu.memory_space<vmem_shared>>) target_semaphore(%run_scoped3A : memref<!tpu.dma_semaphore, #tpu.memory_space<semaphore_mem>>)
      %dma_wait3A_58 = arith.constant 0 : i32
      %dma_wait3A_59 = arith.constant 0 : i32
      %dma_wait3A_60 = tpu.memref_slice %arg6[%dma_wait3A_58, %dma_wait3A_59] : memref<128x16xf32, #tpu.memory_space<vmem>> -> memref<120x16xf32, #tpu.memory_space<vmem>>
      %dma_wait3A_61 = arith.constant 0 : i32
      %dma_wait3A_62 = tpu.memref_slice %arg7[%add3A_22, %dma_wait3A_61] : memref<10112x16xf32, #tpu.memory_space<vmem_shared>> -> memref<120x16xf32, #tpu.memory_space<vmem_shared>>
      %dma_wait3A_63 = arith.constant 0 : i32
      %dma_wait3A_64 = tpu.memref_slice %arg7[%add3A_22, %dma_wait3A_63] : memref<10112x16xf32, #tpu.memory_space<vmem_shared>> -> memref<120x16xf32, #tpu.memory_space<vmem_shared>>
      %dma_wait3A_65 = arith.constant 0 : i32
      %dma_wait3A_66 = arith.constant 0 : i32
      %dma_wait3A_67 = tpu.memref_slice %arg6[%dma_wait3A_65, %dma_wait3A_66] : memref<128x16xf32, #tpu.memory_space<vmem>> -> memref<120x16xf32, #tpu.memory_space<vmem>>
      tpu.wait_dma2 semaphore(%run_scoped3A : memref<!tpu.dma_semaphore, #tpu.memory_space<semaphore_mem>>) src(%dma_wait3A_67 : memref<120x16xf32, #tpu.memory_space<vmem>>) dst(%dma_wait3A_64 : memref<120x16xf32, #tpu.memory_space<vmem_shared>>)
      tpu.yield
    }) : () -> ()
    %scan3A_23 = arith.constant 0 : i32
    %scan3A_24 = arith.constant 0 : i32
    %scan3A_25 = arith.constant 128 : i32
    %scan3A_26 = arith.addi %scan3A_24, %scan3A_25 : i32
    %scan3A_27 = arith.constant 1 : i32
    %scan3A_28 = scf.for %scan3A_48 = %scan3A_24 to %scan3A_26 step %scan3A_27 iter_args(%scan3A_49 = %scan3A_23) -> (i32)  : i32 {
      %broadcast_in_dim3A = arith.constant 1.000000e+00 : f32
      %broadcast_in_dim3A_50 = vector.broadcast %broadcast_in_dim3A : f32 to vector<16xf32>
      %swap3A = arith.index_cast %scan3A_48 : i32 to index
      %swap3A_51 = arith.constant 0 : index
      %swap3A_52 = tpu.vector_load %arg6[%swap3A, %swap3A_51] {strides = array<i32>} : memref<128x16xf32, #tpu.memory_space<vmem>>, vector<1x16xf32>,
      %swap3A_53 = vector.shape_cast %swap3A_52 : vector<1x16xf32> to vector<16xf32>
      %swap3A_54 = vector.shape_cast %broadcast_in_dim3A_50 : vector<16xf32> to vector<1x16xf32>
      tpu.vector_store %arg6[%swap3A, %swap3A_51], %swap3A_54 {strides = array<i32>} : memref<128x16xf32, #tpu.memory_space<vmem>>, vector<1x16xf32>,
      %scan3A_55 = arith.constant 0 : i32
      scf.yield %scan3A_55 : i32
    }
    %scan3A_29 = arith.constant 128 : i32
    %barrier3A = arith.constant 0 : index
    tpu.barrier barrier_id(%barrier3A)
    %scan3A_30 = arith.constant 0 : i32
    %scan3A_31 = arith.constant 0 : i32
    %scan3A_32 = arith.constant 39 : i32
    %scan3A_33 = arith.addi %scan3A_31, %scan3A_32 : i32
    %scan3A_34 = arith.constant 1 : i32
    %scan3A_35 = scf.for %scan3A_48 = %scan3A_31 to %scan3A_33 step %scan3A_34 iter_args(%scan3A_49 = %scan3A_30) -> (i32)  : i32 {
      %mul3A_50 = arith.constant 2 : i32
      %mul3A_51 = arith.muli %mul3A_50, %scan3A_48 : i32
      %mul3A_52 = arith.constant 2 : i32
      %mul3A_53 = arith.muli %mul3A_52, %scan3A_48 : i32
      %add3A_54 = arith.constant 1 : i32
      %add3A_55 = arith.addi %mul3A_53, %add3A_54 : i32
      %mul3A_56 = arith.constant 128 : i32
      %mul3A_57 = arith.muli %mul3A_51, %mul3A_56 : i32
      %add3A_58 = arith.addi %mul3A_2, %mul3A_57 : i32
      %dma_wait3A_59 = tpu.memref_slice %arg2[%add3A_58] : memref<323584xi32, #tpu.memory_space<hbm>> -> memref<128xi32, #tpu.memory_space<hbm>>
      %dma_wait3A_60 = tpu.memref_slice %arg2[%add3A_58] : memref<323584xi32, #tpu.memory_space<hbm>> -> memref<128xi32, #tpu.memory_space<hbm>>
      tpu.wait_dma2 semaphore(%arg8 : memref<!tpu.dma_semaphore, #tpu.memory_space<semaphore_mem>>) src(%dma_wait3A_60 : memref<128xi32, #tpu.memory_space<hbm>>) dst(%arg4 : memref<128xi32, #tpu.memory_space<vmem>>)
      %mul3A_61 = arith.constant 128 : i32
      %mul3A_62 = arith.muli %add3A_55, %mul3A_61 : i32
      %add3A_63 = arith.addi %mul3A_2, %mul3A_62 : i32
      %dma_start3A_64 = tpu.memref_slice %arg2[%add3A_63] : memref<323584xi32, #tpu.memory_space<hbm>> -> memref<128xi32, #tpu.memory_space<hbm>>
      %dma_start3A_65 = tpu.memref_slice %arg2[%add3A_63] : memref<323584xi32, #tpu.memory_space<hbm>> -> memref<128xi32, #tpu.memory_space<hbm>>
      tpu.enqueue_dma source(%dma_start3A_65 : memref<128xi32, #tpu.memory_space<hbm>>) target(%arg5 : memref<128xi32, #tpu.memory_space<vmem>>) target_semaphore(%arg9 : memref<!tpu.dma_semaphore, #tpu.memory_space<semaphore_mem>>)
      "tpu.region"() ({
        %run_scoped3A = tpu.sem_alloc : memref<!tpu.dma_semaphore, #tpu.memory_space<semaphore_mem>>
        %dma_start3A_79 = arith.constant 0 : i32
        %dma_start3A_80 = arith.constant 0 : i32
        %dma_start3A_81 = tpu.memref_slice %arg7[%dma_start3A_79, %dma_start3A_80] : memref<10112x16xf32, #tpu.memory_space<vmem_shared>> -> memref<10112x16xf32, #tpu.memory_space<vmem_shared>>
        tpu.enqueue_indirect_dma source(%arg6 : memref<128x16xf32, #tpu.memory_space<vmem>>) target(%dma_start3A_81 : memref<10112x16xf32, #tpu.memory_space<vmem_shared>>) offsets(%arg4 : memref<128xi32, #tpu.memory_space<vmem>>) semaphore(%run_scoped3A : memref<!tpu.dma_semaphore, #tpu.memory_space<semaphore_mem>>) {add = true}
        %dma_wait3A_82 = arith.constant 0 : i32
        %dma_wait3A_83 = arith.constant 0 : i32
        %dma_wait3A_84 = tpu.memref_slice %arg7[%dma_wait3A_82, %dma_wait3A_83] : memref<10112x16xf32, #tpu.memory_space<vmem_shared>> -> memref<10112x16xf32, #tpu.memory_space<vmem_shared>>
        tpu.wait_indirect_dma semaphore(%run_scoped3A : memref<!tpu.dma_semaphore, #tpu.memory_space<semaphore_mem>>) src(%arg6 : memref<128x16xf32, #tpu.memory_space<vmem>>) dst(%dma_wait3A_84 : memref<10112x16xf32, #tpu.memory_space<vmem_shared>>)
        tpu.yield
      }) : () -> ()
      %mul3A_66 = arith.constant 128 : i32
      %mul3A_67 = arith.muli %add3A_55, %mul3A_66 : i32
      %add3A_68 = arith.addi %mul3A_2, %mul3A_67 : i32
      %dma_wait3A_69 = tpu.memref_slice %arg2[%add3A_68] : memref<323584xi32, #tpu.memory_space<hbm>> -> memref<128xi32, #tpu.memory_space<hbm>>
      %dma_wait3A_70 = tpu.memref_slice %arg2[%add3A_68] : memref<323584xi32, #tpu.memory_space<hbm>> -> memref<128xi32, #tpu.memory_space<hbm>>
      tpu.wait_dma2 semaphore(%arg9 : memref<!tpu.dma_semaphore, #tpu.memory_space<semaphore_mem>>) src(%dma_wait3A_70 : memref<128xi32, #tpu.memory_space<hbm>>) dst(%arg5 : memref<128xi32, #tpu.memory_space<vmem>>)
      %add3A_71 = arith.constant 1 : i32
      %add3A_72 = arith.addi %add3A_55, %add3A_71 : i32
      %mul3A_73 = arith.constant 128 : i32
      %mul3A_74 = arith.muli %add3A_72, %mul3A_73 : i32
      %add3A_75 = arith.addi %mul3A_2, %mul3A_74 : i32
      %dma_start3A_76 = tpu.memref_slice %arg2[%add3A_75] : memref<323584xi32, #tpu.memory_space<hbm>> -> memref<128xi32, #tpu.memory_space<hbm>>
      %dma_start3A_77 = tpu.memref_slice %arg2[%add3A_75] : memref<323584xi32, #tpu.memory_space<hbm>> -> memref<128xi32, #tpu.memory_space<hbm>>
      tpu.enqueue_dma source(%dma_start3A_77 : memref<128xi32, #tpu.memory_space<hbm>>) target(%arg4 : memref<128xi32, #tpu.memory_space<vmem>>) target_semaphore(%arg8 : memref<!tpu.dma_semaphore, #tpu.memory_space<semaphore_mem>>)
      "tpu.region"() ({
        %run_scoped3A = tpu.sem_alloc : memref<!tpu.dma_semaphore, #tpu.memory_space<semaphore_mem>>
        %dma_start3A_79 = arith.constant 0 : i32
        %dma_start3A_80 = arith.constant 0 : i32
        %dma_start3A_81 = tpu.memref_slice %arg7[%dma_start3A_79, %dma_start3A_80] : memref<10112x16xf32, #tpu.memory_space<vmem_shared>> -> memref<10112x16xf32, #tpu.memory_space<vmem_shared>>
        tpu.enqueue_indirect_dma source(%arg6 : memref<128x16xf32, #tpu.memory_space<vmem>>) target(%dma_start3A_81 : memref<10112x16xf32, #tpu.memory_space<vmem_shared>>) offsets(%arg5 : memref<128xi32, #tpu.memory_space<vmem>>) semaphore(%run_scoped3A : memref<!tpu.dma_semaphore, #tpu.memory_space<semaphore_mem>>) {add = true}
        %dma_wait3A_82 = arith.constant 0 : i32
        %dma_wait3A_83 = arith.constant 0 : i32
        %dma_wait3A_84 = tpu.memref_slice %arg7[%dma_wait3A_82, %dma_wait3A_83] : memref<10112x16xf32, #tpu.memory_space<vmem_shared>> -> memref<10112x16xf32, #tpu.memory_space<vmem_shared>>
        tpu.wait_indirect_dma semaphore(%run_scoped3A : memref<!tpu.dma_semaphore, #tpu.memory_space<semaphore_mem>>) src(%arg6 : memref<128x16xf32, #tpu.memory_space<vmem>>) dst(%dma_wait3A_84 : memref<10112x16xf32, #tpu.memory_space<vmem_shared>>)
        tpu.yield
      }) : () -> ()
      %scan3A_78 = arith.constant 0 : i32
      scf.yield %scan3A_78 : i32
    }
    %scan3A_36 = arith.constant 39 : i32
    %add3A_37 = arith.constant 9984 : i32
    %add3A_38 = arith.addi %mul3A_2, %add3A_37 : i32
    %dma_wait3A = tpu.memref_slice %arg2[%add3A_38] : memref<323584xi32, #tpu.memory_space<hbm>> -> memref<128xi32, #tpu.memory_space<hbm>>
    %dma_wait3A_39 = tpu.memref_slice %arg2[%add3A_38] : memref<323584xi32, #tpu.memory_space<hbm>> -> memref<128xi32, #tpu.memory_space<hbm>>
    tpu.wait_dma2 semaphore(%arg8 : memref<!tpu.dma_semaphore, #tpu.memory_space<semaphore_mem>>) src(%dma_wait3A_39 : memref<128xi32, #tpu.memory_space<hbm>>) dst(%arg4 : memref<128xi32, #tpu.memory_space<vmem>>)
    "tpu.region"() ({
      %run_scoped3A = tpu.sem_alloc : memref<!tpu.dma_semaphore, #tpu.memory_space<semaphore_mem>>
      %dma_start3A_48 = arith.constant 0 : i32
      %dma_start3A_49 = arith.constant 0 : i32
      %dma_start3A_50 = tpu.memref_slice %arg7[%dma_start3A_48, %dma_start3A_49] : memref<10112x16xf32, #tpu.memory_space<vmem_shared>> -> memref<10112x16xf32, #tpu.memory_space<vmem_shared>>
      tpu.enqueue_indirect_dma source(%arg6 : memref<128x16xf32, #tpu.memory_space<vmem>>) target(%dma_start3A_50 : memref<10112x16xf32, #tpu.memory_space<vmem_shared>>) offsets(%arg4 : memref<128xi32, #tpu.memory_space<vmem>>) semaphore(%run_scoped3A : memref<!tpu.dma_semaphore, #tpu.memory_space<semaphore_mem>>) {add = true}
      %dma_wait3A_51 = arith.constant 0 : i32
      %dma_wait3A_52 = arith.constant 0 : i32
      %dma_wait3A_53 = tpu.memref_slice %arg7[%dma_wait3A_51, %dma_wait3A_52] : memref<10112x16xf32, #tpu.memory_space<vmem_shared>> -> memref<10112x16xf32, #tpu.memory_space<vmem_shared>>
      tpu.wait_indirect_dma semaphore(%run_scoped3A : memref<!tpu.dma_semaphore, #tpu.memory_space<semaphore_mem>>) src(%arg6 : memref<128x16xf32, #tpu.memory_space<vmem>>) dst(%dma_wait3A_53 : memref<10112x16xf32, #tpu.memory_space<vmem_shared>>)
      tpu.yield
    }) : () -> ()
    %barrier3A_40 = arith.constant 0 : index
    tpu.barrier barrier_id(%barrier3A_40)
    %mul3A_41 = arith.constant 632 : i32
    %mul3A_42 = arith.muli %arg1, %mul3A_41 : i32
    %mul3A_43 = arith.constant 10112 : i32
    %mul3A_44 = arith.muli %arg0, %mul3A_43 : i32
    %mul3A_45 = arith.constant 632 : i32
    %mul3A_46 = arith.muli %arg1, %mul3A_45 : i32
    %add3A_47 = arith.addi %mul3A_44, %mul3A_46 : i32
    "tpu.region"() ({
      %run_scoped3A = tpu.sem_alloc : memref<!tpu.dma_semaphore, #tpu.memory_space<semaphore_mem>>
      %dma_start3A_48 = arith.constant 0 : i32
      %dma_start3A_49 = tpu.memref_slice %arg3[%add3A_47, %dma_start3A_48] : memref<20224x16xf32, #tpu.memory_space<hbm>> -> memref<632x16xf32, #tpu.memory_space<hbm>>
      %dma_start3A_50 = arith.constant 0 : i32
      %dma_start3A_51 = tpu.memref_slice %arg7[%mul3A_42, %dma_start3A_50] : memref<10112x16xf32, #tpu.memory_space<vmem_shared>> -> memref<632x16xf32, #tpu.memory_space<vmem_shared>>
      tpu.enqueue_dma source(%dma_start3A_51 : memref<632x16xf32, #tpu.memory_space<vmem_shared>>) target(%dma_start3A_49 : memref<632x16xf32, #tpu.memory_space<hbm>>) target_semaphore(%run_scoped3A : memref<!tpu.dma_semaphore, #tpu.memory_space<semaphore_mem>>)
      %dma_wait3A_52 = arith.constant 0 : i32
      %dma_wait3A_53 = tpu.memref_slice %arg3[%add3A_47, %dma_wait3A_52] : memref<20224x16xf32, #tpu.memory_space<hbm>> -> memref<632x16xf32, #tpu.memory_space<hbm>>
      %dma_wait3A_54 = arith.constant 0 : i32
      %dma_wait3A_55 = tpu.memref_slice %arg7[%mul3A_42, %dma_wait3A_54] : memref<10112x16xf32, #tpu.memory_space<vmem_shared>> -> memref<632x16xf32, #tpu.memory_space<vmem_shared>>
      tpu.wait_dma2 semaphore(%run_scoped3A : memref<!tpu.dma_semaphore, #tpu.memory_space<semaphore_mem>>) src(%dma_wait3A_55 : memref<632x16xf32, #tpu.memory_space<vmem_shared>>) dst(%dma_wait3A_53 : memref<632x16xf32, #tpu.memory_space<hbm>>)
      tpu.yield
    }) : () -> ()
    return
  }
}

#map = affine_map<(d0, d1) -> (0, 0)>
#map1 = affine_map<(d0, d1) -> (0)>
module attributes {stable_mosaic.version = 14 : i64} {
  func.func @_sc_scatter(%arg0: i32, %arg1: i32, %arg2: memref<10000x128xf32, #tpu.memory_space<hbm>>, %arg3: memref<323584xi32, #tpu.memory_space<hbm>>, %arg4: memref<323584xi32, #tpu.memory_space<hbm>>, %arg5: memref<20224x128xf32, #tpu.memory_space<hbm>>, %arg6: memref<128xi32, #tpu.memory_space<vmem>>, %arg7: memref<128xi32, #tpu.memory_space<vmem>>, %arg8: memref<128xi32, #tpu.memory_space<vmem>>, %arg9: memref<128xi32, #tpu.memory_space<vmem>>, %arg10: memref<128xi32, #tpu.memory_space<vmem>>, %arg11: memref<128xi32, #tpu.memory_space<vmem>>, %arg12: memref<128xi32, #tpu.memory_space<vmem>>, %arg13: memref<128xi32, #tpu.memory_space<vmem>>, %arg14: memref<128x128xf32, #tpu.memory_space<vmem>>, %arg15: memref<128x128xf32, #tpu.memory_space<vmem>>, %arg16: memref<10112x128xf32, #tpu.memory_space<vmem_shared>>, %arg17: memref<!tpu.dma_semaphore, #tpu.memory_space<semaphore_mem>>, %arg18: memref<!tpu.dma_semaphore, #tpu.memory_space<semaphore_mem>>, %arg19: memref<!tpu.dma_semaphore, #tpu.memory_space<semaphore_mem>>, %arg20: memref<!tpu.dma_semaphore, #tpu.memory_space<semaphore_mem>>, %arg21: memref<!tpu.dma_semaphore, #tpu.memory_space<semaphore_mem>>, %arg22: memref<!tpu.dma_semaphore, #tpu.memory_space<semaphore_mem>>, %arg23: memref<!tpu.dma_semaphore, #tpu.memory_space<semaphore_mem>>, %arg24: memref<!tpu.dma_semaphore, #tpu.memory_space<semaphore_mem>>) attributes {dimension_semantics = [#tpu.dimension_semantics<core_parallel>, #tpu.dimension_semantics<subcore_parallel>], iteration_bounds = array<i64: 2, 16>, scalar_prefetch = 0 : i64, scratch_operands = 19 : i64, tpu.core_type = #tpu.core_type<sc_vector_subcore>, window_params = [{transform_indices = #map}, {transform_indices = #map1}, {transform_indices = #map1}, {transform_indices = #map}]} {
    %mul3A = arith.constant 2 : i32
    %mul3A_0 = arith.muli %arg1, %mul3A : i32
    %add3A = arith.addi %mul3A_0, %arg0 : i32
    %mul3A_1 = arith.constant 10112 : i32
    %mul3A_2 = arith.muli %add3A, %mul3A_1 : i32
    %scan3A = arith.constant 0 : i32
    %scan3A_3 = arith.constant 0 : i32
    %scan3A_4 = arith.constant 1024 : i32
    %scan3A_5 = arith.addi %scan3A_3, %scan3A_4 : i32
    %scan3A_6 = arith.constant 1 : i32
    %scan3A_7 = scf.for %scan3A_229 = %scan3A_3 to %scan3A_5 step %scan3A_6 iter_args(%scan3A_230 = %scan3A) -> (i32)  : i32 {
      %broadcast_in_dim3A = arith.constant 0.000000e+00 : f32
      %broadcast_in_dim3A_231 = vector.broadcast %broadcast_in_dim3A : f32 to vector<16xf32>
      %jit3A = arith.constant 8 : i32
      %div3A = arith.divsi %scan3A_229, %jit3A : i32
      %sign3A = arith.constant 0 : i32
      %sign3A_232 = arith.cmpi sgt, %scan3A_229, %sign3A : i32
      %sign3A_233 = arith.extui %sign3A_232 : i1 to i32
      %sign3A_234 = arith.constant 0 : i32
      %sign3A_235 = arith.cmpi slt, %scan3A_229, %sign3A_234 : i32
      %sign3A_236 = arith.extui %sign3A_235 : i1 to i32
      %sign3A_237 = arith.subi %sign3A_233, %sign3A_236 : i32
      %sign3A_238 = arith.constant 0 : i32
      %sign3A_239 = arith.cmpi sgt, %jit3A, %sign3A_238 : i32
      %sign3A_240 = arith.extui %sign3A_239 : i1 to i32
      %sign3A_241 = arith.constant 0 : i32
      %sign3A_242 = arith.cmpi slt, %jit3A, %sign3A_241 : i32
      %sign3A_243 = arith.extui %sign3A_242 : i1 to i32
      %sign3A_244 = arith.subi %sign3A_240, %sign3A_243 : i32
      %ne3A = arith.cmpi ne, %sign3A_237, %sign3A_244 : i32
      %rem3A = arith.remsi %scan3A_229, %jit3A : i32
      %ne3A_245 = arith.constant 0 : i32
      %ne3A_246 = arith.cmpi ne, %rem3A, %ne3A_245 : i32
      %and3A = arith.andi %ne3A, %ne3A_246 : i1
      %sub3A = arith.constant 1 : i32
      %sub3A_247 = arith.subi %div3A, %sub3A : i32
      %select_n3A = arith.select %and3A, %sub3A_247, %div3A : i32
      %jit3A_248 = arith.constant 8 : i32
      %eq3A = arith.constant 0 : i32
      %eq3A_249 = arith.cmpi eq, %jit3A_248, %eq3A : i32
      %jit3A_250 = arith.constant 1 : i32
      %select_n3A_251 = arith.select %eq3A_249, %jit3A_250, %jit3A_248 : i32
      %rem3A_252 = arith.remsi %scan3A_229, %select_n3A_251 : i32
      %ne3A_253 = arith.constant 0 : i32
      %ne3A_254 = arith.cmpi ne, %rem3A_252, %ne3A_253 : i32
      %lt3A = arith.constant 0 : i32
      %lt3A_255 = arith.cmpi slt, %rem3A_252, %lt3A : i32
      %lt3A_256 = arith.constant 0 : i32
      %lt3A_257 = arith.cmpi slt, %select_n3A_251, %lt3A_256 : i32
      %ne3A_258 = arith.xori %lt3A_255, %lt3A_257 : i1
      %and3A_259 = arith.andi %ne3A_258, %ne3A_254 : i1
      %add3A_260 = arith.addi %rem3A_252, %select_n3A_251 : i32
      %select_n3A_261 = arith.select %and3A_259, %add3A_260, %rem3A_252 : i32
      %mul3A_262 = arith.constant 16 : i32
      %mul3A_263 = arith.muli %select_n3A_261, %mul3A_262 : i32
      %swap3A = arith.index_cast %select_n3A : i32 to index
      %swap3A_264 = arith.index_cast %mul3A_263 : i32 to index
      %swap3A_265 = tpu.vector_load %arg14[%swap3A, %swap3A_264] {strides = array<i32>} : memref<128x128xf32, #tpu.memory_space<vmem>>, vector<1x16xf32>,
      %swap3A_266 = vector.shape_cast %swap3A_265 : vector<1x16xf32> to vector<16xf32>
      %swap3A_267 = vector.shape_cast %broadcast_in_dim3A_231 : vector<16xf32> to vector<1x16xf32>
      tpu.vector_store %arg14[%swap3A, %swap3A_264], %swap3A_267 {strides = array<i32>} : memref<128x128xf32, #tpu.memory_space<vmem>>, vector<1x16xf32>,
      %scan3A_268 = arith.constant 0 : i32
      scf.yield %scan3A_268 : i32
    }
    %scan3A_8 = arith.constant 1024 : i32
    %scan3A_9 = arith.constant 0 : i32
    %scan3A_10 = arith.constant 0 : i32
    %scan3A_11 = arith.constant 4 : i32
    %scan3A_12 = arith.addi %scan3A_10, %scan3A_11 : i32
    %scan3A_13 = arith.constant 1 : i32
    %scan3A_14 = scf.for %scan3A_229 = %scan3A_10 to %scan3A_12 step %scan3A_13 iter_args(%scan3A_230 = %scan3A_9) -> (i32)  : i32 {
      %mul3A_231 = arith.constant 632 : i32
      %mul3A_232 = arith.muli %arg1, %mul3A_231 : i32
      %mul3A_233 = arith.constant 128 : i32
      %mul3A_234 = arith.muli %scan3A_229, %mul3A_233 : i32
      %add3A_235 = arith.addi %mul3A_232, %mul3A_234 : i32
      "tpu.region"() ({
        %run_scoped3A = tpu.sem_alloc : memref<!tpu.dma_semaphore, #tpu.memory_space<semaphore_mem>>
        %dma_start3A_237 = arith.constant 0 : i32
        %dma_start3A_238 = tpu.memref_slice %arg16[%add3A_235, %dma_start3A_237] : memref<10112x128xf32, #tpu.memory_space<vmem_shared>> -> memref<128x128xf32, #tpu.memory_space<vmem_shared>>
        %dma_start3A_239 = arith.constant 0 : i32
        %dma_start3A_240 = tpu.memref_slice %arg16[%add3A_235, %dma_start3A_239] : memref<10112x128xf32, #tpu.memory_space<vmem_shared>> -> memref<128x128xf32, #tpu.memory_space<vmem_shared>>
        tpu.enqueue_dma source(%arg14 : memref<128x128xf32, #tpu.memory_space<vmem>>) target(%dma_start3A_240 : memref<128x128xf32, #tpu.memory_space<vmem_shared>>) target_semaphore(%run_scoped3A : memref<!tpu.dma_semaphore, #tpu.memory_space<semaphore_mem>>)
        %dma_wait3A_241 = arith.constant 0 : i32
        %dma_wait3A_242 = tpu.memref_slice %arg16[%add3A_235, %dma_wait3A_241] : memref<10112x128xf32, #tpu.memory_space<vmem_shared>> -> memref<128x128xf32, #tpu.memory_space<vmem_shared>>
        %dma_wait3A_243 = arith.constant 0 : i32
        %dma_wait3A_244 = tpu.memref_slice %arg16[%add3A_235, %dma_wait3A_243] : memref<10112x128xf32, #tpu.memory_space<vmem_shared>> -> memref<128x128xf32, #tpu.memory_space<vmem_shared>>
        tpu.wait_dma2 semaphore(%run_scoped3A : memref<!tpu.dma_semaphore, #tpu.memory_space<semaphore_mem>>) src(%arg14 : memref<128x128xf32, #tpu.memory_space<vmem>>) dst(%dma_wait3A_244 : memref<128x128xf32, #tpu.memory_space<vmem_shared>>)
        tpu.yield
      }) : () -> ()
      %scan3A_236 = arith.constant 0 : i32
      scf.yield %scan3A_236 : i32
    }
    %scan3A_15 = arith.constant 4 : i32
    %mul3A_16 = arith.constant 632 : i32
    %mul3A_17 = arith.muli %arg1, %mul3A_16 : i32
    %add3A_18 = arith.constant 512 : i32
    %add3A_19 = arith.addi %mul3A_17, %add3A_18 : i32
    "tpu.region"() ({
      %run_scoped3A = tpu.sem_alloc : memref<!tpu.dma_semaphore, #tpu.memory_space<semaphore_mem>>
      %dma_start3A_229 = arith.constant 0 : i32
      %dma_start3A_230 = arith.constant 0 : i32
      %dma_start3A_231 = tpu.memref_slice %arg14[%dma_start3A_229, %dma_start3A_230] : memref<128x128xf32, #tpu.memory_space<vmem>> -> memref<120x128xf32, #tpu.memory_space<vmem>>
      %dma_start3A_232 = arith.constant 0 : i32
      %dma_start3A_233 = tpu.memref_slice %arg16[%add3A_19, %dma_start3A_232] : memref<10112x128xf32, #tpu.memory_space<vmem_shared>> -> memref<120x128xf32, #tpu.memory_space<vmem_shared>>
      %dma_start3A_234 = arith.constant 0 : i32
      %dma_start3A_235 = tpu.memref_slice %arg16[%add3A_19, %dma_start3A_234] : memref<10112x128xf32, #tpu.memory_space<vmem_shared>> -> memref<120x128xf32, #tpu.memory_space<vmem_shared>>
      %dma_start3A_236 = arith.constant 0 : i32
      %dma_start3A_237 = arith.constant 0 : i32
      %dma_start3A_238 = tpu.memref_slice %arg14[%dma_start3A_236, %dma_start3A_237] : memref<128x128xf32, #tpu.memory_space<vmem>> -> memref<120x128xf32, #tpu.memory_space<vmem>>
      tpu.enqueue_dma source(%dma_start3A_238 : memref<120x128xf32, #tpu.memory_space<vmem>>) target(%dma_start3A_235 : memref<120x128xf32, #tpu.memory_space<vmem_shared>>) target_semaphore(%run_scoped3A : memref<!tpu.dma_semaphore, #tpu.memory_space<semaphore_mem>>)
      %dma_wait3A_239 = arith.constant 0 : i32
      %dma_wait3A_240 = arith.constant 0 : i32
      %dma_wait3A_241 = tpu.memref_slice %arg14[%dma_wait3A_239, %dma_wait3A_240] : memref<128x128xf32, #tpu.memory_space<vmem>> -> memref<120x128xf32, #tpu.memory_space<vmem>>
      %dma_wait3A_242 = arith.constant 0 : i32
      %dma_wait3A_243 = tpu.memref_slice %arg16[%add3A_19, %dma_wait3A_242] : memref<10112x128xf32, #tpu.memory_space<vmem_shared>> -> memref<120x128xf32, #tpu.memory_space<vmem_shared>>
      %dma_wait3A_244 = arith.constant 0 : i32
      %dma_wait3A_245 = tpu.memref_slice %arg16[%add3A_19, %dma_wait3A_244] : memref<10112x128xf32, #tpu.memory_space<vmem_shared>> -> memref<120x128xf32, #tpu.memory_space<vmem_shared>>
      %dma_wait3A_246 = arith.constant 0 : i32
      %dma_wait3A_247 = arith.constant 0 : i32
      %dma_wait3A_248 = tpu.memref_slice %arg14[%dma_wait3A_246, %dma_wait3A_247] : memref<128x128xf32, #tpu.memory_space<vmem>> -> memref<120x128xf32, #tpu.memory_space<vmem>>
      tpu.wait_dma2 semaphore(%run_scoped3A : memref<!tpu.dma_semaphore, #tpu.memory_space<semaphore_mem>>) src(%dma_wait3A_248 : memref<120x128xf32, #tpu.memory_space<vmem>>) dst(%dma_wait3A_245 : memref<120x128xf32, #tpu.memory_space<vmem_shared>>)
      tpu.yield
    }) : () -> ()
    %add3A_20 = arith.constant 0 : i32
    %add3A_21 = arith.addi %mul3A_2, %add3A_20 : i32
    %dma_start3A = tpu.memref_slice %arg3[%add3A_21] : memref<323584xi32, #tpu.memory_space<hbm>> -> memref<128xi32, #tpu.memory_space<hbm>>
    %dma_start3A_22 = tpu.memref_slice %arg3[%add3A_21] : memref<323584xi32, #tpu.memory_space<hbm>> -> memref<128xi32, #tpu.memory_space<hbm>>
    tpu.enqueue_dma source(%dma_start3A_22 : memref<128xi32, #tpu.memory_space<hbm>>) target(%arg6 : memref<128xi32, #tpu.memory_space<vmem>>) target_semaphore(%arg17 : memref<!tpu.dma_semaphore, #tpu.memory_space<semaphore_mem>>)
    %add3A_23 = arith.constant 0 : i32
    %add3A_24 = arith.addi %mul3A_2, %add3A_23 : i32
    %dma_start3A_25 = tpu.memref_slice %arg4[%add3A_24] : memref<323584xi32, #tpu.memory_space<hbm>> -> memref<128xi32, #tpu.memory_space<hbm>>
    %dma_start3A_26 = tpu.memref_slice %arg4[%add3A_24] : memref<323584xi32, #tpu.memory_space<hbm>> -> memref<128xi32, #tpu.memory_space<hbm>>
    tpu.enqueue_dma source(%dma_start3A_26 : memref<128xi32, #tpu.memory_space<hbm>>) target(%arg10 : memref<128xi32, #tpu.memory_space<vmem>>) target_semaphore(%arg17 : memref<!tpu.dma_semaphore, #tpu.memory_space<semaphore_mem>>)
    %add3A_27 = arith.constant 128 : i32
    %add3A_28 = arith.addi %mul3A_2, %add3A_27 : i32
    %dma_start3A_29 = tpu.memref_slice %arg3[%add3A_28] : memref<323584xi32, #tpu.memory_space<hbm>> -> memref<128xi32, #tpu.memory_space<hbm>>
    %dma_start3A_30 = tpu.memref_slice %arg3[%add3A_28] : memref<323584xi32, #tpu.memory_space<hbm>> -> memref<128xi32, #tpu.memory_space<hbm>>
    tpu.enqueue_dma source(%dma_start3A_30 : memref<128xi32, #tpu.memory_space<hbm>>) target(%arg7 : memref<128xi32, #tpu.memory_space<vmem>>) target_semaphore(%arg18 : memref<!tpu.dma_semaphore, #tpu.memory_space<semaphore_mem>>)
    %add3A_31 = arith.constant 128 : i32
    %add3A_32 = arith.addi %mul3A_2, %add3A_31 : i32
    %dma_start3A_33 = tpu.memref_slice %arg4[%add3A_32] : memref<323584xi32, #tpu.memory_space<hbm>> -> memref<128xi32, #tpu.memory_space<hbm>>
    %dma_start3A_34 = tpu.memref_slice %arg4[%add3A_32] : memref<323584xi32, #tpu.memory_space<hbm>> -> memref<128xi32, #tpu.memory_space<hbm>>
    tpu.enqueue_dma source(%dma_start3A_34 : memref<128xi32, #tpu.memory_space<hbm>>) target(%arg11 : memref<128xi32, #tpu.memory_space<vmem>>) target_semaphore(%arg18 : memref<!tpu.dma_semaphore, #tpu.memory_space<semaphore_mem>>)
    %add3A_35 = arith.constant 0 : i32
    %add3A_36 = arith.addi %mul3A_2, %add3A_35 : i32
    %dma_wait3A = tpu.memref_slice %arg3[%add3A_36] : memref<323584xi32, #tpu.memory_space<hbm>> -> memref<128xi32, #tpu.memory_space<hbm>>
    %dma_wait3A_37 = tpu.memref_slice %arg3[%add3A_36] : memref<323584xi32, #tpu.memory_space<hbm>> -> memref<128xi32, #tpu.memory_space<hbm>>
    tpu.wait_dma2 semaphore(%arg17 : memref<!tpu.dma_semaphore, #tpu.memory_space<semaphore_mem>>) src(%dma_wait3A_37 : memref<128xi32, #tpu.memory_space<hbm>>) dst(%arg6 : memref<128xi32, #tpu.memory_space<vmem>>)
    %add3A_38 = arith.constant 0 : i32
    %add3A_39 = arith.addi %mul3A_2, %add3A_38 : i32
    %dma_wait3A_40 = tpu.memref_slice %arg4[%add3A_39] : memref<323584xi32, #tpu.memory_space<hbm>> -> memref<128xi32, #tpu.memory_space<hbm>>
    %dma_wait3A_41 = tpu.memref_slice %arg4[%add3A_39] : memref<323584xi32, #tpu.memory_space<hbm>> -> memref<128xi32, #tpu.memory_space<hbm>>
    tpu.wait_dma2 semaphore(%arg17 : memref<!tpu.dma_semaphore, #tpu.memory_space<semaphore_mem>>) src(%dma_wait3A_41 : memref<128xi32, #tpu.memory_space<hbm>>) dst(%arg10 : memref<128xi32, #tpu.memory_space<vmem>>)
    %dma_start3A_42 = arith.constant 0 : i32
    %dma_start3A_43 = arith.constant 0 : i32
    %dma_start3A_44 = tpu.memref_slice %arg2[%dma_start3A_42, %dma_start3A_43] : memref<10000x128xf32, #tpu.memory_space<hbm>> -> memref<10000x128xf32, #tpu.memory_space<hbm>>
    tpu.enqueue_indirect_dma source(%dma_start3A_44 : memref<10000x128xf32, #tpu.memory_space<hbm>>) target(%arg14 : memref<128x128xf32, #tpu.memory_space<vmem>>) offsets(%arg6 : memref<128xi32, #tpu.memory_space<vmem>>) semaphore(%arg21 : memref<!tpu.dma_semaphore, #tpu.memory_space<semaphore_mem>>)
    %barrier3A = arith.constant 0 : index
    tpu.barrier barrier_id(%barrier3A)
    %add3A_45 = arith.constant 128 : i32
    %add3A_46 = arith.addi %mul3A_2, %add3A_45 : i32
    %dma_wait3A_47 = tpu.memref_slice %arg3[%add3A_46] : memref<323584xi32, #tpu.memory_space<hbm>> -> memref<128xi32, #tpu.memory_space<hbm>>
    %dma_wait3A_48 = tpu.memref_slice %arg3[%add3A_46] : memref<323584xi32, #tpu.memory_space<hbm>> -> memref<128xi32, #tpu.memory_space<hbm>>
    tpu.wait_dma2 semaphore(%arg18 : memref<!tpu.dma_semaphore, #tpu.memory_space<semaphore_mem>>) src(%dma_wait3A_48 : memref<128xi32, #tpu.memory_space<hbm>>) dst(%arg7 : memref<128xi32, #tpu.memory_space<vmem>>)
    %add3A_49 = arith.constant 128 : i32
    %add3A_50 = arith.addi %mul3A_2, %add3A_49 : i32
    %dma_wait3A_51 = tpu.memref_slice %arg4[%add3A_50] : memref<323584xi32, #tpu.memory_space<hbm>> -> memref<128xi32, #tpu.memory_space<hbm>>
    %dma_wait3A_52 = tpu.memref_slice %arg4[%add3A_50] : memref<323584xi32, #tpu.memory_space<hbm>> -> memref<128xi32, #tpu.memory_space<hbm>>
    tpu.wait_dma2 semaphore(%arg18 : memref<!tpu.dma_semaphore, #tpu.memory_space<semaphore_mem>>) src(%dma_wait3A_52 : memref<128xi32, #tpu.memory_space<hbm>>) dst(%arg11 : memref<128xi32, #tpu.memory_space<vmem>>)
    %dma_start3A_53 = arith.constant 0 : i32
    %dma_start3A_54 = arith.constant 0 : i32
    %dma_start3A_55 = tpu.memref_slice %arg2[%dma_start3A_53, %dma_start3A_54] : memref<10000x128xf32, #tpu.memory_space<hbm>> -> memref<10000x128xf32, #tpu.memory_space<hbm>>
    tpu.enqueue_indirect_dma source(%dma_start3A_55 : memref<10000x128xf32, #tpu.memory_space<hbm>>) target(%arg15 : memref<128x128xf32, #tpu.memory_space<vmem>>) offsets(%arg7 : memref<128xi32, #tpu.memory_space<vmem>>) semaphore(%arg22 : memref<!tpu.dma_semaphore, #tpu.memory_space<semaphore_mem>>)
    %add3A_56 = arith.constant 256 : i32
    %add3A_57 = arith.addi %mul3A_2, %add3A_56 : i32
    %dma_start3A_58 = tpu.memref_slice %arg3[%add3A_57] : memref<323584xi32, #tpu.memory_space<hbm>> -> memref<128xi32, #tpu.memory_space<hbm>>
    %dma_start3A_59 = tpu.memref_slice %arg3[%add3A_57] : memref<323584xi32, #tpu.memory_space<hbm>> -> memref<128xi32, #tpu.memory_space<hbm>>
    tpu.enqueue_dma source(%dma_start3A_59 : memref<128xi32, #tpu.memory_space<hbm>>) target(%arg8 : memref<128xi32, #tpu.memory_space<vmem>>) target_semaphore(%arg19 : memref<!tpu.dma_semaphore, #tpu.memory_space<semaphore_mem>>)
    %add3A_60 = arith.constant 256 : i32
    %add3A_61 = arith.addi %mul3A_2, %add3A_60 : i32
    %dma_start3A_62 = tpu.memref_slice %arg4[%add3A_61] : memref<323584xi32, #tpu.memory_space<hbm>> -> memref<128xi32, #tpu.memory_space<hbm>>
    %dma_start3A_63 = tpu.memref_slice %arg4[%add3A_61] : memref<323584xi32, #tpu.memory_space<hbm>> -> memref<128xi32, #tpu.memory_space<hbm>>
    tpu.enqueue_dma source(%dma_start3A_63 : memref<128xi32, #tpu.memory_space<hbm>>) target(%arg12 : memref<128xi32, #tpu.memory_space<vmem>>) target_semaphore(%arg19 : memref<!tpu.dma_semaphore, #tpu.memory_space<semaphore_mem>>)
    %dma_wait3A_64 = arith.constant 0 : i32
    %dma_wait3A_65 = arith.constant 0 : i32
    %dma_wait3A_66 = tpu.memref_slice %arg2[%dma_wait3A_64, %dma_wait3A_65] : memref<10000x128xf32, #tpu.memory_space<hbm>> -> memref<10000x128xf32, #tpu.memory_space<hbm>>
    tpu.wait_indirect_dma semaphore(%arg21 : memref<!tpu.dma_semaphore, #tpu.memory_space<semaphore_mem>>) src(%dma_wait3A_66 : memref<10000x128xf32, #tpu.memory_space<hbm>>) dst(%arg14 : memref<128x128xf32, #tpu.memory_space<vmem>>)
    %dma_start3A_67 = arith.constant 0 : i32
    %dma_start3A_68 = arith.constant 0 : i32
    %dma_start3A_69 = tpu.memref_slice %arg16[%dma_start3A_67, %dma_start3A_68] : memref<10112x128xf32, #tpu.memory_space<vmem_shared>> -> memref<10112x128xf32, #tpu.memory_space<vmem_shared>>
    tpu.enqueue_indirect_dma source(%arg14 : memref<128x128xf32, #tpu.memory_space<vmem>>) target(%dma_start3A_69 : memref<10112x128xf32, #tpu.memory_space<vmem_shared>>) offsets(%arg10 : memref<128xi32, #tpu.memory_space<vmem>>) semaphore(%arg23 : memref<!tpu.dma_semaphore, #tpu.memory_space<semaphore_mem>>) {add = true}
    %add3A_70 = arith.constant 256 : i32
    %add3A_71 = arith.addi %mul3A_2, %add3A_70 : i32
    %dma_wait3A_72 = tpu.memref_slice %arg3[%add3A_71] : memref<323584xi32, #tpu.memory_space<hbm>> -> memref<128xi32, #tpu.memory_space<hbm>>
    %dma_wait3A_73 = tpu.memref_slice %arg3[%add3A_71] : memref<323584xi32, #tpu.memory_space<hbm>> -> memref<128xi32, #tpu.memory_space<hbm>>
    tpu.wait_dma2 semaphore(%arg19 : memref<!tpu.dma_semaphore, #tpu.memory_space<semaphore_mem>>) src(%dma_wait3A_73 : memref<128xi32, #tpu.memory_space<hbm>>) dst(%arg8 : memref<128xi32, #tpu.memory_space<vmem>>)
    %add3A_74 = arith.constant 256 : i32
    %add3A_75 = arith.addi %mul3A_2, %add3A_74 : i32
    %dma_wait3A_76 = tpu.memref_slice %arg4[%add3A_75] : memref<323584xi32, #tpu.memory_space<hbm>> -> memref<128xi32, #tpu.memory_space<hbm>>
    %dma_wait3A_77 = tpu.memref_slice %arg4[%add3A_75] : memref<323584xi32, #tpu.memory_space<hbm>> -> memref<128xi32, #tpu.memory_space<hbm>>
    tpu.wait_dma2 semaphore(%arg19 : memref<!tpu.dma_semaphore, #tpu.memory_space<semaphore_mem>>) src(%dma_wait3A_77 : memref<128xi32, #tpu.memory_space<hbm>>) dst(%arg12 : memref<128xi32, #tpu.memory_space<vmem>>)
    %dma_wait3A_78 = arith.constant 0 : i32
    %dma_wait3A_79 = arith.constant 0 : i32
    %dma_wait3A_80 = tpu.memref_slice %arg16[%dma_wait3A_78, %dma_wait3A_79] : memref<10112x128xf32, #tpu.memory_space<vmem_shared>> -> memref<10112x128xf32, #tpu.memory_space<vmem_shared>>
    tpu.wait_indirect_dma semaphore(%arg23 : memref<!tpu.dma_semaphore, #tpu.memory_space<semaphore_mem>>) src(%arg14 : memref<128x128xf32, #tpu.memory_space<vmem>>) dst(%dma_wait3A_80 : memref<10112x128xf32, #tpu.memory_space<vmem_shared>>)
    %dma_start3A_81 = arith.constant 0 : i32
    %dma_start3A_82 = arith.constant 0 : i32
    %dma_start3A_83 = tpu.memref_slice %arg2[%dma_start3A_81, %dma_start3A_82] : memref<10000x128xf32, #tpu.memory_space<hbm>> -> memref<10000x128xf32, #tpu.memory_space<hbm>>
    tpu.enqueue_indirect_dma source(%dma_start3A_83 : memref<10000x128xf32, #tpu.memory_space<hbm>>) target(%arg14 : memref<128x128xf32, #tpu.memory_space<vmem>>) offsets(%arg8 : memref<128xi32, #tpu.memory_space<vmem>>) semaphore(%arg21 : memref<!tpu.dma_semaphore, #tpu.memory_space<semaphore_mem>>)
    %add3A_84 = arith.constant 384 : i32
    %add3A_85 = arith.addi %mul3A_2, %add3A_84 : i32
    %dma_start3A_86 = tpu.memref_slice %arg3[%add3A_85] : memref<323584xi32, #tpu.memory_space<hbm>> -> memref<128xi32, #tpu.memory_space<hbm>>
    %dma_start3A_87 = tpu.memref_slice %arg3[%add3A_85] : memref<323584xi32, #tpu.memory_space<hbm>> -> memref<128xi32, #tpu.memory_space<hbm>>
    tpu.enqueue_dma source(%dma_start3A_87 : memref<128xi32, #tpu.memory_space<hbm>>) target(%arg9 : memref<128xi32, #tpu.memory_space<vmem>>) target_semaphore(%arg20 : memref<!tpu.dma_semaphore, #tpu.memory_space<semaphore_mem>>)
    %add3A_88 = arith.constant 384 : i32
    %add3A_89 = arith.addi %mul3A_2, %add3A_88 : i32
    %dma_start3A_90 = tpu.memref_slice %arg4[%add3A_89] : memref<323584xi32, #tpu.memory_space<hbm>> -> memref<128xi32, #tpu.memory_space<hbm>>
    %dma_start3A_91 = tpu.memref_slice %arg4[%add3A_89] : memref<323584xi32, #tpu.memory_space<hbm>> -> memref<128xi32, #tpu.memory_space<hbm>>
    tpu.enqueue_dma source(%dma_start3A_91 : memref<128xi32, #tpu.memory_space<hbm>>) target(%arg13 : memref<128xi32, #tpu.memory_space<vmem>>) target_semaphore(%arg20 : memref<!tpu.dma_semaphore, #tpu.memory_space<semaphore_mem>>)
    %dma_wait3A_92 = arith.constant 0 : i32
    %dma_wait3A_93 = arith.constant 0 : i32
    %dma_wait3A_94 = tpu.memref_slice %arg2[%dma_wait3A_92, %dma_wait3A_93] : memref<10000x128xf32, #tpu.memory_space<hbm>> -> memref<10000x128xf32, #tpu.memory_space<hbm>>
    tpu.wait_indirect_dma semaphore(%arg22 : memref<!tpu.dma_semaphore, #tpu.memory_space<semaphore_mem>>) src(%dma_wait3A_94 : memref<10000x128xf32, #tpu.memory_space<hbm>>) dst(%arg15 : memref<128x128xf32, #tpu.memory_space<vmem>>)
    %dma_start3A_95 = arith.constant 0 : i32
    %dma_start3A_96 = arith.constant 0 : i32
    %dma_start3A_97 = tpu.memref_slice %arg16[%dma_start3A_95, %dma_start3A_96] : memref<10112x128xf32, #tpu.memory_space<vmem_shared>> -> memref<10112x128xf32, #tpu.memory_space<vmem_shared>>
    tpu.enqueue_indirect_dma source(%arg15 : memref<128x128xf32, #tpu.memory_space<vmem>>) target(%dma_start3A_97 : memref<10112x128xf32, #tpu.memory_space<vmem_shared>>) offsets(%arg11 : memref<128xi32, #tpu.memory_space<vmem>>) semaphore(%arg24 : memref<!tpu.dma_semaphore, #tpu.memory_space<semaphore_mem>>) {add = true}
    %add3A_98 = arith.constant 384 : i32
    %add3A_99 = arith.addi %mul3A_2, %add3A_98 : i32
    %dma_wait3A_100 = tpu.memref_slice %arg3[%add3A_99] : memref<323584xi32, #tpu.memory_space<hbm>> -> memref<128xi32, #tpu.memory_space<hbm>>
    %dma_wait3A_101 = tpu.memref_slice %arg3[%add3A_99] : memref<323584xi32, #tpu.memory_space<hbm>> -> memref<128xi32, #tpu.memory_space<hbm>>
    tpu.wait_dma2 semaphore(%arg20 : memref<!tpu.dma_semaphore, #tpu.memory_space<semaphore_mem>>) src(%dma_wait3A_101 : memref<128xi32, #tpu.memory_space<hbm>>) dst(%arg9 : memref<128xi32, #tpu.memory_space<vmem>>)
    %add3A_102 = arith.constant 384 : i32
    %add3A_103 = arith.addi %mul3A_2, %add3A_102 : i32
    %dma_wait3A_104 = tpu.memref_slice %arg4[%add3A_103] : memref<323584xi32, #tpu.memory_space<hbm>> -> memref<128xi32, #tpu.memory_space<hbm>>
    %dma_wait3A_105 = tpu.memref_slice %arg4[%add3A_103] : memref<323584xi32, #tpu.memory_space<hbm>> -> memref<128xi32, #tpu.memory_space<hbm>>
    tpu.wait_dma2 semaphore(%arg20 : memref<!tpu.dma_semaphore, #tpu.memory_space<semaphore_mem>>) src(%dma_wait3A_105 : memref<128xi32, #tpu.memory_space<hbm>>) dst(%arg13 : memref<128xi32, #tpu.memory_space<vmem>>)
    %dma_wait3A_106 = arith.constant 0 : i32
    %dma_wait3A_107 = arith.constant 0 : i32
    %dma_wait3A_108 = tpu.memref_slice %arg16[%dma_wait3A_106, %dma_wait3A_107] : memref<10112x128xf32, #tpu.memory_space<vmem_shared>> -> memref<10112x128xf32, #tpu.memory_space<vmem_shared>>
    tpu.wait_indirect_dma semaphore(%arg24 : memref<!tpu.dma_semaphore, #tpu.memory_space<semaphore_mem>>) src(%arg15 : memref<128x128xf32, #tpu.memory_space<vmem>>) dst(%dma_wait3A_108 : memref<10112x128xf32, #tpu.memory_space<vmem_shared>>)
    %dma_start3A_109 = arith.constant 0 : i32
    %dma_start3A_110 = arith.constant 0 : i32
    %dma_start3A_111 = tpu.memref_slice %arg2[%dma_start3A_109, %dma_start3A_110] : memref<10000x128xf32, #tpu.memory_space<hbm>> -> memref<10000x128xf32, #tpu.memory_space<hbm>>
    tpu.enqueue_indirect_dma source(%dma_start3A_111 : memref<10000x128xf32, #tpu.memory_space<hbm>>) target(%arg15 : memref<128x128xf32, #tpu.memory_space<vmem>>) offsets(%arg9 : memref<128xi32, #tpu.memory_space<vmem>>) semaphore(%arg22 : memref<!tpu.dma_semaphore, #tpu.memory_space<semaphore_mem>>)
    %add3A_112 = arith.constant 512 : i32
    %add3A_113 = arith.addi %mul3A_2, %add3A_112 : i32
    %dma_start3A_114 = tpu.memref_slice %arg3[%add3A_113] : memref<323584xi32, #tpu.memory_space<hbm>> -> memref<128xi32, #tpu.memory_space<hbm>>
    %dma_start3A_115 = tpu.memref_slice %arg3[%add3A_113] : memref<323584xi32, #tpu.memory_space<hbm>> -> memref<128xi32, #tpu.memory_space<hbm>>
    tpu.enqueue_dma source(%dma_start3A_115 : memref<128xi32, #tpu.memory_space<hbm>>) target(%arg6 : memref<128xi32, #tpu.memory_space<vmem>>) target_semaphore(%arg17 : memref<!tpu.dma_semaphore, #tpu.memory_space<semaphore_mem>>)
    %add3A_116 = arith.constant 512 : i32
    %add3A_117 = arith.addi %mul3A_2, %add3A_116 : i32
    %dma_start3A_118 = tpu.memref_slice %arg4[%add3A_117] : memref<323584xi32, #tpu.memory_space<hbm>> -> memref<128xi32, #tpu.memory_space<hbm>>
    %dma_start3A_119 = tpu.memref_slice %arg4[%add3A_117] : memref<323584xi32, #tpu.memory_space<hbm>> -> memref<128xi32, #tpu.memory_space<hbm>>
    tpu.enqueue_dma source(%dma_start3A_119 : memref<128xi32, #tpu.memory_space<hbm>>) target(%arg10 : memref<128xi32, #tpu.memory_space<vmem>>) target_semaphore(%arg17 : memref<!tpu.dma_semaphore, #tpu.memory_space<semaphore_mem>>)
    %dma_wait3A_120 = arith.constant 0 : i32
    %dma_wait3A_121 = arith.constant 0 : i32
    %dma_wait3A_122 = tpu.memref_slice %arg2[%dma_wait3A_120, %dma_wait3A_121] : memref<10000x128xf32, #tpu.memory_space<hbm>> -> memref<10000x128xf32, #tpu.memory_space<hbm>>
    tpu.wait_indirect_dma semaphore(%arg21 : memref<!tpu.dma_semaphore, #tpu.memory_space<semaphore_mem>>) src(%dma_wait3A_122 : memref<10000x128xf32, #tpu.memory_space<hbm>>) dst(%arg14 : memref<128x128xf32, #tpu.memory_space<vmem>>)
    %dma_start3A_123 = arith.constant 0 : i32
    %dma_start3A_124 = arith.constant 0 : i32
    %dma_start3A_125 = tpu.memref_slice %arg16[%dma_start3A_123, %dma_start3A_124] : memref<10112x128xf32, #tpu.memory_space<vmem_shared>> -> memref<10112x128xf32, #tpu.memory_space<vmem_shared>>
    tpu.enqueue_indirect_dma source(%arg14 : memref<128x128xf32, #tpu.memory_space<vmem>>) target(%dma_start3A_125 : memref<10112x128xf32, #tpu.memory_space<vmem_shared>>) offsets(%arg12 : memref<128xi32, #tpu.memory_space<vmem>>) semaphore(%arg23 : memref<!tpu.dma_semaphore, #tpu.memory_space<semaphore_mem>>) {add = true}
    %add3A_126 = arith.constant 512 : i32
    %add3A_127 = arith.addi %mul3A_2, %add3A_126 : i32
    %dma_wait3A_128 = tpu.memref_slice %arg3[%add3A_127] : memref<323584xi32, #tpu.memory_space<hbm>> -> memref<128xi32, #tpu.memory_space<hbm>>
    %dma_wait3A_129 = tpu.memref_slice %arg3[%add3A_127] : memref<323584xi32, #tpu.memory_space<hbm>> -> memref<128xi32, #tpu.memory_space<hbm>>
    tpu.wait_dma2 semaphore(%arg17 : memref<!tpu.dma_semaphore, #tpu.memory_space<semaphore_mem>>) src(%dma_wait3A_129 : memref<128xi32, #tpu.memory_space<hbm>>) dst(%arg6 : memref<128xi32, #tpu.memory_space<vmem>>)
    %add3A_130 = arith.constant 512 : i32
    %add3A_131 = arith.addi %mul3A_2, %add3A_130 : i32
    %dma_wait3A_132 = tpu.memref_slice %arg4[%add3A_131] : memref<323584xi32, #tpu.memory_space<hbm>> -> memref<128xi32, #tpu.memory_space<hbm>>
    %dma_wait3A_133 = tpu.memref_slice %arg4[%add3A_131] : memref<323584xi32, #tpu.memory_space<hbm>> -> memref<128xi32, #tpu.memory_space<hbm>>
    tpu.wait_dma2 semaphore(%arg17 : memref<!tpu.dma_semaphore, #tpu.memory_space<semaphore_mem>>) src(%dma_wait3A_133 : memref<128xi32, #tpu.memory_space<hbm>>) dst(%arg10 : memref<128xi32, #tpu.memory_space<vmem>>)
    %dma_wait3A_134 = arith.constant 0 : i32
    %dma_wait3A_135 = arith.constant 0 : i32
    %dma_wait3A_136 = tpu.memref_slice %arg16[%dma_wait3A_134, %dma_wait3A_135] : memref<10112x128xf32, #tpu.memory_space<vmem_shared>> -> memref<10112x128xf32, #tpu.memory_space<vmem_shared>>
    tpu.wait_indirect_dma semaphore(%arg23 : memref<!tpu.dma_semaphore, #tpu.memory_space<semaphore_mem>>) src(%arg14 : memref<128x128xf32, #tpu.memory_space<vmem>>) dst(%dma_wait3A_136 : memref<10112x128xf32, #tpu.memory_space<vmem_shared>>)
    %dma_start3A_137 = arith.constant 0 : i32
    %dma_start3A_138 = arith.constant 0 : i32
    %dma_start3A_139 = tpu.memref_slice %arg2[%dma_start3A_137, %dma_start3A_138] : memref<10000x128xf32, #tpu.memory_space<hbm>> -> memref<10000x128xf32, #tpu.memory_space<hbm>>
    tpu.enqueue_indirect_dma source(%dma_start3A_139 : memref<10000x128xf32, #tpu.memory_space<hbm>>) target(%arg14 : memref<128x128xf32, #tpu.memory_space<vmem>>) offsets(%arg6 : memref<128xi32, #tpu.memory_space<vmem>>) semaphore(%arg21 : memref<!tpu.dma_semaphore, #tpu.memory_space<semaphore_mem>>)
    %add3A_140 = arith.constant 640 : i32
    %add3A_141 = arith.addi %mul3A_2, %add3A_140 : i32
    %dma_start3A_142 = tpu.memref_slice %arg3[%add3A_141] : memref<323584xi32, #tpu.memory_space<hbm>> -> memref<128xi32, #tpu.memory_space<hbm>>
    %dma_start3A_143 = tpu.memref_slice %arg3[%add3A_141] : memref<323584xi32, #tpu.memory_space<hbm>> -> memref<128xi32, #tpu.memory_space<hbm>>
    tpu.enqueue_dma source(%dma_start3A_143 : memref<128xi32, #tpu.memory_space<hbm>>) target(%arg7 : memref<128xi32, #tpu.memory_space<vmem>>) target_semaphore(%arg18 : memref<!tpu.dma_semaphore, #tpu.memory_space<semaphore_mem>>)
    %add3A_144 = arith.constant 640 : i32
    %add3A_145 = arith.addi %mul3A_2, %add3A_144 : i32
    %dma_start3A_146 = tpu.memref_slice %arg4[%add3A_145] : memref<323584xi32, #tpu.memory_space<hbm>> -> memref<128xi32, #tpu.memory_space<hbm>>
    %dma_start3A_147 = tpu.memref_slice %arg4[%add3A_145] : memref<323584xi32, #tpu.memory_space<hbm>> -> memref<128xi32, #tpu.memory_space<hbm>>
    tpu.enqueue_dma source(%dma_start3A_147 : memref<128xi32, #tpu.memory_space<hbm>>) target(%arg11 : memref<128xi32, #tpu.memory_space<vmem>>) target_semaphore(%arg18 : memref<!tpu.dma_semaphore, #tpu.memory_space<semaphore_mem>>)
    %dma_wait3A_148 = arith.constant 0 : i32
    %dma_wait3A_149 = arith.constant 0 : i32
    %dma_wait3A_150 = tpu.memref_slice %arg2[%dma_wait3A_148, %dma_wait3A_149] : memref<10000x128xf32, #tpu.memory_space<hbm>> -> memref<10000x128xf32, #tpu.memory_space<hbm>>
    tpu.wait_indirect_dma semaphore(%arg22 : memref<!tpu.dma_semaphore, #tpu.memory_space<semaphore_mem>>) src(%dma_wait3A_150 : memref<10000x128xf32, #tpu.memory_space<hbm>>) dst(%arg15 : memref<128x128xf32, #tpu.memory_space<vmem>>)
    %dma_start3A_151 = arith.constant 0 : i32
    %dma_start3A_152 = arith.constant 0 : i32
    %dma_start3A_153 = tpu.memref_slice %arg16[%dma_start3A_151, %dma_start3A_152] : memref<10112x128xf32, #tpu.memory_space<vmem_shared>> -> memref<10112x128xf32, #tpu.memory_space<vmem_shared>>
    tpu.enqueue_indirect_dma source(%arg15 : memref<128x128xf32, #tpu.memory_space<vmem>>) target(%dma_start3A_153 : memref<10112x128xf32, #tpu.memory_space<vmem_shared>>) offsets(%arg13 : memref<128xi32, #tpu.memory_space<vmem>>) semaphore(%arg24 : memref<!tpu.dma_semaphore, #tpu.memory_space<semaphore_mem>>) {add = true}
    %scan3A_154 = arith.constant 0 : i32
    %scan3A_155 = arith.constant 1 : i32
    %scan3A_156 = arith.constant 18 : i32
    %scan3A_157 = arith.addi %scan3A_155, %scan3A_156 : i32
    %scan3A_158 = arith.constant 1 : i32
    %scan3A_159 = scf.for %scan3A_229 = %scan3A_155 to %scan3A_157 step %scan3A_158 iter_args(%scan3A_230 = %scan3A_154) -> (i32)  : i32 {
      %mul3A_231 = arith.constant 4 : i32
      %mul3A_232 = arith.muli %mul3A_231, %scan3A_229 : i32
      %add3A_233 = arith.constant 0 : i32
      %add3A_234 = arith.addi %mul3A_232, %add3A_233 : i32
      %add3A_235 = arith.constant 1 : i32
      %add3A_236 = arith.addi %add3A_234, %add3A_235 : i32
      %mul3A_237 = arith.constant 128 : i32
      %mul3A_238 = arith.muli %add3A_236, %mul3A_237 : i32
      %add3A_239 = arith.addi %mul3A_2, %mul3A_238 : i32
      %dma_wait3A_240 = tpu.memref_slice %arg3[%add3A_239] : memref<323584xi32, #tpu.memory_space<hbm>> -> memref<128xi32, #tpu.memory_space<hbm>>
      %dma_wait3A_241 = tpu.memref_slice %arg3[%add3A_239] : memref<323584xi32, #tpu.memory_space<hbm>> -> memref<128xi32, #tpu.memory_space<hbm>>
      tpu.wait_dma2 semaphore(%arg18 : memref<!tpu.dma_semaphore, #tpu.memory_space<semaphore_mem>>) src(%dma_wait3A_241 : memref<128xi32, #tpu.memory_space<hbm>>) dst(%arg7 : memref<128xi32, #tpu.memory_space<vmem>>)
      %mul3A_242 = arith.constant 128 : i32
      %mul3A_243 = arith.muli %add3A_236, %mul3A_242 : i32
      %add3A_244 = arith.addi %mul3A_2, %mul3A_243 : i32
      %dma_wait3A_245 = tpu.memref_slice %arg4[%add3A_244] : memref<323584xi32, #tpu.memory_space<hbm>> -> memref<128xi32, #tpu.memory_space<hbm>>
      %dma_wait3A_246 = tpu.memref_slice %arg4[%add3A_244] : memref<323584xi32, #tpu.memory_space<hbm>> -> memref<128xi32, #tpu.memory_space<hbm>>
      tpu.wait_dma2 semaphore(%arg18 : memref<!tpu.dma_semaphore, #tpu.memory_space<semaphore_mem>>) src(%dma_wait3A_246 : memref<128xi32, #tpu.memory_space<hbm>>) dst(%arg11 : memref<128xi32, #tpu.memory_space<vmem>>)
      %dma_wait3A_247 = arith.constant 0 : i32
      %dma_wait3A_248 = arith.constant 0 : i32
      %dma_wait3A_249 = tpu.memref_slice %arg16[%dma_wait3A_247, %dma_wait3A_248] : memref<10112x128xf32, #tpu.memory_space<vmem_shared>> -> memref<10112x128xf32, #tpu.memory_space<vmem_shared>>
      tpu.wait_indirect_dma semaphore(%arg24 : memref<!tpu.dma_semaphore, #tpu.memory_space<semaphore_mem>>) src(%arg15 : memref<128x128xf32, #tpu.memory_space<vmem>>) dst(%dma_wait3A_249 : memref<10112x128xf32, #tpu.memory_space<vmem_shared>>)
      %dma_start3A_250 = arith.constant 0 : i32
      %dma_start3A_251 = arith.constant 0 : i32
      %dma_start3A_252 = tpu.memref_slice %arg2[%dma_start3A_250, %dma_start3A_251] : memref<10000x128xf32, #tpu.memory_space<hbm>> -> memref<10000x128xf32, #tpu.memory_space<hbm>>
      tpu.enqueue_indirect_dma source(%dma_start3A_252 : memref<10000x128xf32, #tpu.memory_space<hbm>>) target(%arg15 : memref<128x128xf32, #tpu.memory_space<vmem>>) offsets(%arg7 : memref<128xi32, #tpu.memory_space<vmem>>) semaphore(%arg22 : memref<!tpu.dma_semaphore, #tpu.memory_space<semaphore_mem>>)
      %add3A_253 = arith.constant 2 : i32
      %add3A_254 = arith.addi %add3A_234, %add3A_253 : i32
      %mul3A_255 = arith.constant 128 : i32
      %mul3A_256 = arith.muli %add3A_254, %mul3A_255 : i32
      %add3A_257 = arith.addi %mul3A_2, %mul3A_256 : i32
      %dma_start3A_258 = tpu.memref_slice %arg3[%add3A_257] : memref<323584xi32, #tpu.memory_space<hbm>> -> memref<128xi32, #tpu.memory_space<hbm>>
      %dma_start3A_259 = tpu.memref_slice %arg3[%add3A_257] : memref<323584xi32, #tpu.memory_space<hbm>> -> memref<128xi32, #tpu.memory_space<hbm>>
      tpu.enqueue_dma source(%dma_start3A_259 : memref<128xi32, #tpu.memory_space<hbm>>) target(%arg8 : memref<128xi32, #tpu.memory_space<vmem>>) target_semaphore(%arg19 : memref<!tpu.dma_semaphore, #tpu.memory_space<semaphore_mem>>)
      %mul3A_260 = arith.constant 128 : i32
      %mul3A_261 = arith.muli %add3A_254, %mul3A_260 : i32
      %add3A_262 = arith.addi %mul3A_2, %mul3A_261 : i32
      %dma_start3A_263 = tpu.memref_slice %arg4[%add3A_262] : memref<323584xi32, #tpu.memory_space<hbm>> -> memref<128xi32, #tpu.memory_space<hbm>>
      %dma_start3A_264 = tpu.memref_slice %arg4[%add3A_262] : memref<323584xi32, #tpu.memory_space<hbm>> -> memref<128xi32, #tpu.memory_space<hbm>>
      tpu.enqueue_dma source(%dma_start3A_264 : memref<128xi32, #tpu.memory_space<hbm>>) target(%arg12 : memref<128xi32, #tpu.memory_space<vmem>>) target_semaphore(%arg19 : memref<!tpu.dma_semaphore, #tpu.memory_space<semaphore_mem>>)
      %dma_wait3A_265 = arith.constant 0 : i32
      %dma_wait3A_266 = arith.constant 0 : i32
      %dma_wait3A_267 = tpu.memref_slice %arg2[%dma_wait3A_265, %dma_wait3A_266] : memref<10000x128xf32, #tpu.memory_space<hbm>> -> memref<10000x128xf32, #tpu.memory_space<hbm>>
      tpu.wait_indirect_dma semaphore(%arg21 : memref<!tpu.dma_semaphore, #tpu.memory_space<semaphore_mem>>) src(%dma_wait3A_267 : memref<10000x128xf32, #tpu.memory_space<hbm>>) dst(%arg14 : memref<128x128xf32, #tpu.memory_space<vmem>>)
      %dma_start3A_268 = arith.constant 0 : i32
      %dma_start3A_269 = arith.constant 0 : i32
      %dma_start3A_270 = tpu.memref_slice %arg16[%dma_start3A_268, %dma_start3A_269] : memref<10112x128xf32, #tpu.memory_space<vmem_shared>> -> memref<10112x128xf32, #tpu.memory_space<vmem_shared>>
      tpu.enqueue_indirect_dma source(%arg14 : memref<128x128xf32, #tpu.memory_space<vmem>>) target(%dma_start3A_270 : memref<10112x128xf32, #tpu.memory_space<vmem_shared>>) offsets(%arg10 : memref<128xi32, #tpu.memory_space<vmem>>) semaphore(%arg23 : memref<!tpu.dma_semaphore, #tpu.memory_space<semaphore_mem>>) {add = true}
      %add3A_271 = arith.constant 1 : i32
      %add3A_272 = arith.addi %mul3A_232, %add3A_271 : i32
      %add3A_273 = arith.constant 1 : i32
      %add3A_274 = arith.addi %add3A_272, %add3A_273 : i32
      %mul3A_275 = arith.constant 128 : i32
      %mul3A_276 = arith.muli %add3A_274, %mul3A_275 : i32
      %add3A_277 = arith.addi %mul3A_2, %mul3A_276 : i32
      %dma_wait3A_278 = tpu.memref_slice %arg3[%add3A_277] : memref<323584xi32, #tpu.memory_space<hbm>> -> memref<128xi32, #tpu.memory_space<hbm>>
      %dma_wait3A_279 = tpu.memref_slice %arg3[%add3A_277] : memref<323584xi32, #tpu.memory_space<hbm>> -> memref<128xi32, #tpu.memory_space<hbm>>
      tpu.wait_dma2 semaphore(%arg19 : memref<!tpu.dma_semaphore, #tpu.memory_space<semaphore_mem>>) src(%dma_wait3A_279 : memref<128xi32, #tpu.memory_space<hbm>>) dst(%arg8 : memref<128xi32, #tpu.memory_space<vmem>>)
      %mul3A_280 = arith.constant 128 : i32
      %mul3A_281 = arith.muli %add3A_274, %mul3A_280 : i32
      %add3A_282 = arith.addi %mul3A_2, %mul3A_281 : i32
      %dma_wait3A_283 = tpu.memref_slice %arg4[%add3A_282] : memref<323584xi32, #tpu.memory_space<hbm>> -> memref<128xi32, #tpu.memory_space<hbm>>
      %dma_wait3A_284 = tpu.memref_slice %arg4[%add3A_282] : memref<323584xi32, #tpu.memory_space<hbm>> -> memref<128xi32, #tpu.memory_space<hbm>>
      tpu.wait_dma2 semaphore(%arg19 : memref<!tpu.dma_semaphore, #tpu.memory_space<semaphore_mem>>) src(%dma_wait3A_284 : memref<128xi32, #tpu.memory_space<hbm>>) dst(%arg12 : memref<128xi32, #tpu.memory_space<vmem>>)
      %dma_wait3A_285 = arith.constant 0 : i32
      %dma_wait3A_286 = arith.constant 0 : i32
      %dma_wait3A_287 = tpu.memref_slice %arg16[%dma_wait3A_285, %dma_wait3A_286] : memref<10112x128xf32, #tpu.memory_space<vmem_shared>> -> memref<10112x128xf32, #tpu.memory_space<vmem_shared>>
      tpu.wait_indirect_dma semaphore(%arg23 : memref<!tpu.dma_semaphore, #tpu.memory_space<semaphore_mem>>) src(%arg14 : memref<128x128xf32, #tpu.memory_space<vmem>>) dst(%dma_wait3A_287 : memref<10112x128xf32, #tpu.memory_space<vmem_shared>>)
      %dma_start3A_288 = arith.constant 0 : i32
      %dma_start3A_289 = arith.constant 0 : i32
      %dma_start3A_290 = tpu.memref_slice %arg2[%dma_start3A_288, %dma_start3A_289] : memref<10000x128xf32, #tpu.memory_space<hbm>> -> memref<10000x128xf32, #tpu.memory_space<hbm>>
      tpu.enqueue_indirect_dma source(%dma_start3A_290 : memref<10000x128xf32, #tpu.memory_space<hbm>>) target(%arg14 : memref<128x128xf32, #tpu.memory_space<vmem>>) offsets(%arg8 : memref<128xi32, #tpu.memory_space<vmem>>) semaphore(%arg21 : memref<!tpu.dma_semaphore, #tpu.memory_space<semaphore_mem>>)
      %add3A_291 = arith.constant 2 : i32
      %add3A_292 = arith.addi %add3A_272, %add3A_291 : i32
      %mul3A_293 = arith.constant 128 : i32
      %mul3A_294 = arith.muli %add3A_292, %mul3A_293 : i32
      %add3A_295 = arith.addi %mul3A_2, %mul3A_294 : i32
      %dma_start3A_296 = tpu.memref_slice %arg3[%add3A_295] : memref<323584xi32, #tpu.memory_space<hbm>> -> memref<128xi32, #tpu.memory_space<hbm>>
      %dma_start3A_297 = tpu.memref_slice %arg3[%add3A_295] : memref<323584xi32, #tpu.memory_space<hbm>> -> memref<128xi32, #tpu.memory_space<hbm>>
      tpu.enqueue_dma source(%dma_start3A_297 : memref<128xi32, #tpu.memory_space<hbm>>) target(%arg9 : memref<128xi32, #tpu.memory_space<vmem>>) target_semaphore(%arg20 : memref<!tpu.dma_semaphore, #tpu.memory_space<semaphore_mem>>)
      %mul3A_298 = arith.constant 128 : i32
      %mul3A_299 = arith.muli %add3A_292, %mul3A_298 : i32
      %add3A_300 = arith.addi %mul3A_2, %mul3A_299 : i32
      %dma_start3A_301 = tpu.memref_slice %arg4[%add3A_300] : memref<323584xi32, #tpu.memory_space<hbm>> -> memref<128xi32, #tpu.memory_space<hbm>>
      %dma_start3A_302 = tpu.memref_slice %arg4[%add3A_300] : memref<323584xi32, #tpu.memory_space<hbm>> -> memref<128xi32, #tpu.memory_space<hbm>>
      tpu.enqueue_dma source(%dma_start3A_302 : memref<128xi32, #tpu.memory_space<hbm>>) target(%arg13 : memref<128xi32, #tpu.memory_space<vmem>>) target_semaphore(%arg20 : memref<!tpu.dma_semaphore, #tpu.memory_space<semaphore_mem>>)
      %dma_wait3A_303 = arith.constant 0 : i32
      %dma_wait3A_304 = arith.constant 0 : i32
      %dma_wait3A_305 = tpu.memref_slice %arg2[%dma_wait3A_303, %dma_wait3A_304] : memref<10000x128xf32, #tpu.memory_space<hbm>> -> memref<10000x128xf32, #tpu.memory_space<hbm>>
      tpu.wait_indirect_dma semaphore(%arg22 : memref<!tpu.dma_semaphore, #tpu.memory_space<semaphore_mem>>) src(%dma_wait3A_305 : memref<10000x128xf32, #tpu.memory_space<hbm>>) dst(%arg15 : memref<128x128xf32, #tpu.memory_space<vmem>>)
      %dma_start3A_306 = arith.constant 0 : i32
      %dma_start3A_307 = arith.constant 0 : i32
      %dma_start3A_308 = tpu.memref_slice %arg16[%dma_start3A_306, %dma_start3A_307] : memref<10112x128xf32, #tpu.memory_space<vmem_shared>> -> memref<10112x128xf32, #tpu.memory_space<vmem_shared>>
      tpu.enqueue_indirect_dma source(%arg15 : memref<128x128xf32, #tpu.memory_space<vmem>>) target(%dma_start3A_308 : memref<10112x128xf32, #tpu.memory_space<vmem_shared>>) offsets(%arg11 : memref<128xi32, #tpu.memory_space<vmem>>) semaphore(%arg24 : memref<!tpu.dma_semaphore, #tpu.memory_space<semaphore_mem>>) {add = true}
      %add3A_309 = arith.constant 2 : i32
      %add3A_310 = arith.addi %mul3A_232, %add3A_309 : i32
      %add3A_311 = arith.constant 1 : i32
      %add3A_312 = arith.addi %add3A_310, %add3A_311 : i32
      %mul3A_313 = arith.constant 128 : i32
      %mul3A_314 = arith.muli %add3A_312, %mul3A_313 : i32
      %add3A_315 = arith.addi %mul3A_2, %mul3A_314 : i32
      %dma_wait3A_316 = tpu.memref_slice %arg3[%add3A_315] : memref<323584xi32, #tpu.memory_space<hbm>> -> memref<128xi32, #tpu.memory_space<hbm>>
      %dma_wait3A_317 = tpu.memref_slice %arg3[%add3A_315] : memref<323584xi32, #tpu.memory_space<hbm>> -> memref<128xi32, #tpu.memory_space<hbm>>
      tpu.wait_dma2 semaphore(%arg20 : memref<!tpu.dma_semaphore, #tpu.memory_space<semaphore_mem>>) src(%dma_wait3A_317 : memref<128xi32, #tpu.memory_space<hbm>>) dst(%arg9 : memref<128xi32, #tpu.memory_space<vmem>>)
      %mul3A_318 = arith.constant 128 : i32
      %mul3A_319 = arith.muli %add3A_312, %mul3A_318 : i32
      %add3A_320 = arith.addi %mul3A_2, %mul3A_319 : i32
      %dma_wait3A_321 = tpu.memref_slice %arg4[%add3A_320] : memref<323584xi32, #tpu.memory_space<hbm>> -> memref<128xi32, #tpu.memory_space<hbm>>
      %dma_wait3A_322 = tpu.memref_slice %arg4[%add3A_320] : memref<323584xi32, #tpu.memory_space<hbm>> -> memref<128xi32, #tpu.memory_space<hbm>>
      tpu.wait_dma2 semaphore(%arg20 : memref<!tpu.dma_semaphore, #tpu.memory_space<semaphore_mem>>) src(%dma_wait3A_322 : memref<128xi32, #tpu.memory_space<hbm>>) dst(%arg13 : memref<128xi32, #tpu.memory_space<vmem>>)
      %dma_wait3A_323 = arith.constant 0 : i32
      %dma_wait3A_324 = arith.constant 0 : i32
      %dma_wait3A_325 = tpu.memref_slice %arg16[%dma_wait3A_323, %dma_wait3A_324] : memref<10112x128xf32, #tpu.memory_space<vmem_shared>> -> memref<10112x128xf32, #tpu.memory_space<vmem_shared>>
      tpu.wait_indirect_dma semaphore(%arg24 : memref<!tpu.dma_semaphore, #tpu.memory_space<semaphore_mem>>) src(%arg15 : memref<128x128xf32, #tpu.memory_space<vmem>>) dst(%dma_wait3A_325 : memref<10112x128xf32, #tpu.memory_space<vmem_shared>>)
      %dma_start3A_326 = arith.constant 0 : i32
      %dma_start3A_327 = arith.constant 0 : i32
      %dma_start3A_328 = tpu.memref_slice %arg2[%dma_start3A_326, %dma_start3A_327] : memref<10000x128xf32, #tpu.memory_space<hbm>> -> memref<10000x128xf32, #tpu.memory_space<hbm>>
      tpu.enqueue_indirect_dma source(%dma_start3A_328 : memref<10000x128xf32, #tpu.memory_space<hbm>>) target(%arg15 : memref<128x128xf32, #tpu.memory_space<vmem>>) offsets(%arg9 : memref<128xi32, #tpu.memory_space<vmem>>) semaphore(%arg22 : memref<!tpu.dma_semaphore, #tpu.memory_space<semaphore_mem>>)
      %add3A_329 = arith.constant 2 : i32
      %add3A_330 = arith.addi %add3A_310, %add3A_329 : i32
      %mul3A_331 = arith.constant 128 : i32
      %mul3A_332 = arith.muli %add3A_330, %mul3A_331 : i32
      %add3A_333 = arith.addi %mul3A_2, %mul3A_332 : i32
      %dma_start3A_334 = tpu.memref_slice %arg3[%add3A_333] : memref<323584xi32, #tpu.memory_space<hbm>> -> memref<128xi32, #tpu.memory_space<hbm>>
      %dma_start3A_335 = tpu.memref_slice %arg3[%add3A_333] : memref<323584xi32, #tpu.memory_space<hbm>> -> memref<128xi32, #tpu.memory_space<hbm>>
      tpu.enqueue_dma source(%dma_start3A_335 : memref<128xi32, #tpu.memory_space<hbm>>) target(%arg6 : memref<128xi32, #tpu.memory_space<vmem>>) target_semaphore(%arg17 : memref<!tpu.dma_semaphore, #tpu.memory_space<semaphore_mem>>)
      %mul3A_336 = arith.constant 128 : i32
      %mul3A_337 = arith.muli %add3A_330, %mul3A_336 : i32
      %add3A_338 = arith.addi %mul3A_2, %mul3A_337 : i32
      %dma_start3A_339 = tpu.memref_slice %arg4[%add3A_338] : memref<323584xi32, #tpu.memory_space<hbm>> -> memref<128xi32, #tpu.memory_space<hbm>>
      %dma_start3A_340 = tpu.memref_slice %arg4[%add3A_338] : memref<323584xi32, #tpu.memory_space<hbm>> -> memref<128xi32, #tpu.memory_space<hbm>>
      tpu.enqueue_dma source(%dma_start3A_340 : memref<128xi32, #tpu.memory_space<hbm>>) target(%arg10 : memref<128xi32, #tpu.memory_space<vmem>>) target_semaphore(%arg17 : memref<!tpu.dma_semaphore, #tpu.memory_space<semaphore_mem>>)
      %dma_wait3A_341 = arith.constant 0 : i32
      %dma_wait3A_342 = arith.constant 0 : i32
      %dma_wait3A_343 = tpu.memref_slice %arg2[%dma_wait3A_341, %dma_wait3A_342] : memref<10000x128xf32, #tpu.memory_space<hbm>> -> memref<10000x128xf32, #tpu.memory_space<hbm>>
      tpu.wait_indirect_dma semaphore(%arg21 : memref<!tpu.dma_semaphore, #tpu.memory_space<semaphore_mem>>) src(%dma_wait3A_343 : memref<10000x128xf32, #tpu.memory_space<hbm>>) dst(%arg14 : memref<128x128xf32, #tpu.memory_space<vmem>>)
      %dma_start3A_344 = arith.constant 0 : i32
      %dma_start3A_345 = arith.constant 0 : i32
      %dma_start3A_346 = tpu.memref_slice %arg16[%dma_start3A_344, %dma_start3A_345] : memref<10112x128xf32, #tpu.memory_space<vmem_shared>> -> memref<10112x128xf32, #tpu.memory_space<vmem_shared>>
      tpu.enqueue_indirect_dma source(%arg14 : memref<128x128xf32, #tpu.memory_space<vmem>>) target(%dma_start3A_346 : memref<10112x128xf32, #tpu.memory_space<vmem_shared>>) offsets(%arg12 : memref<128xi32, #tpu.memory_space<vmem>>) semaphore(%arg23 : memref<!tpu.dma_semaphore, #tpu.memory_space<semaphore_mem>>) {add = true}
      %add3A_347 = arith.constant 3 : i32
      %add3A_348 = arith.addi %mul3A_232, %add3A_347 : i32
      %add3A_349 = arith.constant 1 : i32
      %add3A_350 = arith.addi %add3A_348, %add3A_349 : i32
      %mul3A_351 = arith.constant 128 : i32
      %mul3A_352 = arith.muli %add3A_350, %mul3A_351 : i32
      %add3A_353 = arith.addi %mul3A_2, %mul3A_352 : i32
      %dma_wait3A_354 = tpu.memref_slice %arg3[%add3A_353] : memref<323584xi32, #tpu.memory_space<hbm>> -> memref<128xi32, #tpu.memory_space<hbm>>
      %dma_wait3A_355 = tpu.memref_slice %arg3[%add3A_353] : memref<323584xi32, #tpu.memory_space<hbm>> -> memref<128xi32, #tpu.memory_space<hbm>>
      tpu.wait_dma2 semaphore(%arg17 : memref<!tpu.dma_semaphore, #tpu.memory_space<semaphore_mem>>) src(%dma_wait3A_355 : memref<128xi32, #tpu.memory_space<hbm>>) dst(%arg6 : memref<128xi32, #tpu.memory_space<vmem>>)
      %mul3A_356 = arith.constant 128 : i32
      %mul3A_357 = arith.muli %add3A_350, %mul3A_356 : i32
      %add3A_358 = arith.addi %mul3A_2, %mul3A_357 : i32
      %dma_wait3A_359 = tpu.memref_slice %arg4[%add3A_358] : memref<323584xi32, #tpu.memory_space<hbm>> -> memref<128xi32, #tpu.memory_space<hbm>>
      %dma_wait3A_360 = tpu.memref_slice %arg4[%add3A_358] : memref<323584xi32, #tpu.memory_space<hbm>> -> memref<128xi32, #tpu.memory_space<hbm>>
      tpu.wait_dma2 semaphore(%arg17 : memref<!tpu.dma_semaphore, #tpu.memory_space<semaphore_mem>>) src(%dma_wait3A_360 : memref<128xi32, #tpu.memory_space<hbm>>) dst(%arg10 : memref<128xi32, #tpu.memory_space<vmem>>)
      %dma_wait3A_361 = arith.constant 0 : i32
      %dma_wait3A_362 = arith.constant 0 : i32
      %dma_wait3A_363 = tpu.memref_slice %arg16[%dma_wait3A_361, %dma_wait3A_362] : memref<10112x128xf32, #tpu.memory_space<vmem_shared>> -> memref<10112x128xf32, #tpu.memory_space<vmem_shared>>
      tpu.wait_indirect_dma semaphore(%arg23 : memref<!tpu.dma_semaphore, #tpu.memory_space<semaphore_mem>>) src(%arg14 : memref<128x128xf32, #tpu.memory_space<vmem>>) dst(%dma_wait3A_363 : memref<10112x128xf32, #tpu.memory_space<vmem_shared>>)
      %dma_start3A_364 = arith.constant 0 : i32
      %dma_start3A_365 = arith.constant 0 : i32
      %dma_start3A_366 = tpu.memref_slice %arg2[%dma_start3A_364, %dma_start3A_365] : memref<10000x128xf32, #tpu.memory_space<hbm>> -> memref<10000x128xf32, #tpu.memory_space<hbm>>
      tpu.enqueue_indirect_dma source(%dma_start3A_366 : memref<10000x128xf32, #tpu.memory_space<hbm>>) target(%arg14 : memref<128x128xf32, #tpu.memory_space<vmem>>) offsets(%arg6 : memref<128xi32, #tpu.memory_space<vmem>>) semaphore(%arg21 : memref<!tpu.dma_semaphore, #tpu.memory_space<semaphore_mem>>)
      %add3A_367 = arith.constant 2 : i32
      %add3A_368 = arith.addi %add3A_348, %add3A_367 : i32
      %mul3A_369 = arith.constant 128 : i32
      %mul3A_370 = arith.muli %add3A_368, %mul3A_369 : i32
      %add3A_371 = arith.addi %mul3A_2, %mul3A_370 : i32
      %dma_start3A_372 = tpu.memref_slice %arg3[%add3A_371] : memref<323584xi32, #tpu.memory_space<hbm>> -> memref<128xi32, #tpu.memory_space<hbm>>
      %dma_start3A_373 = tpu.memref_slice %arg3[%add3A_371] : memref<323584xi32, #tpu.memory_space<hbm>> -> memref<128xi32, #tpu.memory_space<hbm>>
      tpu.enqueue_dma source(%dma_start3A_373 : memref<128xi32, #tpu.memory_space<hbm>>) target(%arg7 : memref<128xi32, #tpu.memory_space<vmem>>) target_semaphore(%arg18 : memref<!tpu.dma_semaphore, #tpu.memory_space<semaphore_mem>>)
      %mul3A_374 = arith.constant 128 : i32
      %mul3A_375 = arith.muli %add3A_368, %mul3A_374 : i32
      %add3A_376 = arith.addi %mul3A_2, %mul3A_375 : i32
      %dma_start3A_377 = tpu.memref_slice %arg4[%add3A_376] : memref<323584xi32, #tpu.memory_space<hbm>> -> memref<128xi32, #tpu.memory_space<hbm>>
      %dma_start3A_378 = tpu.memref_slice %arg4[%add3A_376] : memref<323584xi32, #tpu.memory_space<hbm>> -> memref<128xi32, #tpu.memory_space<hbm>>
      tpu.enqueue_dma source(%dma_start3A_378 : memref<128xi32, #tpu.memory_space<hbm>>) target(%arg11 : memref<128xi32, #tpu.memory_space<vmem>>) target_semaphore(%arg18 : memref<!tpu.dma_semaphore, #tpu.memory_space<semaphore_mem>>)
      %dma_wait3A_379 = arith.constant 0 : i32
      %dma_wait3A_380 = arith.constant 0 : i32
      %dma_wait3A_381 = tpu.memref_slice %arg2[%dma_wait3A_379, %dma_wait3A_380] : memref<10000x128xf32, #tpu.memory_space<hbm>> -> memref<10000x128xf32, #tpu.memory_space<hbm>>
      tpu.wait_indirect_dma semaphore(%arg22 : memref<!tpu.dma_semaphore, #tpu.memory_space<semaphore_mem>>) src(%dma_wait3A_381 : memref<10000x128xf32, #tpu.memory_space<hbm>>) dst(%arg15 : memref<128x128xf32, #tpu.memory_space<vmem>>)
      %dma_start3A_382 = arith.constant 0 : i32
      %dma_start3A_383 = arith.constant 0 : i32
      %dma_start3A_384 = tpu.memref_slice %arg16[%dma_start3A_382, %dma_start3A_383] : memref<10112x128xf32, #tpu.memory_space<vmem_shared>> -> memref<10112x128xf32, #tpu.memory_space<vmem_shared>>
      tpu.enqueue_indirect_dma source(%arg15 : memref<128x128xf32, #tpu.memory_space<vmem>>) target(%dma_start3A_384 : memref<10112x128xf32, #tpu.memory_space<vmem_shared>>) offsets(%arg13 : memref<128xi32, #tpu.memory_space<vmem>>) semaphore(%arg24 : memref<!tpu.dma_semaphore, #tpu.memory_space<semaphore_mem>>) {add = true}
      %scan3A_385 = arith.constant 0 : i32
      scf.yield %scan3A_385 : i32
    }
    %scan3A_160 = arith.constant 18 : i32
    %add3A_161 = arith.constant 9856 : i32
    %add3A_162 = arith.addi %mul3A_2, %add3A_161 : i32
    %dma_wait3A_163 = tpu.memref_slice %arg3[%add3A_162] : memref<323584xi32, #tpu.memory_space<hbm>> -> memref<128xi32, #tpu.memory_space<hbm>>
    %dma_wait3A_164 = tpu.memref_slice %arg3[%add3A_162] : memref<323584xi32, #tpu.memory_space<hbm>> -> memref<128xi32, #tpu.memory_space<hbm>>
    tpu.wait_dma2 semaphore(%arg18 : memref<!tpu.dma_semaphore, #tpu.memory_space<semaphore_mem>>) src(%dma_wait3A_164 : memref<128xi32, #tpu.memory_space<hbm>>) dst(%arg7 : memref<128xi32, #tpu.memory_space<vmem>>)
    %add3A_165 = arith.constant 9856 : i32
    %add3A_166 = arith.addi %mul3A_2, %add3A_165 : i32
    %dma_wait3A_167 = tpu.memref_slice %arg4[%add3A_166] : memref<323584xi32, #tpu.memory_space<hbm>> -> memref<128xi32, #tpu.memory_space<hbm>>
    %dma_wait3A_168 = tpu.memref_slice %arg4[%add3A_166] : memref<323584xi32, #tpu.memory_space<hbm>> -> memref<128xi32, #tpu.memory_space<hbm>>
    tpu.wait_dma2 semaphore(%arg18 : memref<!tpu.dma_semaphore, #tpu.memory_space<semaphore_mem>>) src(%dma_wait3A_168 : memref<128xi32, #tpu.memory_space<hbm>>) dst(%arg11 : memref<128xi32, #tpu.memory_space<vmem>>)
    %dma_wait3A_169 = arith.constant 0 : i32
    %dma_wait3A_170 = arith.constant 0 : i32
    %dma_wait3A_171 = tpu.memref_slice %arg16[%dma_wait3A_169, %dma_wait3A_170] : memref<10112x128xf32, #tpu.memory_space<vmem_shared>> -> memref<10112x128xf32, #tpu.memory_space<vmem_shared>>
    tpu.wait_indirect_dma semaphore(%arg24 : memref<!tpu.dma_semaphore, #tpu.memory_space<semaphore_mem>>) src(%arg15 : memref<128x128xf32, #tpu.memory_space<vmem>>) dst(%dma_wait3A_171 : memref<10112x128xf32, #tpu.memory_space<vmem_shared>>)
    %dma_start3A_172 = arith.constant 0 : i32
    %dma_start3A_173 = arith.constant 0 : i32
    %dma_start3A_174 = tpu.memref_slice %arg2[%dma_start3A_172, %dma_start3A_173] : memref<10000x128xf32, #tpu.memory_space<hbm>> -> memref<10000x128xf32, #tpu.memory_space<hbm>>
    tpu.enqueue_indirect_dma source(%dma_start3A_174 : memref<10000x128xf32, #tpu.memory_space<hbm>>) target(%arg15 : memref<128x128xf32, #tpu.memory_space<vmem>>) offsets(%arg7 : memref<128xi32, #tpu.memory_space<vmem>>) semaphore(%arg22 : memref<!tpu.dma_semaphore, #tpu.memory_space<semaphore_mem>>)
    %add3A_175 = arith.constant 9984 : i32
    %add3A_176 = arith.addi %mul3A_2, %add3A_175 : i32
    %dma_start3A_177 = tpu.memref_slice %arg3[%add3A_176] : memref<323584xi32, #tpu.memory_space<hbm>> -> memref<128xi32, #tpu.memory_space<hbm>>
    %dma_start3A_178 = tpu.memref_slice %arg3[%add3A_176] : memref<323584xi32, #tpu.memory_space<hbm>> -> memref<128xi32, #tpu.memory_space<hbm>>
    tpu.enqueue_dma source(%dma_start3A_178 : memref<128xi32, #tpu.memory_space<hbm>>) target(%arg8 : memref<128xi32, #tpu.memory_space<vmem>>) target_semaphore(%arg19 : memref<!tpu.dma_semaphore, #tpu.memory_space<semaphore_mem>>)
    %add3A_179 = arith.constant 9984 : i32
    %add3A_180 = arith.addi %mul3A_2, %add3A_179 : i32
    %dma_start3A_181 = tpu.memref_slice %arg4[%add3A_180] : memref<323584xi32, #tpu.memory_space<hbm>> -> memref<128xi32, #tpu.memory_space<hbm>>
    %dma_start3A_182 = tpu.memref_slice %arg4[%add3A_180] : memref<323584xi32, #tpu.memory_space<hbm>> -> memref<128xi32, #tpu.memory_space<hbm>>
    tpu.enqueue_dma source(%dma_start3A_182 : memref<128xi32, #tpu.memory_space<hbm>>) target(%arg12 : memref<128xi32, #tpu.memory_space<vmem>>) target_semaphore(%arg19 : memref<!tpu.dma_semaphore, #tpu.memory_space<semaphore_mem>>)
    %dma_wait3A_183 = arith.constant 0 : i32
    %dma_wait3A_184 = arith.constant 0 : i32
    %dma_wait3A_185 = tpu.memref_slice %arg2[%dma_wait3A_183, %dma_wait3A_184] : memref<10000x128xf32, #tpu.memory_space<hbm>> -> memref<10000x128xf32, #tpu.memory_space<hbm>>
    tpu.wait_indirect_dma semaphore(%arg21 : memref<!tpu.dma_semaphore, #tpu.memory_space<semaphore_mem>>) src(%dma_wait3A_185 : memref<10000x128xf32, #tpu.memory_space<hbm>>) dst(%arg14 : memref<128x128xf32, #tpu.memory_space<vmem>>)
    %dma_start3A_186 = arith.constant 0 : i32
    %dma_start3A_187 = arith.constant 0 : i32
    %dma_start3A_188 = tpu.memref_slice %arg16[%dma_start3A_186, %dma_start3A_187] : memref<10112x128xf32, #tpu.memory_space<vmem_shared>> -> memref<10112x128xf32, #tpu.memory_space<vmem_shared>>
    tpu.enqueue_indirect_dma source(%arg14 : memref<128x128xf32, #tpu.memory_space<vmem>>) target(%dma_start3A_188 : memref<10112x128xf32, #tpu.memory_space<vmem_shared>>) offsets(%arg10 : memref<128xi32, #tpu.memory_space<vmem>>) semaphore(%arg23 : memref<!tpu.dma_semaphore, #tpu.memory_space<semaphore_mem>>) {add = true}
    %add3A_189 = arith.constant 9984 : i32
    %add3A_190 = arith.addi %mul3A_2, %add3A_189 : i32
    %dma_wait3A_191 = tpu.memref_slice %arg3[%add3A_190] : memref<323584xi32, #tpu.memory_space<hbm>> -> memref<128xi32, #tpu.memory_space<hbm>>
    %dma_wait3A_192 = tpu.memref_slice %arg3[%add3A_190] : memref<323584xi32, #tpu.memory_space<hbm>> -> memref<128xi32, #tpu.memory_space<hbm>>
    tpu.wait_dma2 semaphore(%arg19 : memref<!tpu.dma_semaphore, #tpu.memory_space<semaphore_mem>>) src(%dma_wait3A_192 : memref<128xi32, #tpu.memory_space<hbm>>) dst(%arg8 : memref<128xi32, #tpu.memory_space<vmem>>)
    %add3A_193 = arith.constant 9984 : i32
    %add3A_194 = arith.addi %mul3A_2, %add3A_193 : i32
    %dma_wait3A_195 = tpu.memref_slice %arg4[%add3A_194] : memref<323584xi32, #tpu.memory_space<hbm>> -> memref<128xi32, #tpu.memory_space<hbm>>
    %dma_wait3A_196 = tpu.memref_slice %arg4[%add3A_194] : memref<323584xi32, #tpu.memory_space<hbm>> -> memref<128xi32, #tpu.memory_space<hbm>>
    tpu.wait_dma2 semaphore(%arg19 : memref<!tpu.dma_semaphore, #tpu.memory_space<semaphore_mem>>) src(%dma_wait3A_196 : memref<128xi32, #tpu.memory_space<hbm>>) dst(%arg12 : memref<128xi32, #tpu.memory_space<vmem>>)
    %dma_wait3A_197 = arith.constant 0 : i32
    %dma_wait3A_198 = arith.constant 0 : i32
    %dma_wait3A_199 = tpu.memref_slice %arg16[%dma_wait3A_197, %dma_wait3A_198] : memref<10112x128xf32, #tpu.memory_space<vmem_shared>> -> memref<10112x128xf32, #tpu.memory_space<vmem_shared>>
    tpu.wait_indirect_dma semaphore(%arg23 : memref<!tpu.dma_semaphore, #tpu.memory_space<semaphore_mem>>) src(%arg14 : memref<128x128xf32, #tpu.memory_space<vmem>>) dst(%dma_wait3A_199 : memref<10112x128xf32, #tpu.memory_space<vmem_shared>>)
    %dma_start3A_200 = arith.constant 0 : i32
    %dma_start3A_201 = arith.constant 0 : i32
    %dma_start3A_202 = tpu.memref_slice %arg2[%dma_start3A_200, %dma_start3A_201] : memref<10000x128xf32, #tpu.memory_space<hbm>> -> memref<10000x128xf32, #tpu.memory_space<hbm>>
    tpu.enqueue_indirect_dma source(%dma_start3A_202 : memref<10000x128xf32, #tpu.memory_space<hbm>>) target(%arg14 : memref<128x128xf32, #tpu.memory_space<vmem>>) offsets(%arg8 : memref<128xi32, #tpu.memory_space<vmem>>) semaphore(%arg21 : memref<!tpu.dma_semaphore, #tpu.memory_space<semaphore_mem>>)
    %dma_wait3A_203 = arith.constant 0 : i32
    %dma_wait3A_204 = arith.constant 0 : i32
    %dma_wait3A_205 = tpu.memref_slice %arg2[%dma_wait3A_203, %dma_wait3A_204] : memref<10000x128xf32, #tpu.memory_space<hbm>> -> memref<10000x128xf32, #tpu.memory_space<hbm>>
    tpu.wait_indirect_dma semaphore(%arg22 : memref<!tpu.dma_semaphore, #tpu.memory_space<semaphore_mem>>) src(%dma_wait3A_205 : memref<10000x128xf32, #tpu.memory_space<hbm>>) dst(%arg15 : memref<128x128xf32, #tpu.memory_space<vmem>>)
    %dma_start3A_206 = arith.constant 0 : i32
    %dma_start3A_207 = arith.constant 0 : i32
    %dma_start3A_208 = tpu.memref_slice %arg16[%dma_start3A_206, %dma_start3A_207] : memref<10112x128xf32, #tpu.memory_space<vmem_shared>> -> memref<10112x128xf32, #tpu.memory_space<vmem_shared>>
    tpu.enqueue_indirect_dma source(%arg15 : memref<128x128xf32, #tpu.memory_space<vmem>>) target(%dma_start3A_208 : memref<10112x128xf32, #tpu.memory_space<vmem_shared>>) offsets(%arg11 : memref<128xi32, #tpu.memory_space<vmem>>) semaphore(%arg24 : memref<!tpu.dma_semaphore, #tpu.memory_space<semaphore_mem>>) {add = true}
    %dma_wait3A_209 = arith.constant 0 : i32
    %dma_wait3A_210 = arith.constant 0 : i32
    %dma_wait3A_211 = tpu.memref_slice %arg16[%dma_wait3A_209, %dma_wait3A_210] : memref<10112x128xf32, #tpu.memory_space<vmem_shared>> -> memref<10112x128xf32, #tpu.memory_space<vmem_shared>>
    tpu.wait_indirect_dma semaphore(%arg24 : memref<!tpu.dma_semaphore, #tpu.memory_space<semaphore_mem>>) src(%arg15 : memref<128x128xf32, #tpu.memory_space<vmem>>) dst(%dma_wait3A_211 : memref<10112x128xf32, #tpu.memory_space<vmem_shared>>)
    %dma_wait3A_212 = arith.constant 0 : i32
    %dma_wait3A_213 = arith.constant 0 : i32
    %dma_wait3A_214 = tpu.memref_slice %arg2[%dma_wait3A_212, %dma_wait3A_213] : memref<10000x128xf32, #tpu.memory_space<hbm>> -> memref<10000x128xf32, #tpu.memory_space<hbm>>
    tpu.wait_indirect_dma semaphore(%arg21 : memref<!tpu.dma_semaphore, #tpu.memory_space<semaphore_mem>>) src(%dma_wait3A_214 : memref<10000x128xf32, #tpu.memory_space<hbm>>) dst(%arg14 : memref<128x128xf32, #tpu.memory_space<vmem>>)
    %dma_start3A_215 = arith.constant 0 : i32
    %dma_start3A_216 = arith.constant 0 : i32
    %dma_start3A_217 = tpu.memref_slice %arg16[%dma_start3A_215, %dma_start3A_216] : memref<10112x128xf32, #tpu.memory_space<vmem_shared>> -> memref<10112x128xf32, #tpu.memory_space<vmem_shared>>
    tpu.enqueue_indirect_dma source(%arg14 : memref<128x128xf32, #tpu.memory_space<vmem>>) target(%dma_start3A_217 : memref<10112x128xf32, #tpu.memory_space<vmem_shared>>) offsets(%arg12 : memref<128xi32, #tpu.memory_space<vmem>>) semaphore(%arg23 : memref<!tpu.dma_semaphore, #tpu.memory_space<semaphore_mem>>) {add = true}
    %dma_wait3A_218 = arith.constant 0 : i32
    %dma_wait3A_219 = arith.constant 0 : i32
    %dma_wait3A_220 = tpu.memref_slice %arg16[%dma_wait3A_218, %dma_wait3A_219] : memref<10112x128xf32, #tpu.memory_space<vmem_shared>> -> memref<10112x128xf32, #tpu.memory_space<vmem_shared>>
    tpu.wait_indirect_dma semaphore(%arg23 : memref<!tpu.dma_semaphore, #tpu.memory_space<semaphore_mem>>) src(%arg14 : memref<128x128xf32, #tpu.memory_space<vmem>>) dst(%dma_wait3A_220 : memref<10112x128xf32, #tpu.memory_space<vmem_shared>>)
    %barrier3A_221 = arith.constant 0 : index
    tpu.barrier barrier_id(%barrier3A_221)
    %mul3A_222 = arith.constant 632 : i32
    %mul3A_223 = arith.muli %arg1, %mul3A_222 : i32
    %mul3A_224 = arith.constant 10112 : i32
    %mul3A_225 = arith.muli %arg0, %mul3A_224 : i32
    %mul3A_226 = arith.constant 632 : i32
    %mul3A_227 = arith.muli %arg1, %mul3A_226 : i32
    %add3A_228 = arith.addi %mul3A_225, %mul3A_227 : i32
    "tpu.region"() ({
      %run_scoped3A = tpu.sem_alloc : memref<!tpu.dma_semaphore, #tpu.memory_space<semaphore_mem>>
      %dma_start3A_229 = arith.constant 0 : i32
      %dma_start3A_230 = tpu.memref_slice %arg5[%add3A_228, %dma_start3A_229] : memref<20224x128xf32, #tpu.memory_space<hbm>> -> memref<632x128xf32, #tpu.memory_space<hbm>>
      %dma_start3A_231 = arith.constant 0 : i32
      %dma_start3A_232 = tpu.memref_slice %arg16[%mul3A_223, %dma_start3A_231] : memref<10112x128xf32, #tpu.memory_space<vmem_shared>> -> memref<632x128xf32, #tpu.memory_space<vmem_shared>>
      tpu.enqueue_dma source(%dma_start3A_232 : memref<632x128xf32, #tpu.memory_space<vmem_shared>>) target(%dma_start3A_230 : memref<632x128xf32, #tpu.memory_space<hbm>>) target_semaphore(%run_scoped3A : memref<!tpu.dma_semaphore, #tpu.memory_space<semaphore_mem>>)
      %dma_wait3A_233 = arith.constant 0 : i32
      %dma_wait3A_234 = tpu.memref_slice %arg5[%add3A_228, %dma_wait3A_233] : memref<20224x128xf32, #tpu.memory_space<hbm>> -> memref<632x128xf32, #tpu.memory_space<hbm>>
      %dma_wait3A_235 = arith.constant 0 : i32
      %dma_wait3A_236 = tpu.memref_slice %arg16[%mul3A_223, %dma_wait3A_235] : memref<10112x128xf32, #tpu.memory_space<vmem_shared>> -> memref<632x128xf32, #tpu.memory_space<vmem_shared>>
      tpu.wait_dma2 semaphore(%run_scoped3A : memref<!tpu.dma_semaphore, #tpu.memory_space<semaphore_mem>>) src(%dma_wait3A_236 : memref<632x128xf32, #tpu.memory_space<vmem_shared>>) dst(%dma_wait3A_234 : memref<632x128xf32, #tpu.memory_space<hbm>>)
      tpu.yield
    }) : () -> ()
    return
  }
}

module attributes {stable_mosaic.version = 14 : i64} {
  func.func @body(%arg0: i32, %arg1: memref<1000x128xf32, #tpu.memory_space<vmem>>, %arg2: memref<128x128xf32, #tpu.memory_space<vmem>>, %arg3: memref<1000x1xf32, #tpu.memory_space<vmem>>, %arg4: memref<1000x1xf32, #tpu.memory_space<vmem>>, %arg5: memref<1000x128xf32, #tpu.memory_space<vmem>>) attributes {dimension_semantics = [#tpu.dimension_semantics<arbitrary>], iteration_bounds = array<i64: 10>, scalar_prefetch = 0 : i64, scratch_operands = 0 : i64, tpu.core_type = #tpu.core_type<tc>, window_params = [{transform_indices = @transform_0, window_bounds = array<i64: 1000, 128>}, {pipeline_mode = #tpu.pipeline_mode<synchronous>, transform_indices = @transform_1, window_bounds = array<i64: 128, 128>}, {transform_indices = @transform_2, window_bounds = array<i64: 1000, 1>}, {transform_indices = @transform_3, window_bounds = array<i64: 1000, 1>}, {transform_indices = @transform_4, window_bounds = array<i64: 1000, 128>}]} {
    %get3A = arith.constant 0 : index
    %get3A_0 = arith.constant 0 : index
    %get3A_1 = vector.load %arg3[%get3A, %get3A_0] : memref<1000x1xf32, #tpu.memory_space<vmem>>, vector<1000x1xf32>
    %get3A_2 = arith.constant 0 : index
    %get3A_3 = arith.constant 0 : index
    %get3A_4 = vector.load %arg4[%get3A_2, %get3A_3] : memref<1000x1xf32, #tpu.memory_space<vmem>>, vector<1000x1xf32>
    %add3A = arith.addf %get3A_1, %get3A_4 : vector<1000x1xf32>
    %add3A_5 = arith.constant 1.000000e+00 : f32
    %add3A_6 = vector.broadcast %add3A_5 : f32 to vector<1000x1xf32>
    %add3A_7 = arith.addf %add3A, %add3A_6 : vector<1000x1xf32>
    %rsqrt3A = math.rsqrt %add3A_7 : vector<1000x1xf32>
    %get3A_8 = arith.constant 0 : index
    %get3A_9 = arith.constant 0 : index
    %get3A_10 = vector.load %arg1[%get3A_8, %get3A_9] : memref<1000x128xf32, #tpu.memory_space<vmem>>, vector<1000x128xf32>
    %get3A_11 = arith.constant 0 : index
    %get3A_12 = arith.constant 0 : index
    %get3A_13 = vector.load %arg2[%get3A_11, %get3A_12] : memref<128x128xf32, #tpu.memory_space<vmem>>, vector<128x128xf32>
    %dot_general3A = arith.constant dense<0.000000e+00> : vector<1000x128xf32>
    %dot_general3A_14 = tpu.matmul %get3A_10, %get3A_13, %dot_general3A {dimension_numbers = #tpu.dot_dimension_numbers<[1], [0], [0], [1], [0, 0, 1, 1], [], []>, transpose_lhs_hint = false} : vector<1000x128xf32>, vector<128x128xf32>, vector<1000x128xf32> -> vector<1000x128xf32>
    %mul3A = vector.broadcast %rsqrt3A : vector<1000x1xf32> to vector<1000x128xf32>
    %mul3A_15 = arith.mulf %dot_general3A_14, %mul3A : vector<1000x128xf32>
    %swap3A = arith.constant 0 : index
    %swap3A_16 = arith.constant 0 : index
    %swap3A_17 = vector.load %arg5[%swap3A, %swap3A_16] : memref<1000x128xf32, #tpu.memory_space<vmem>>, vector<1000x128xf32>
    tpu.vector_store %arg5[%swap3A, %swap3A_16], %mul3A_15 {strides = array<i32>} : memref<1000x128xf32, #tpu.memory_space<vmem>>, vector<1000x128xf32>,
    return
  }
  func.func @transform_0(%arg0: i32) -> (i32, i32) {
    %c0_i32 = arith.constant 0 : i32
    %c0_i32_0 = arith.constant 0 : i32
    return %arg0, %c0_i32 : i32, i32
  }
  func.func @transform_1(%arg0: i32) -> (i32, i32) {
    %c0_i32 = arith.constant 0 : i32
    %c0_i32_0 = arith.constant 0 : i32
    %c0_i32_1 = arith.constant 0 : i32
    return %c0_i32, %c0_i32_0 : i32, i32
  }
  func.func @transform_2(%arg0: i32) -> (i32, i32) {
    %c0_i32 = arith.constant 0 : i32
    %c0_i32_0 = arith.constant 0 : i32
    return %arg0, %c0_i32 : i32, i32
  }
  func.func @transform_3(%arg0: i32) -> (i32, i32) {
    %c0_i32 = arith.constant 0 : i32
    %c0_i32_0 = arith.constant 0 : i32
    return %arg0, %c0_i32 : i32, i32
  }
  func.func @transform_4(%arg0: i32) -> (i32, i32) {
    %c0_i32 = arith.constant 0 : i32
    %c0_i32_0 = arith.constant 0 : i32
    return %arg0, %c0_i32 : i32, i32
  }
}

module attributes {stable_mosaic.version = 14 : i64} {
  func.func @body(%arg0: i32, %arg1: memref<1000x128xf32, #tpu.memory_space<vmem>>, %arg2: memref<1000x128xf32, #tpu.memory_space<vmem>>, %arg3: memref<1000x128xf32, #tpu.memory_space<vmem>>, %arg4: memref<1000x1xf32, #tpu.memory_space<vmem>>, %arg5: memref<1000x1xf32, #tpu.memory_space<vmem>>, %arg6: memref<1x128xf32, #tpu.memory_space<vmem>>, %arg7: memref<128x128xf32, #tpu.memory_space<vmem>>, %arg8: memref<1000x128xf32, #tpu.memory_space<vmem>>) attributes {dimension_semantics = [#tpu.dimension_semantics<arbitrary>], iteration_bounds = array<i64: 10>, scalar_prefetch = 0 : i64, scratch_operands = 0 : i64, tpu.core_type = #tpu.core_type<tc>, window_params = [{transform_indices = @transform_0, window_bounds = array<i64: 1000, 128>}, {transform_indices = @transform_1, window_bounds = array<i64: 1000, 128>}, {transform_indices = @transform_2, window_bounds = array<i64: 1000, 128>}, {transform_indices = @transform_3, window_bounds = array<i64: 1000, 1>}, {transform_indices = @transform_4, window_bounds = array<i64: 1000, 1>}, {pipeline_mode = #tpu.pipeline_mode<synchronous>, transform_indices = @transform_5, window_bounds = array<i64: 1, 128>}, {pipeline_mode = #tpu.pipeline_mode<synchronous>, transform_indices = @transform_6, window_bounds = array<i64: 128, 128>}, {transform_indices = @transform_7, window_bounds = array<i64: 1000, 128>}]} {
    %get3A = arith.constant 0 : index
    %get3A_0 = arith.constant 0 : index
    %get3A_1 = vector.load %arg4[%get3A, %get3A_0] : memref<1000x1xf32, #tpu.memory_space<vmem>>, vector<1000x1xf32>
    %get3A_2 = arith.constant 0 : index
    %get3A_3 = arith.constant 0 : index
    %get3A_4 = vector.load %arg5[%get3A_2, %get3A_3] : memref<1000x1xf32, #tpu.memory_space<vmem>>, vector<1000x1xf32>
    %add3A = arith.addf %get3A_1, %get3A_4 : vector<1000x1xf32>
    %add3A_5 = arith.constant 1.000000e+00 : f32
    %add3A_6 = vector.broadcast %add3A_5 : f32 to vector<1000x1xf32>
    %add3A_7 = arith.addf %add3A, %add3A_6 : vector<1000x1xf32>
    %rsqrt3A = math.rsqrt %add3A_7 : vector<1000x1xf32>
    %get3A_8 = arith.constant 0 : index
    %get3A_9 = arith.constant 0 : index
    %get3A_10 = vector.load %arg1[%get3A_8, %get3A_9] : memref<1000x128xf32, #tpu.memory_space<vmem>>, vector<1000x128xf32>
    %get3A_11 = arith.constant 0 : index
    %get3A_12 = arith.constant 0 : index
    %get3A_13 = vector.load %arg2[%get3A_11, %get3A_12] : memref<1000x128xf32, #tpu.memory_space<vmem>>, vector<1000x128xf32>
    %add3A_14 = arith.addf %get3A_10, %get3A_13 : vector<1000x128xf32>
    %get3A_15 = arith.constant 0 : index
    %get3A_16 = arith.constant 0 : index
    %get3A_17 = vector.load %arg3[%get3A_15, %get3A_16] : memref<1000x128xf32, #tpu.memory_space<vmem>>, vector<1000x128xf32>
    %add3A_18 = arith.addf %add3A_14, %get3A_17 : vector<1000x128xf32>
    %mul3A = vector.broadcast %rsqrt3A : vector<1000x1xf32> to vector<1000x128xf32>
    %mul3A_19 = arith.mulf %mul3A, %add3A_18 : vector<1000x128xf32>
    %get3A_20 = arith.constant 0 : index
    %get3A_21 = arith.constant 0 : index
    %get3A_22 = vector.load %arg6[%get3A_20, %get3A_21] : memref<1x128xf32, #tpu.memory_space<vmem>>, vector<1x128xf32>
    %add3A_23 = vector.broadcast %get3A_22 : vector<1x128xf32> to vector<1000x128xf32>
    %add3A_24 = arith.addf %mul3A_19, %add3A_23 : vector<1000x128xf32>
    %gt3A = arith.constant 0.000000e+00 : f32
    %gt3A_25 = vector.broadcast %gt3A : f32 to vector<1000x128xf32>
    %gt3A_26 = arith.cmpf ogt, %add3A_24, %gt3A_25 : vector<1000x128xf32>
    %mul3A_27 = arith.constant 0.00999999977 : f32
    %mul3A_28 = vector.broadcast %mul3A_27 : f32 to vector<1000x128xf32>
    %mul3A_29 = arith.mulf %mul3A_28, %add3A_24 : vector<1000x128xf32>
    %select_n3A = arith.select %gt3A_26, %add3A_24, %mul3A_29 : vector<1000x128xi1>, vector<1000x128xf32>
    %get3A_30 = arith.constant 0 : index
    %get3A_31 = arith.constant 0 : index
    %get3A_32 = vector.load %arg7[%get3A_30, %get3A_31] : memref<128x128xf32, #tpu.memory_space<vmem>>, vector<128x128xf32>
    %dot_general3A = arith.constant dense<0.000000e+00> : vector<1000x128xf32>
    %dot_general3A_33 = tpu.matmul %select_n3A, %get3A_32, %dot_general3A {dimension_numbers = #tpu.dot_dimension_numbers<[1], [0], [0], [1], [0, 0, 1, 1], [], []>, transpose_lhs_hint = false} : vector<1000x128xf32>, vector<128x128xf32>, vector<1000x128xf32> -> vector<1000x128xf32>
    %mul3A_34 = vector.broadcast %rsqrt3A : vector<1000x1xf32> to vector<1000x128xf32>
    %mul3A_35 = arith.mulf %dot_general3A_33, %mul3A_34 : vector<1000x128xf32>
    %swap3A = arith.constant 0 : index
    %swap3A_36 = arith.constant 0 : index
    %swap3A_37 = vector.load %arg8[%swap3A, %swap3A_36] : memref<1000x128xf32, #tpu.memory_space<vmem>>, vector<1000x128xf32>
    tpu.vector_store %arg8[%swap3A, %swap3A_36], %mul3A_35 {strides = array<i32>} : memref<1000x128xf32, #tpu.memory_space<vmem>>, vector<1000x128xf32>,
    return
  }
  func.func @transform_0(%arg0: i32) -> (i32, i32) {
    %c0_i32 = arith.constant 0 : i32
    %c0_i32_0 = arith.constant 0 : i32
    return %arg0, %c0_i32 : i32, i32
  }
  func.func @transform_1(%arg0: i32) -> (i32, i32) {
    %c0_i32 = arith.constant 0 : i32
    %c0_i32_0 = arith.constant 0 : i32
    return %arg0, %c0_i32 : i32, i32
  }
  func.func @transform_2(%arg0: i32) -> (i32, i32) {
    %c0_i32 = arith.constant 0 : i32
    %c0_i32_0 = arith.constant 0 : i32
    return %arg0, %c0_i32 : i32, i32
  }
  func.func @transform_3(%arg0: i32) -> (i32, i32) {
    %c0_i32 = arith.constant 0 : i32
    %c0_i32_0 = arith.constant 0 : i32
    return %arg0, %c0_i32 : i32, i32
  }
  func.func @transform_4(%arg0: i32) -> (i32, i32) {
    %c0_i32 = arith.constant 0 : i32
    %c0_i32_0 = arith.constant 0 : i32
    return %arg0, %c0_i32 : i32, i32
  }
  func.func @transform_5(%arg0: i32) -> (i32, i32) {
    %c0_i32 = arith.constant 0 : i32
    %c0_i32_0 = arith.constant 0 : i32
    %c0_i32_1 = arith.constant 0 : i32
    return %c0_i32, %c0_i32_0 : i32, i32
  }
  func.func @transform_6(%arg0: i32) -> (i32, i32) {
    %c0_i32 = arith.constant 0 : i32
    %c0_i32_0 = arith.constant 0 : i32
    %c0_i32_1 = arith.constant 0 : i32
    return %c0_i32, %c0_i32_0 : i32, i32
  }
  func.func @transform_7(%arg0: i32) -> (i32, i32) {
    %c0_i32 = arith.constant 0 : i32
    %c0_i32_0 = arith.constant 0 : i32
    return %arg0, %c0_i32 : i32, i32
  }
}

module attributes {stable_mosaic.version = 14 : i64} {
  func.func @body(%arg0: i32, %arg1: memref<1000x128xf32, #tpu.memory_space<vmem>>, %arg2: memref<1000x128xf32, #tpu.memory_space<vmem>>, %arg3: memref<1000x128xf32, #tpu.memory_space<vmem>>, %arg4: memref<1000x1xf32, #tpu.memory_space<vmem>>, %arg5: memref<1000x1xf32, #tpu.memory_space<vmem>>, %arg6: memref<1x128xf32, #tpu.memory_space<vmem>>, %arg7: memref<1000x128xf32, #tpu.memory_space<vmem>>) attributes {dimension_semantics = [#tpu.dimension_semantics<arbitrary>], iteration_bounds = array<i64: 10>, scalar_prefetch = 0 : i64, scratch_operands = 0 : i64, tpu.core_type = #tpu.core_type<tc>, window_params = [{transform_indices = @transform_0, window_bounds = array<i64: 1000, 128>}, {transform_indices = @transform_1, window_bounds = array<i64: 1000, 128>}, {transform_indices = @transform_2, window_bounds = array<i64: 1000, 128>}, {transform_indices = @transform_3, window_bounds = array<i64: 1000, 1>}, {transform_indices = @transform_4, window_bounds = array<i64: 1000, 1>}, {pipeline_mode = #tpu.pipeline_mode<synchronous>, transform_indices = @transform_5, window_bounds = array<i64: 1, 128>}, {transform_indices = @transform_6, window_bounds = array<i64: 1000, 128>}]} {
    %get3A = arith.constant 0 : index
    %get3A_0 = arith.constant 0 : index
    %get3A_1 = vector.load %arg4[%get3A, %get3A_0] : memref<1000x1xf32, #tpu.memory_space<vmem>>, vector<1000x1xf32>
    %get3A_2 = arith.constant 0 : index
    %get3A_3 = arith.constant 0 : index
    %get3A_4 = vector.load %arg5[%get3A_2, %get3A_3] : memref<1000x1xf32, #tpu.memory_space<vmem>>, vector<1000x1xf32>
    %add3A = arith.addf %get3A_1, %get3A_4 : vector<1000x1xf32>
    %add3A_5 = arith.constant 1.000000e+00 : f32
    %add3A_6 = vector.broadcast %add3A_5 : f32 to vector<1000x1xf32>
    %add3A_7 = arith.addf %add3A, %add3A_6 : vector<1000x1xf32>
    %rsqrt3A = math.rsqrt %add3A_7 : vector<1000x1xf32>
    %get3A_8 = arith.constant 0 : index
    %get3A_9 = arith.constant 0 : index
    %get3A_10 = vector.load %arg1[%get3A_8, %get3A_9] : memref<1000x128xf32, #tpu.memory_space<vmem>>, vector<1000x128xf32>
    %get3A_11 = arith.constant 0 : index
    %get3A_12 = arith.constant 0 : index
    %get3A_13 = vector.load %arg2[%get3A_11, %get3A_12] : memref<1000x128xf32, #tpu.memory_space<vmem>>, vector<1000x128xf32>
    %add3A_14 = arith.addf %get3A_10, %get3A_13 : vector<1000x128xf32>
    %get3A_15 = arith.constant 0 : index
    %get3A_16 = arith.constant 0 : index
    %get3A_17 = vector.load %arg3[%get3A_15, %get3A_16] : memref<1000x128xf32, #tpu.memory_space<vmem>>, vector<1000x128xf32>
    %add3A_18 = arith.addf %add3A_14, %get3A_17 : vector<1000x128xf32>
    %mul3A = vector.broadcast %rsqrt3A : vector<1000x1xf32> to vector<1000x128xf32>
    %mul3A_19 = arith.mulf %mul3A, %add3A_18 : vector<1000x128xf32>
    %get3A_20 = arith.constant 0 : index
    %get3A_21 = arith.constant 0 : index
    %get3A_22 = vector.load %arg6[%get3A_20, %get3A_21] : memref<1x128xf32, #tpu.memory_space<vmem>>, vector<1x128xf32>
    %add3A_23 = vector.broadcast %get3A_22 : vector<1x128xf32> to vector<1000x128xf32>
    %add3A_24 = arith.addf %mul3A_19, %add3A_23 : vector<1000x128xf32>
    %swap3A = arith.constant 0 : index
    %swap3A_25 = arith.constant 0 : index
    %swap3A_26 = vector.load %arg7[%swap3A, %swap3A_25] : memref<1000x128xf32, #tpu.memory_space<vmem>>, vector<1000x128xf32>
    tpu.vector_store %arg7[%swap3A, %swap3A_25], %add3A_24 {strides = array<i32>} : memref<1000x128xf32, #tpu.memory_space<vmem>>, vector<1000x128xf32>,
    return
  }
  func.func @transform_0(%arg0: i32) -> (i32, i32) {
    %c0_i32 = arith.constant 0 : i32
    %c0_i32_0 = arith.constant 0 : i32
    return %arg0, %c0_i32 : i32, i32
  }
  func.func @transform_1(%arg0: i32) -> (i32, i32) {
    %c0_i32 = arith.constant 0 : i32
    %c0_i32_0 = arith.constant 0 : i32
    return %arg0, %c0_i32 : i32, i32
  }
  func.func @transform_2(%arg0: i32) -> (i32, i32) {
    %c0_i32 = arith.constant 0 : i32
    %c0_i32_0 = arith.constant 0 : i32
    return %arg0, %c0_i32 : i32, i32
  }
  func.func @transform_3(%arg0: i32) -> (i32, i32) {
    %c0_i32 = arith.constant 0 : i32
    %c0_i32_0 = arith.constant 0 : i32
    return %arg0, %c0_i32 : i32, i32
  }
  func.func @transform_4(%arg0: i32) -> (i32, i32) {
    %c0_i32 = arith.constant 0 : i32
    %c0_i32_0 = arith.constant 0 : i32
    return %arg0, %c0_i32 : i32, i32
  }
  func.func @transform_5(%arg0: i32) -> (i32, i32) {
    %c0_i32 = arith.constant 0 : i32
    %c0_i32_0 = arith.constant 0 : i32
    %c0_i32_1 = arith.constant 0 : i32
    return %c0_i32, %c0_i32_0 : i32, i32
  }
  func.func @transform_6(%arg0: i32) -> (i32, i32) {
    %c0_i32 = arith.constant 0 : i32
    %c0_i32_0 = arith.constant 0 : i32
    return %arg0, %c0_i32 : i32, i32
  }
}

</mosaic_0001>

<sc_bundles>
// kernel: kernel.11.cloned.1.call-start
scs
__scs_entry_jumppad:
0x0: {  	(pc) =	sbr.rel $0x88, $3  }
0x1: {  	(tag) =	ssettag $0x0;
	lr =	simm.s32 $0x1  }
0x2: {  	[smem:$0x3F9B] =	sst lr;
	_ =	strace $0xD0000000  }
0x3: {  	_ = 	snop  }
0x4: {  	_ = 	snop  }
0x5: {  	_ = 	snop  }
0x6: {  	_ = 	snop  }
0x7: {  	_ = 	snop  }
__scs_overlays_trampoline_lowered:
0x8: {  	[smem:$0x3FAA] =	sst s0  }
0x9: {  	[smem:$0x3FAB] =	sst s1  }
0xa: {  	[smem:$0x3FAC] =	sst s2  }
0xb: {  	[smem:$0x3FAD] =	sst s3  }
0xc: {  	[smem:$0x3FAE] =	sst s4  }
0xd: {  	[smem:$0x3FAF] =	sst s5  }
0xe: {  	[smem:$0x3FB0] =	sst s6  }
0xf: {  	[smem:$0x3FB1] =	sst s7  }
0x10: {  	[smem:$0x3FB2] =	sst s8  }
0x11: {  	[smem:$0x3FB3] =	sst s9;
	s0 =	simm.s32 @!p0 $0x0  }
0x12: {  	s1 =	sld [smem:$0x3F99];
	s0 =	simm.s32 @p0 $0x1  }
0x13: {  	[smem:$0x3FB4] =	sst s0;
	s0 =	simm.s32 @!p1 $0x0  }
0x14: {  	s2 =	sld [smem:$0x3F98];
	s0 =	simm.s32 @p1 $0x1  }
0x15: {  	[smem:$0x3FB5] =	sst s0;
	s0 =	simm.s32 @!p2 $0x0  }
0x16: {  	s3 =	sld [smem:$0x3FDB];
	s0 =	simm.s32 @p2 $0x1  }
0x17: {  	s4 =	simm.s32 $0x1BF5;
	[smem:$0x3FB7] =	sst s0  }
0x18: {  	s0 =	sld [smem:$0x3F9A];
	_ =	swait.ge [sflag:s4], $0x0  }
0x19: {  	s7 =	sld [smem:$0x3F9B]  }
0x1a: {  	s8 =	sadd.s32 $0xFFFFE003, lr  }
0x1b: {  	s9 =	sadd.s32 $0xFFFFFEF7, lr;
	s5 =	simm.s32 $0xFFFFFFFF;
	p2 =	slt.u32 s8, $0xFFFFF086  }
0x1c: {  	p1 =	slt.u32 s9, $0xF7A;
	s5 =	simm.s32 @!p2 $0x0  }
0x1d: {  	s5 =	simm.s32 @p1 $0x1;
	p0 =	seq.s32 s7, s2  }
0x1e: {  	s7 =	smul.u32 @!p0 $0xF7A, s2;
	p2 =	seq.s32 @!p0 s5, $0x0  }
0x1f: {  	s9 =	smul.u32 $0xF7A, s1;
	s8 =	simm.s32 @!p0 $0x1BF5;
	p2 =	por !p2, p0  }
0x20: {  	[sflag:s8] =	ssyncset.s32 @!p0 $0xFFFFF086;
	s6 =	sadd.s32 @!p0 s3, s7;
	s7 =	simm.s32 @!p0 $0x108  }
0x21: {  	s3 =	sadd.s32 s3, s9;
	s6 =	sadd.s32 @!p0 $0x88, s6;
	s7 =	simm.s32 @p2 $0x1082  }
0x22: {  	[simem:s7], [sflag:s8] =	dma.local @!p0 [hbm:s6], $0xF7A  }
0x23: {  	s9 =	sor.u32 $0xD0000000, s2;
	s6 =	simm.s32 $0x108;
	_ =	swait.ge @!p0 [sflag:s8], $0x0  }
0x24: {  	s3 =	sadd.s32 $0x88, s3;
	s6 =	simm.s32 @!p1 $0x1082;
	[sflag:s4] =	ssyncset.s32 $0xFFFFF086  }
0x25: {  	[simem:s6], [sflag:s4] =	dma.local [hbm:s3], $0xF7A  }
0x26: {  	[smem:$0x3F9B] =	sst s1;
	(tag) =	ssettag s2;
	_ =	strace s9  }
0x27: {  	s1 =	sld [smem:$0x3FAB]  }
0x28: {  	s2 =	sld [smem:$0x3FAC]  }
0x29: {  	s4 =	sld [smem:$0x3FAE]  }
0x2a: {  	p0 =	seq.s32 s5, $0x0;
	s5 =	sld [smem:$0x3FAF]  }
0x2b: {  	s6 =	sld [smem:$0x3FB0]  }
0x2c: {  	s7 =	sld [smem:$0x3FB1]  }
0x2d: {  	s3 =	simm.s32 $0x108;
	s8 =	sld [smem:$0x3FB2]  }
0x2e: {  	s3 =	simm.s32 @!p0 $0x1082;
	s9 =	sld [smem:$0x3FB3]  }
0x2f: {  	lr =	sadd.s32 s0, s3;
	s0 =	sld [smem:$0x3FAA]  }
0x30: {  	s3 =	sld [smem:$0x3FAD]  }
0x31: {  	[smem:$0x3FB6] =	sst s10  }
0x32: {  	s10 =	sld [smem:$0x3FB4];
	_ =	sdelay $0x3  }
0x33: {  	p0 =	seq.s32 s10, $0x1;
	s10 =	sld [smem:$0x3FB6];
	_ =	sdelay $0x3  }
0x34: {  	[smem:$0x3FB6] =	sst s10  }
0x35: {  	s10 =	sld [smem:$0x3FB5];
	_ =	sdelay $0x3  }
0x36: {  	p1 =	seq.s32 s10, $0x1;
	s10 =	sld [smem:$0x3FB6];
	_ =	sdelay $0x3  }
0x37: {  	[smem:$0x3FB6] =	sst s10  }
0x38: {  	s10 =	sld [smem:$0x3FB7]  }
0x39: {  	_ = 	snop;
	(pc) =	sbr.ind lr, $3  }
0x3a: {  	_ = 	snop  }
0x3b: {  	_ = 	snop  }
0x3c: {  	p2 =	seq.s32 s10, $0x1;
	s10 =	sld [smem:$0x3FB6]  }
0x3d: {  	_ =	shalt  }
0x3e: {  	_ =	shalt  }
0x3f: {  	_ =	shalt  }
0x40: {  	_ =	shalt  }
0x41: {  	_ =	shalt  }
0x42: {  	_ =	shalt  }
0x43: {  	_ =	shalt  }
0x44: {  	_ =	shalt  }
0x45: {  	_ =	shalt  }
0x46: {  	_ =	shalt  }
0x47: {  	_ =	shalt  }
0x48: {  	_ =	shalt  }
0x49: {  	_ =	shalt  }
0x4a: {  	_ =	shalt  }
0x4b: {  	_ =	shalt  }
0x4c: {  	_ =	shalt  }
0x4d: {  	_ =	shalt  }
0x4e: {  	_ =	shalt  }
0x4f: {  	_ =	shalt  }
0x50: {  	_ =	shalt  }
0x51: {  	_ =	shalt  }
0x52: {  	_ =	shalt  }
0x53: {  	_ =	shalt  }
0x54: {  	_ =	shalt  }
0x55: {  	_ =	shalt  }
0x56: {  	_ =	shalt  }
0x57: {  	_ =	shalt  }
0x58: {  	_ =	shalt  }
0x59: {  	_ =	shalt  }
0x5a: {  	_ =	shalt  }
0x5b: {  	_ =	shalt  }
0x5c: {  	_ =	shalt  }
0x5d: {  	_ =	shalt  }
0x5e: {  	_ =	shalt  }
0x5f: {  	_ =	shalt  }
0x60: {  	_ =	shalt  }
0x61: {  	_ =	shalt  }
0x62: {  	_ =	shalt  }
0x63: {  	_ =	shalt  }
0x64: {  	_ =	shalt  }
0x65: {  	_ =	shalt  }
0x66: {  	_ =	shalt  }
0x67: {  	_ =	shalt  }
0x68: {  	_ =	shalt  }
0x69: {  	_ =	shalt  }
0x6a: {  	_ =	shalt  }
0x6b: {  	_ =	shalt  }
0x6c: {  	_ =	shalt  }
0x6d: {  	_ =	shalt  }
0x6e: {  	_ =	shalt  }
0x6f: {  	_ =	shalt  }
0x70: {  	_ =	shalt  }
0x71: {  	_ =	shalt  }
0x72: {  	_ =	shalt  }
0x73: {  	_ =	shalt  }
0x74: {  	_ =	shalt  }
0x75: {  	_ =	shalt  }
0x76: {  	_ =	shalt  }
0x77: {  	_ =	shalt  }
0x78: {  	_ =	shalt  }
0x79: {  	_ =	shalt  }
0x7a: {  	_ =	shalt  }
0x7b: {  	_ =	shalt  }
0x7c: {  	_ =	shalt  }
0x7d: {  	_ =	shalt  }
0x7e: {  	_ =	shalt  }
0x7f: {  	_ =	shalt  }
0x80: {  	_ =	shalt  }
0x81: {  	_ =	shalt  }
0x82: {  	_ =	shalt  }
0x83: {  	_ =	shalt  }
0x84: {  	_ =	shalt  }
0x85: {  	_ =	shalt  }
0x86: {  	_ =	shalt  }
0x87: {  	_ =	shalt  }
.Lfunc_end0:
.L_simem_size_0:
called_computation.1_lowered:
.L_overlay_start_0:
0x88: {  	s2 =	sld [smem:$0x3FD9]  }
0x89: {  	s3 =	sld [smem:$0x3FFE];
	_ =	sdelay $0x1  }
0x8a: {  	s1 =	srdreg.scid  }
0x8b: {  	s0 =	sand.u32 $0x1, s1  }
0x8c: {  	s17 =	sshll.u32 s0, $0xA;
	s2 =	sadd.s32 s3, s2  }
0x8d: {  	s2 =	sadd.s32 s2, s17  }
0x8e: {  	[smem:$0x3FC2] =	sst s2  }
0x8f: {  	_ = 	snop  }
0x90: {  	s2 =	sld [smem:$0x3FD0];
	(tm) =	ssettm $0x1  }
0x91: {  	s18 =	sld [smem:$0x3FFB];
	_ =	sdelay $0x3  }
0x92: {  	_ =	strace s18  }
0x93: {  	s3 =	sld [smem:$0x3FFC];
	_ =	sdelay $0x3  }
0x94: {  	_ =	strace s3  }
0x95: {  	s3 =	sld [smem:$0x3FFD];
	_ =	sdelay $0x3  }
0x96: {  	_ =	strace s3  }
0x97: {  	_ =	strace $0x8FFFFFFF  }
0x98: {  	s19 =	sld [smem:$0x3FDB];
	_ =	sdelay $0x1  }
0x99: {  	s4 =	simm.s32 $_scs_section_size  }
0x9a: {  	s5 =	simm.s32 $_size__tile_overlayer_lowered;
	s6 =	simm.s32 $_tile_overlayer_lowered  }
0x9b: {  	s22 =	simm.s32 $0x1BFF;
	s21 =	sshll.u32 s6, $0x1;
	s3 =	sadd.s32 s4, s19  }
0x9c: {  	s7 =	simm.s32 $0x0;
	s20 =	sshll.u32 s5, $0x1;
	s5 =	sadd.s32 s21, s3  }
0x9d: {  	[timem:s7], [sflag:s22] =	dma.local [hbm:s5], s20  }
0x9e: {  	_ =	swait.ge [sflag:s22], s20  }
0x9f: {  	s4 =	ssub.s32 $0x0, s20;
	[sflag:s22] =	ssyncset.done $0x0  }
0xa0: {  	[sflag:s22] =	ssyncadd.s32 s4;
	_ =	sdelay $0x1  }
0xa1: {  	s23 =	simm.s32 $0x1B8B  }
0xa2: {  	_ =	swait.ge [sflag:s23], $0x1  }
0xa3: {  	[sflag:s23] =	ssyncset.done $0x0  }
0xa4: {  	s25 =	simm.s32 $0x1B8E;
	s24 =	sld [smem:$0x3FFE];
	[sflag:s23] =	ssyncadd.s32 $0xFFFFFFFF  }
0xa5: {  	s26 =	simm.s32 $execute0_lowered;
	[smem:$0x3FD2] =	sst s25  }
0xa6: {  	s5 =	sshll.u32 s26, $0x1;
	_ =	strace $0x80000049;
	[dreg:$0x1] =	wrdreg $0xFFFFFFFF  }
0xa7: {  	s28 =	simm.s32 $_size_execute0_lowered;
	s3 =	sadd.s32 s3, s5;
	[dreg:$0x0] =	wrdreg $0x0  }
0xa8: {  	s5 =	sshll.u32 s28, $0x1;
	[dreg:$0x2] =	wrdreg s3  }
0xa9: {  	[dreg:$0x3] =	wrdreg s5  }
0xaa: {  	[dreg:$0x4] =	wrdreg $0xC0  }
0xab: {  	_ =	task [dreg:s7], $0x5FFFF  }
0xac: {  	[dreg:$0x1] =	wrdreg $0xFFFFFFFF  }
0xad: {  	[dreg:$0x0] =	wrdreg $0x60  }
0xae: {  	[dreg:$0x2] =	wrdreg s2  }
0xaf: {  	[dreg:$0x3] =	wrdreg s24  }
0xb0: {  	[dreg:$0x4] =	wrdreg $0x84000  }
0xb1: {  	[dreg:$0x5] =	wrdreg $0x9  }
0xb2: {  	_ =	task.clear_ibuf [dreg:s7], $0x6FFFF;
	_ =	strace $0x90000049  }
0xb3: {  	s29 =	simm.s32 $0x9;
	_ =	strace $0x8000004B  }
0xb4: {  	_ =	swait.ge [sflag:s29], $0x1  }
0xb5: {  	[sflag:s29] =	ssyncadd.s32 $0xFFFFFFFF  }
0xb6: {  	_ =	strace $0x9000004B  }
0xb7: {  	_ =	sfence  }
0xb8: {  	s30 =	sld [smem:$0x0];
	_ =	sdelay $0x2  }
0xb9: {  	s31 =	sshll.u32 s1, $0xD;
	s1 =	sshrl.u32 s1, $0x2  }
0xba: {  	s3 =	sand.u32 $0x4000, s31;
	s1 =	sadd.s32 s1, s30  }
0xbb: {  	s0 =	sor.u32 s3, s0;
	s1 =	sshll.u32 s1, $0x11  }
0xbc: {  	s0 =	sor.u32 s1, s0  }
0xbd: {  	s0 =	sadd.s32 $0x8F2B, s0  }
0xbe: {  	[sflag:s0] =	ssyncadd.remote.s32 $0x1  }
0xbf: {  	_ =	sfence.sel $0xFFFF  }
0xc0: {  	[dreg:$0x0] =	wrdreg $0xFFFFFFFF;
	(pc) =	sbr.abs _section_cstart, $3  }
0xc1: {  	[dreg:$0x1] =	wrdreg $0xFFFFFFFF  }
0xc2: {  	_ =	task.clear_ibuf [dreg:s7], $0x2FFFF;
	_ =	strace $0x9FFFFFFF  }
0xc3: {  	(tm) =	ssettm $0x7FFFFFFF  }
tec
execute0_lowered:
.L_overlay_start_1:
0x0: {  	(tag) =	ssettag $0x1  }
0x1: {  	s1 =	rddreg [dreg:$0x0]  }
0x2: {  	s0 =	rddreg [dreg:$0x1]  }
0x3: {  	s3 =	rddreg [dreg:$0x2];
	s4 =	simm.s32 $0x0;
	s2 =	srdreg.scid  }
0x4: {  	s12 =	stileid.u32;
	s29 =	simm.s32 $0x400;
	s30 =	simm.s32 $0x9  }
0x5: {  	s31 =	simm.s32 $0x200;
	[smem:$0x7FF] =	sst s4;
	s5 =	smul.u32 $0x2780, s12  }
0x6: {  	s2 =	sand.u32 $0x1, s2;
	s7 =	sadd.s32 $0x5C200, s0;
	s9 =	smul.u32 $0x4F000, s12  }
0x7: {  	s8 =	sshll.u32 s12, $0x1;
	s10 =	sadd.s32 $0x3400, s0;
	s14 =	smul.u32 $0x4F00, s12  }
0x8: {  	s12 =	simm.s32 $0x3;
	_ =	strace $0x8000004A;
	s6 =	smul.u32 $0x27800, s2  }
0x9: {  	s25 =	sor.u32 s2, s8;
	s26 =	ssub.s32 $0x2, s2;
	s2 =	smul.u32 $0x2780, s2  }
0xa: {  	s9 =	sshrl.u32 s9, $0x2;
	s11 =	sshrl.u32 s26, $0x1;
	s5 =	sadd.s32 s5, s6  }
0xb: {  	s6 =	smul.u32 $0x2780, s25;
	s0 =	sadd.s32 s5, s0;
	s5 =	sadd.s32 s9, s3  }
0xc: {  	s8 =	ssub.s32 s26, s11;
	s2 =	sadd.s32 s2, s14;
	s9 =	sadd.s32 $0x10000, s5  }
0xd: {  	s6 =	sshrl.u32 s6, $0x3;
	s0 =	sadd.s32 $0x66000, s0;
	[dreg:$0xa] =	wrdreg s9  }
0xe: {  	s22 =	sadd.s32 $0x480, s2;
	s11 =	sadd.s32 s7, s6;
	[dreg:$0x19] =	wrdreg s0  }
0xf: {  	s24 =	sshrl.u32 s22, $0x3;
	s13 =	sadd.s32 s10, s6;
	[dreg:$0xb] =	wrdreg s11  }
0x10: {  	s15 =	sadd.s32 $0x10, s6;
	s25 =	sadd.s32 s24, s10;
	[dreg:$0xc] =	wrdreg s13  }
0x11: {  	s26 =	sadd.s32 $0x400, s2;
	s13 =	sadd.s32 s7, s15;
	[dreg:$0x4] =	wrdreg s25  }
0x12: {  	s16 =	sadd.s32 $0x20, s6;
	s11 =	sadd.s32 s10, s15;
	[dreg:$0xd] =	wrdreg s13  }
0x13: {  	s28 =	sadd.s32 $0xC000, s5;
	s17 =	sadd.s32 s7, s16;
	[dreg:$0xe] =	wrdreg s11  }
0x14: {  	s19 =	sadd.s32 $0x30, s6;
	s18 =	sadd.s32 s10, s16;
	[dreg:$0xf] =	wrdreg s17  }
0x15: {  	s21 =	sadd.s32 $0x40, s6;
	s20 =	sadd.s32 s7, s19;
	[dreg:$0x10] =	wrdreg s18  }
0x16: {  	s0 =	simm.s32 $0x80;
	s23 =	sadd.s32 s7, s21;
	[dreg:$0x11] =	wrdreg s20  }
0x17: {  	s9 =	sadd.s32 s10, s21;
	s15 =	sadd.s32 $0x380, s2;
	[dreg:$0x13] =	wrdreg s23  }
0x18: {  	s2 =	sadd.s32 $0x300, s2;
	s11 =	sadd.s32 s10, s19;
	[dreg:$0x14] =	wrdreg s9  }
0x19: {  	s13 =	sshrl.u32 s26, $0x3;
	s26 =	sadd.s32 $0x4000, s5;
	[dreg:$0x12] =	wrdreg s11  }
0x1a: {  	s17 =	sshrl.u32 s15, $0x3;
	s11 =	sadd.s32 s24, s7;
	[dreg:$0x1b] =	wrdreg s26  }
0x1b: {  	s18 =	sadd.s32 $0x50, s6;
	s14 =	sadd.s32 s13, s10;
	[dreg:$0x5] =	wrdreg s11  }
0x1c: {  	s6 =	sadd.s32 $0x4E0, s6;
	s16 =	sadd.s32 s13, s7;
	[dreg:$0x6] =	wrdreg s14  }
0x1d: {  	s25 =	sshrl.u32 s2, $0x3;
	s19 =	sadd.s32 s17, s10;
	[dreg:$0x7] =	wrdreg s16  }
0x1e: {  	s2 =	simm.s32 $0x280;
	s20 =	sadd.s32 s7, s18;
	[dreg:$0x8] =	wrdreg s19  }
0x1f: {  	s9 =	simm.s32 $0x100;
	s22 =	sadd.s32 s10, s18;
	[dreg:$0x15] =	wrdreg s20  }
0x20: {  	s15 =	simm.s32 $0x380;
	s21 =	sadd.s32 s17, s7;
	[dreg:$0x16] =	wrdreg s22  }
0x21: {  	s23 =	sadd.s32 s7, s6;
	s6 =	sadd.s32 s10, s6;
	[dreg:$0x9] =	wrdreg s21  }
0x22: {  	s24 =	smax.u32 s8, $0x1;
	s26 =	sadd.s32 $0x8000, s5;
	[dreg:$0x17] =	wrdreg s23  }
0x23: {  	s8 =	simm.s32 $0x4400;
	s13 =	simm.s32 $0x7;
	[dreg:$0x18] =	wrdreg s6  }
0x24: {  	s17 =	simm.s32 $0x4;
	s18 =	simm.s32 $0x8;
	[dreg:$0x1a] =	wrdreg s24  }
0x25: {  	s23 =	sadd.s32 s25, s10;
	s24 =	sadd.s32 s25, s7;
	s6 =	simm.s32 $0x1  }
0x26: {  	s7 =	simm.s32 $0x2;
	s10 =	simm.s32 $0x300;
	s11 =	simm.s32 $0x5  }
0x27: {  	v0 =	vimm.f32 $0.0e+00;
	s14 =	simm.s32 $0x180;
	s16 =	simm.s32 $0x6;
	s19 =	simm.s32 $0x0  }
.LBB2_1:
0x28: {  	s20 =	sand.u32 $0xFE00, s4  }
0x29: {  	s21 =	sand.u32 $0x70, s4;
	s22 =	sshrl.u32 s20, $0x2  }
0x2a: {  	s20 =	simm.s32 $0x40;
	s22 =	sor.u32 s21, s22;
	s21 =	simm.s32 $0x0  }
.LBB2_2:
0x2b: {  	p0 =	sne.s32 s20, $0xFFC0  }
0x2c: {  	[tilespmem:s22+$0x400] =	vst v0;
	s21 =	sadd.s32 $0x10, s21;
	s22 =	smov.u32 s20;
	s20 =	sadd.s32 $0x40, s20  }
.Ltmp0:
0x2d: {  	(pc) =	sbr.rel @p0 .LBB2_2-.Ltmp0, $4  }
0x2e: {  	_ = 	snop  }
0x2f: {  	s22 =	sand.u32 $0xFE00, s22  }
0x30: {  	s25 =	sand.u32 $0x70, s21;
	s22 =	sshrl.u32 s22, $0x2  }
0x31: {  	s22 =	sor.u32 s25, s22  }
0x32: {  	[tilespmem:s22+$0x400] =	vst v0  }
0x33: {  	[spmem:s5] =	stream.linear.scatter [tilespmem:s29], [sflag:$0x9], $0x4000, $0x38;
	[tilespmem:$0x1C000] =	vst v63  }
0x34: {  	_ =	swait.ge [sflag:s30], $0x4000  }
0x35: {  	[sflag:s30] =	ssyncset.done $0x0  }
0x36: {  	s20 =	rddreg [dreg:$0x1b];
	[sflag:s30] =	ssyncadd.s32 $0xFFFFC000  }
0x37: {  	[spmem:s20] =	stream.linear.scatter [tilespmem:s29], [sflag:$0x9], $0x4000, $0x38;
	[tilespmem:$0x1C000] =	vst v63  }
0x38: {  	_ =	swait.ge [sflag:s30], $0x4000  }
0x39: {  	[sflag:s30] =	ssyncset.done $0x0  }
0x3a: {  	[sflag:s30] =	ssyncadd.s32 $0xFFFFC000  }
0x3b: {  	[spmem:s26] =	stream.linear.scatter [tilespmem:s29], [sflag:$0x9], $0x4000, $0x38;
	[tilespmem:$0x1C000] =	vst v63  }
0x3c: {  	_ =	swait.ge [sflag:s30], $0x4000  }
0x3d: {  	[sflag:s30] =	ssyncset.done $0x0  }
0x3e: {  	[sflag:s30] =	ssyncadd.s32 $0xFFFFC000  }
0x3f: {  	[spmem:s28] =	stream.linear.scatter [tilespmem:s29], [sflag:$0x9], $0x4000, $0x38;
	[tilespmem:$0x1C000] =	vst v63  }
0x40: {  	_ =	swait.ge [sflag:s30], $0x4000  }
0x41: {  	[sflag:s30] =	ssyncset.done $0x0  }
0x42: {  	s22 =	rddreg [dreg:$0xa];
	[sflag:s30] =	ssyncadd.s32 $0xFFFFC000  }
0x43: {  	[spmem:s22] =	stream.linear.scatter [tilespmem:s29], [sflag:$0x9], $0x3C00, $0x38;
	[tilespmem:$0x1C000] =	vst v63  }
0x44: {  	_ =	swait.ge [sflag:s30], $0x3C00  }
0x45: {  	[sflag:s30] =	ssyncset.done $0x0  }
0x46: {  	s20 =	simm.s32 $0x0;
	s21 =	rddreg [dreg:$0xb];
	[sflag:s30] =	ssyncadd.s32 $0xFFFFC400  }
0x47: {  	[tilespmem:s20], [sflag:$0x1] =	stream.linear.gather [hbm4b:s21+s20], $0x80, $0x38;
	[tilespmem:$0x1C000] =	vst v63  }
0x48: {  	s25 =	rddreg [dreg:$0xc]  }
0x49: {  	[tilespmem:s31], [sflag:$0x1] =	stream.linear.gather [hbm4b:s25+s20], $0x80, $0x38;
	[tilespmem:$0x1C000] =	vst v63  }
0x4a: {  	s22 =	rddreg [dreg:$0xd]  }
0x4b: {  	[tilespmem:s0], [sflag:$0x2] =	stream.linear.gather [hbm4b:s22+s20], $0x80, $0x38;
	[tilespmem:$0x1C000] =	vst v63  }
0x4c: {  	s25 =	rddreg [dreg:$0xe]  }
0x4d: {  	[tilespmem:s2], [sflag:$0x2] =	stream.linear.gather [hbm4b:s25+s20], $0x80, $0x38;
	[tilespmem:$0x1C000] =	vst v63  }
0x4e: {  	_ =	swait.ge [sflag:s6], $0x80  }
0x4f: {  	[sflag:s6] =	ssyncset.done $0x0  }
0x50: {  	[sflag:s6] =	ssyncadd.s32 $0xFFFFFF80  }
0x51: {  	_ =	swait.ge [sflag:s6], $0x80  }
0x52: {  	[sflag:s6] =	ssyncset.done $0x0  }
0x53: {  	[sflag:s6] =	ssyncadd.s32 $0xFFFFFF80  }
0x54: {  	[tilespmem:s29], [sflag:$0x5] =	stream.indirect.gather [hbm4b:s1+s0], $0x80, s20, s0, $0xb8;
	[tilespmem:$0x1C000] =	vst v63  }
0x55: {  	[bflag:$0x0] =	sbarrier.arrive $0xFFFF  }
0x56: {  	_ =	swait.ge [sflag:s7], $0x80  }
0x57: {  	[sflag:s7] =	ssyncset.done $0x0  }
0x58: {  	[sflag:s7] =	ssyncadd.s32 $0xFFFFFF80  }
0x59: {  	_ =	swait.ge [sflag:s7], $0x80  }
0x5a: {  	[sflag:s7] =	ssyncset.done $0x0  }
0x5b: {  	[sflag:s7] =	ssyncadd.s32 $0xFFFFFF80  }
0x5c: {  	[tilespmem:s8], [sflag:$0x6] =	stream.indirect.gather [hbm4b:s1+s0], $0x80, s0, s0, $0xb8;
	[tilespmem:$0x1C000] =	vst v63  }
0x5d: {  	s22 =	rddreg [dreg:$0xf]  }
0x5e: {  	[tilespmem:s9], [sflag:$0x3] =	stream.linear.gather [hbm4b:s22+s20], $0x80, $0x38;
	[tilespmem:$0x1C000] =	vst v63  }
0x5f: {  	s25 =	rddreg [dreg:$0x10]  }
0x60: {  	[tilespmem:s10], [sflag:$0x3] =	stream.linear.gather [hbm4b:s25+s20], $0x80, $0x38;
	[tilespmem:$0x1C000] =	vst v63  }
0x61: {  	_ =	swait.ge [sflag:s11], $0x4000  }
0x62: {  	[sflag:s11] =	ssyncset.done $0x0  }
0x63: {  	[sflag:s11] =	ssyncadd.s32 $0xFFFFC000  }
0x64: {  	[spmem:s3] =	stream.indirect.scatter.add.f32 [tilespmem:s29], [sflag:$0x7], $0x80, s31, s0, $0xb8;
	[tilespmem:$0x1C000] =	vst v63  }
0x65: {  	_ =	swait.ge [sflag:s12], $0x80  }
0x66: {  	[sflag:s12] =	ssyncset.done $0x0  }
0x67: {  	[sflag:s12] =	ssyncadd.s32 $0xFFFFFF80  }
0x68: {  	_ =	swait.ge [sflag:s12], $0x80  }
0x69: {  	[sflag:s12] =	ssyncset.done $0x0  }
0x6a: {  	[sflag:s12] =	ssyncadd.s32 $0xFFFFFF80  }
0x6b: {  	_ =	swait.ge [sflag:s13], $0x4000  }
0x6c: {  	[sflag:s13] =	ssyncset.done $0x0  }
0x6d: {  	[sflag:s13] =	ssyncadd.s32 $0xFFFFC000  }
0x6e: {  	[tilespmem:s29], [sflag:$0x5] =	stream.indirect.gather [hbm4b:s1+s0], $0x80, s9, s0, $0xb8;
	[tilespmem:$0x1C000] =	vst v63  }
0x6f: {  	s22 =	rddreg [dreg:$0x11]  }
0x70: {  	[tilespmem:s14], [sflag:$0x4] =	stream.linear.gather [hbm4b:s22+s20], $0x80, $0x38;
	[tilespmem:$0x1C000] =	vst v63  }
0x71: {  	s25 =	rddreg [dreg:$0x12]  }
0x72: {  	[tilespmem:s15], [sflag:$0x4] =	stream.linear.gather [hbm4b:s25+s20], $0x80, $0x38;
	[tilespmem:$0x1C000] =	vst v63  }
0x73: {  	_ =	swait.ge [sflag:s16], $0x4000  }
0x74: {  	[sflag:s16] =	ssyncset.done $0x0  }
0x75: {  	[sflag:s16] =	ssyncadd.s32 $0xFFFFC000  }
0x76: {  	[spmem:s3] =	stream.indirect.scatter.add.f32 [tilespmem:s8], [sflag:$0x8], $0x80, s2, s0, $0xb8;
	[tilespmem:$0x1C000] =	vst v63  }
0x77: {  	_ =	swait.ge [sflag:s17], $0x80  }
0x78: {  	[sflag:s17] =	ssyncset.done $0x0  }
0x79: {  	[sflag:s17] =	ssyncadd.s32 $0xFFFFFF80  }
0x7a: {  	_ =	swait.ge [sflag:s17], $0x80  }
0x7b: {  	[sflag:s17] =	ssyncset.done $0x0  }
0x7c: {  	[sflag:s17] =	ssyncadd.s32 $0xFFFFFF80  }
0x7d: {  	_ =	swait.ge [sflag:s18], $0x4000  }
0x7e: {  	[sflag:s18] =	ssyncset.done $0x0  }
0x7f: {  	[sflag:s18] =	ssyncadd.s32 $0xFFFFC000  }
0x80: {  	[tilespmem:s8], [sflag:$0x6] =	stream.indirect.gather [hbm4b:s1+s0], $0x80, s14, s0, $0xb8;
	[tilespmem:$0x1C000] =	vst v63  }
0x81: {  	s22 =	rddreg [dreg:$0x13]  }
0x82: {  	[tilespmem:s20], [sflag:$0x1] =	stream.linear.gather [hbm4b:s22+s20], $0x80, $0x38;
	[tilespmem:$0x1C000] =	vst v63  }
0x83: {  	s25 =	rddreg [dreg:$0x14]  }
0x84: {  	[tilespmem:s31], [sflag:$0x1] =	stream.linear.gather [hbm4b:s25+s20], $0x80, $0x38;
	[tilespmem:$0x1C000] =	vst v63  }
0x85: {  	_ =	swait.ge [sflag:s11], $0x4000  }
0x86: {  	[sflag:s11] =	ssyncset.done $0x0  }
0x87: {  	[sflag:s11] =	ssyncadd.s32 $0xFFFFC000  }
0x88: {  	[spmem:s3] =	stream.indirect.scatter.add.f32 [tilespmem:s29], [sflag:$0x7], $0x80, s10, s0, $0xb8;
	[tilespmem:$0x1C000] =	vst v63  }
0x89: {  	_ =	swait.ge [sflag:s6], $0x80  }
0x8a: {  	[sflag:s6] =	ssyncset.done $0x0  }
0x8b: {  	[sflag:s6] =	ssyncadd.s32 $0xFFFFFF80  }
0x8c: {  	_ =	swait.ge [sflag:s6], $0x80  }
0x8d: {  	[sflag:s6] =	ssyncset.done $0x0  }
0x8e: {  	[sflag:s6] =	ssyncadd.s32 $0xFFFFFF80  }
0x8f: {  	_ =	swait.ge [sflag:s13], $0x4000  }
0x90: {  	[sflag:s13] =	ssyncset.done $0x0  }
0x91: {  	[sflag:s13] =	ssyncadd.s32 $0xFFFFC000  }
0x92: {  	[tilespmem:s29], [sflag:$0x5] =	stream.indirect.gather [hbm4b:s1+s0], $0x80, s20, s0, $0xb8;
	[tilespmem:$0x1C000] =	vst v63  }
0x93: {  	s22 =	rddreg [dreg:$0x15]  }
0x94: {  	[tilespmem:s0], [sflag:$0x2] =	stream.linear.gather [hbm4b:s22+s20], $0x80, $0x38;
	[tilespmem:$0x1C000] =	vst v63  }
0x95: {  	s25 =	rddreg [dreg:$0x16]  }
0x96: {  	[tilespmem:s2], [sflag:$0x2] =	stream.linear.gather [hbm4b:s25+s20], $0x80, $0x38;
	[tilespmem:$0x1C000] =	vst v63  }
0x97: {  	_ =	swait.ge [sflag:s16], $0x4000  }
0x98: {  	[sflag:s16] =	ssyncset.done $0x0  }
0x99: {  	[sflag:s16] =	ssyncadd.s32 $0xFFFFC000  }
0x9a: {  	[spmem:s3] =	stream.indirect.scatter.add.f32 [tilespmem:s8], [sflag:$0x8], $0x80, s15, s0, $0xb8;
	[tilespmem:$0x1C000] =	vst v63  }
0x9b: {  	_ =	swait.ge [sflag:s7], $0x80  }
0x9c: {  	[sflag:s7] =	ssyncset.done $0x0  }
0x9d: {  	[sflag:s7] =	ssyncadd.s32 $0xFFFFFF80  }
0x9e: {  	_ =	swait.ge [sflag:s7], $0x80  }
0x9f: {  	[sflag:s7] =	ssyncset.done $0x0  }
0xa0: {  	[sflag:s7] =	ssyncadd.s32 $0xFFFFFF80  }
0xa1: {  	_ =	swait.ge [sflag:s18], $0x4000  }
0xa2: {  	[sflag:s18] =	ssyncset.done $0x0  }
0xa3: {  	[sflag:s18] =	ssyncadd.s32 $0xFFFFC000  }
0xa4: {  	[tilespmem:s8], [sflag:$0x6] =	stream.indirect.gather [hbm4b:s1+s0], $0x80, s0, s0, $0xb8;
	[tilespmem:$0x1C000] =	vst v63  }
0xa5: {  	s22 =	sadd.s32 $0x0, s24  }
0xa6: {  	[tilespmem:s9], [sflag:$0x3] =	stream.linear.gather [hbm4b:s22+s4], $0x80, $0x38;
	[tilespmem:$0x1C000] =	vst v63  }
0xa7: {  	s25 =	sadd.s32 $0x0, s23  }
0xa8: {  	[tilespmem:s10], [sflag:$0x3] =	stream.linear.gather [hbm4b:s25+s4], $0x80, $0x38;
	[tilespmem:$0x1C000] =	vst v63  }
0xa9: {  	_ =	swait.ge [sflag:s11], $0x4000  }
0xaa: {  	[sflag:s11] =	ssyncset.done $0x0  }
0xab: {  	[sflag:s11] =	ssyncadd.s32 $0xFFFFC000  }
0xac: {  	[spmem:s3] =	stream.indirect.scatter.add.f32 [tilespmem:s29], [sflag:$0x7], $0x80, s31, s0, $0xb8;
	[tilespmem:$0x1C000] =	vst v63  }
0xad: {  	_ =	swait.ge [sflag:s12], $0x80  }
0xae: {  	[sflag:s12] =	ssyncset.done $0x0  }
0xaf: {  	[sflag:s12] =	ssyncadd.s32 $0xFFFFFF80  }
0xb0: {  	_ =	swait.ge [sflag:s12], $0x80  }
0xb1: {  	[sflag:s12] =	ssyncset.done $0x0  }
0xb2: {  	[sflag:s12] =	ssyncadd.s32 $0xFFFFFF80  }
0xb3: {  	_ =	swait.ge [sflag:s13], $0x4000  }
0xb4: {  	[sflag:s13] =	ssyncset.done $0x0  }
0xb5: {  	s21 =	rddreg [dreg:$0x9];
	[sflag:s13] =	ssyncadd.s32 $0xFFFFC000  }
0xb6: {  	[tilespmem:s29], [sflag:$0x5] =	stream.indirect.gather [hbm4b:s1+s0], $0x80, s9, s0, $0xb8;
	[tilespmem:$0x1C000] =	vst v63  }
0xb7: {  	s22 =	rddreg [dreg:$0x8];
	s20 =	sadd.s32 $0x0, s21  }
0xb8: {  	[tilespmem:s14], [sflag:$0x4] =	stream.linear.gather [hbm4b:s20+s4], $0x80, $0x38;
	[tilespmem:$0x1C000] =	vst v63  }
0xb9: {  	s25 =	sadd.s32 $0x0, s22  }
0xba: {  	[tilespmem:s15], [sflag:$0x4] =	stream.linear.gather [hbm4b:s25+s4], $0x80, $0x38;
	[tilespmem:$0x1C000] =	vst v63  }
0xbb: {  	_ =	swait.ge [sflag:s16], $0x4000  }
0xbc: {  	[sflag:s16] =	ssyncset.done $0x0  }
0xbd: {  	[sflag:s16] =	ssyncadd.s32 $0xFFFFC000  }
0xbe: {  	[spmem:s3] =	stream.indirect.scatter.add.f32 [tilespmem:s8], [sflag:$0x8], $0x80, s2, s0, $0xb8;
	[tilespmem:$0x1C000] =	vst v63  }
0xbf: {  	_ =	swait.ge [sflag:s17], $0x80  }
0xc0: {  	[sflag:s17] =	ssyncset.done $0x0  }
0xc1: {  	[sflag:s17] =	ssyncadd.s32 $0xFFFFFF80  }
0xc2: {  	_ =	swait.ge [sflag:s17], $0x80  }
0xc3: {  	[sflag:s17] =	ssyncset.done $0x0  }
0xc4: {  	[sflag:s17] =	ssyncadd.s32 $0xFFFFFF80  }
0xc5: {  	_ =	swait.ge [sflag:s18], $0x4000  }
0xc6: {  	[sflag:s18] =	ssyncset.done $0x0  }
0xc7: {  	s21 =	rddreg [dreg:$0x7];
	[sflag:s18] =	ssyncadd.s32 $0xFFFFC000  }
0xc8: {  	[tilespmem:s8], [sflag:$0x6] =	stream.indirect.gather [hbm4b:s1+s0], $0x80, s14, s0, $0xb8;
	[tilespmem:$0x1C000] =	vst v63  }
0xc9: {  	s22 =	rddreg [dreg:$0x6];
	s20 =	sadd.s32 $0x0, s21  }
0xca: {  	[tilespmem:s4], [sflag:$0x1] =	stream.linear.gather [hbm4b:s20+s4], $0x80, $0x38;
	[tilespmem:$0x1C000] =	vst v63  }
0xcb: {  	s25 =	sadd.s32 $0x0, s22  }
0xcc: {  	[tilespmem:s31], [sflag:$0x1] =	stream.linear.gather [hbm4b:s25+s4], $0x80, $0x38;
	[tilespmem:$0x1C000] =	vst v63  }
0xcd: {  	_ =	swait.ge [sflag:s11], $0x4000  }
0xce: {  	[sflag:s11] =	ssyncset.done $0x0  }
0xcf: {  	[sflag:s11] =	ssyncadd.s32 $0xFFFFC000  }
0xd0: {  	[spmem:s3] =	stream.indirect.scatter.add.f32 [tilespmem:s29], [sflag:$0x7], $0x80, s10, s0, $0xb8;
	[tilespmem:$0x1C000] =	vst v63  }
0xd1: {  	_ =	swait.ge [sflag:s6], $0x80  }
0xd2: {  	[sflag:s6] =	ssyncset.done $0x0  }
0xd3: {  	[sflag:s6] =	ssyncadd.s32 $0xFFFFFF80  }
0xd4: {  	_ =	swait.ge [sflag:s6], $0x80  }
0xd5: {  	[sflag:s6] =	ssyncset.done $0x0  }
0xd6: {  	[sflag:s6] =	ssyncadd.s32 $0xFFFFFF80  }
0xd7: {  	_ =	swait.ge [sflag:s13], $0x4000  }
0xd8: {  	[sflag:s13] =	ssyncset.done $0x0  }
0xd9: {  	s21 =	rddreg [dreg:$0x5];
	[sflag:s13] =	ssyncadd.s32 $0xFFFFC000  }
0xda: {  	[tilespmem:s29], [sflag:$0x5] =	stream.indirect.gather [hbm4b:s1+s0], $0x80, s4, s0, $0xb8;
	[tilespmem:$0x1C000] =	vst v63  }
0xdb: {  	s22 =	rddreg [dreg:$0x4];
	s20 =	sadd.s32 $0x0, s21  }
0xdc: {  	[tilespmem:s0], [sflag:$0x2] =	stream.linear.gather [hbm4b:s20+s4], $0x80, $0x38;
	[tilespmem:$0x1C000] =	vst v63  }
0xdd: {  	s25 =	sadd.s32 $0x0, s22  }
0xde: {  	[tilespmem:s2], [sflag:$0x2] =	stream.linear.gather [hbm4b:s25+s4], $0x80, $0x38;
	[tilespmem:$0x1C000] =	vst v63  }
0xdf: {  	_ =	swait.ge [sflag:s16], $0x4000  }
0xe0: {  	[sflag:s16] =	ssyncset.done $0x0  }
0xe1: {  	s20 =	simm.s32 $0x40;
	[sflag:s16] =	ssyncadd.s32 $0xFFFFC000  }
.LBB2_4:
0xe2: {  	[spmem:s3] =	stream.indirect.scatter.add.f32 [tilespmem:s8], [sflag:$0x8], $0x80, s15, s0, $0xb8;
	[tilespmem:$0x1C000] =	vst v63  }
0xe3: {  	_ =	swait.ge [sflag:s7], $0x80  }
0xe4: {  	[sflag:s7] =	ssyncset.done $0x0  }
0xe5: {  	[sflag:s7] =	ssyncadd.s32 $0xFFFFFF80  }
0xe6: {  	_ =	swait.ge [sflag:s7], $0x80  }
0xe7: {  	[sflag:s7] =	ssyncset.done $0x0  }
0xe8: {  	[sflag:s7] =	ssyncadd.s32 $0xFFFFFF80  }
0xe9: {  	_ =	swait.ge [sflag:s18], $0x4000  }
0xea: {  	[sflag:s18] =	ssyncset.done $0x0  }
0xeb: {  	s21 =	smov.u32 s20;
	[sflag:s18] =	ssyncadd.s32 $0xFFFFC000  }
0xec: {  	[tilespmem:s8], [sflag:$0x6] =	stream.indirect.gather [hbm4b:s1+s0], $0x80, s0, s0, $0xb8;
	[tilespmem:$0x1C000] =	vst v63  }
0xed: {  	s22 =	sadd.s32 s21, s24  }
0xee: {  	[tilespmem:s9], [sflag:$0x3] =	stream.linear.gather [hbm4b:s22+s4], $0x80, $0x38;
	[tilespmem:$0x1C000] =	vst v63  }
0xef: {  	s25 =	sadd.s32 s21, s23  }
0xf0: {  	[tilespmem:s10], [sflag:$0x3] =	stream.linear.gather [hbm4b:s25+s4], $0x80, $0x38;
	[tilespmem:$0x1C000] =	vst v63  }
0xf1: {  	_ =	swait.ge [sflag:s11], $0x4000  }
0xf2: {  	[sflag:s11] =	ssyncset.done $0x0  }
0xf3: {  	[sflag:s11] =	ssyncadd.s32 $0xFFFFC000  }
0xf4: {  	[spmem:s3] =	stream.indirect.scatter.add.f32 [tilespmem:s29], [sflag:$0x7], $0x80, s31, s0, $0xb8;
	[tilespmem:$0x1C000] =	vst v63  }
0xf5: {  	_ =	swait.ge [sflag:s12], $0x80  }
0xf6: {  	[sflag:s12] =	ssyncset.done $0x0  }
0xf7: {  	[sflag:s12] =	ssyncadd.s32 $0xFFFFFF80  }
0xf8: {  	_ =	swait.ge [sflag:s12], $0x80  }
0xf9: {  	[sflag:s12] =	ssyncset.done $0x0  }
0xfa: {  	[sflag:s12] =	ssyncadd.s32 $0xFFFFFF80  }
0xfb: {  	_ =	swait.ge [sflag:s13], $0x4000  }
0xfc: {  	[sflag:s13] =	ssyncset.done $0x0  }
0xfd: {  	s22 =	rddreg [dreg:$0x9];
	[sflag:s13] =	ssyncadd.s32 $0xFFFFC000  }
0xfe: {  	[tilespmem:s29], [sflag:$0x5] =	stream.indirect.gather [hbm4b:s1+s0], $0x80, s9, s0, $0xb8;
	[tilespmem:$0x1C000] =	vst v63  }
0xff: {  	s25 =	rddreg [dreg:$0x8];
	s22 =	sadd.s32 s21, s22  }
0x100: {  	[tilespmem:s14], [sflag:$0x4] =	stream.linear.gather [hbm4b:s22+s4], $0x80, $0x38;
	[tilespmem:$0x1C000] =	vst v63  }
0x101: {  	s25 =	sadd.s32 s21, s25  }
0x102: {  	[tilespmem:s15], [sflag:$0x4] =	stream.linear.gather [hbm4b:s25+s4], $0x80, $0x38;
	[tilespmem:$0x1C000] =	vst v63  }
0x103: {  	_ =	swait.ge [sflag:s16], $0x4000  }
0x104: {  	[sflag:s16] =	ssyncset.done $0x0  }
0x105: {  	[sflag:s16] =	ssyncadd.s32 $0xFFFFC000  }
0x106: {  	[spmem:s3] =	stream.indirect.scatter.add.f32 [tilespmem:s8], [sflag:$0x8], $0x80, s2, s0, $0xb8;
	[tilespmem:$0x1C000] =	vst v63  }
0x107: {  	_ =	swait.ge [sflag:s17], $0x80  }
0x108: {  	[sflag:s17] =	ssyncset.done $0x0  }
0x109: {  	[sflag:s17] =	ssyncadd.s32 $0xFFFFFF80  }
0x10a: {  	_ =	swait.ge [sflag:s17], $0x80  }
0x10b: {  	[sflag:s17] =	ssyncset.done $0x0  }
0x10c: {  	[sflag:s17] =	ssyncadd.s32 $0xFFFFFF80  }
0x10d: {  	_ =	swait.ge [sflag:s18], $0x4000  }
0x10e: {  	[sflag:s18] =	ssyncset.done $0x0  }
0x10f: {  	s22 =	rddreg [dreg:$0x7];
	[sflag:s18] =	ssyncadd.s32 $0xFFFFC000  }
0x110: {  	[tilespmem:s8], [sflag:$0x6] =	stream.indirect.gather [hbm4b:s1+s0], $0x80, s14, s0, $0xb8;
	[tilespmem:$0x1C000] =	vst v63  }
0x111: {  	s25 =	rddreg [dreg:$0x6];
	s22 =	sadd.s32 s21, s22  }
0x112: {  	[tilespmem:s4], [sflag:$0x1] =	stream.linear.gather [hbm4b:s22+s4], $0x80, $0x38;
	[tilespmem:$0x1C000] =	vst v63  }
0x113: {  	s25 =	sadd.s32 s21, s25  }
0x114: {  	[tilespmem:s31], [sflag:$0x1] =	stream.linear.gather [hbm4b:s25+s4], $0x80, $0x38;
	[tilespmem:$0x1C000] =	vst v63  }
0x115: {  	_ =	swait.ge [sflag:s11], $0x4000  }
0x116: {  	[sflag:s11] =	ssyncset.done $0x0  }
0x117: {  	[sflag:s11] =	ssyncadd.s32 $0xFFFFC000  }
0x118: {  	[spmem:s3] =	stream.indirect.scatter.add.f32 [tilespmem:s29], [sflag:$0x7], $0x80, s10, s0, $0xb8;
	[tilespmem:$0x1C000] =	vst v63  }
0x119: {  	_ =	swait.ge [sflag:s6], $0x80  }
0x11a: {  	[sflag:s6] =	ssyncset.done $0x0  }
0x11b: {  	[sflag:s6] =	ssyncadd.s32 $0xFFFFFF80  }
0x11c: {  	_ =	swait.ge [sflag:s6], $0x80  }
0x11d: {  	[sflag:s6] =	ssyncset.done $0x0  }
0x11e: {  	[sflag:s6] =	ssyncadd.s32 $0xFFFFFF80  }
0x11f: {  	_ =	swait.ge [sflag:s13], $0x4000  }
0x120: {  	[sflag:s13] =	ssyncset.done $0x0  }
0x121: {  	s22 =	rddreg [dreg:$0x5];
	[sflag:s13] =	ssyncadd.s32 $0xFFFFC000  }
0x122: {  	[tilespmem:s29], [sflag:$0x5] =	stream.indirect.gather [hbm4b:s1+s0], $0x80, s4, s0, $0xb8;
	[tilespmem:$0x1C000] =	vst v63  }
0x123: {  	p0 =	sne.s32 s20, $0x440;
	s25 =	rddreg [dreg:$0x4];
	s22 =	sadd.s32 s21, s22  }
0x124: {  	[tilespmem:s0], [sflag:$0x2] =	stream.linear.gather [hbm4b:s22+s4], $0x80, $0x38;
	[tilespmem:$0x1C000] =	vst v63  }
.Ltmp1:
0x125: {  	s21 =	sadd.s32 s21, s25;
	(pc) =	sbr.rel @p0 .LBB2_4-.Ltmp1, $4  }
0x126: {  	[tilespmem:s2], [sflag:$0x2] =	stream.linear.gather [hbm4b:s21+s4], $0x80, $0x38;
	[tilespmem:$0x1C000] =	vst v63  }
0x127: {  	_ =	swait.ge [sflag:s16], $0x4000  }
0x128: {  	[sflag:s16] =	ssyncset.done $0x0  }
0x129: {  	s20 =	sadd.s32 $0x40, s20;
	[sflag:s16] =	ssyncadd.s32 $0xFFFFC000  }
0x12a: {  	[spmem:s3] =	stream.indirect.scatter.add.f32 [tilespmem:s8], [sflag:$0x8], $0x80, s15, s0, $0xb8;
	[tilespmem:$0x1C000] =	vst v63  }
0x12b: {  	_ =	swait.ge [sflag:s7], $0x80  }
0x12c: {  	[sflag:s7] =	ssyncset.done $0x0  }
0x12d: {  	[sflag:s7] =	ssyncadd.s32 $0xFFFFFF80  }
0x12e: {  	_ =	swait.ge [sflag:s7], $0x80  }
0x12f: {  	[sflag:s7] =	ssyncset.done $0x0  }
0x130: {  	[sflag:s7] =	ssyncadd.s32 $0xFFFFFF80  }
0x131: {  	_ =	swait.ge [sflag:s18], $0x4000  }
0x132: {  	[sflag:s18] =	ssyncset.done $0x0  }
0x133: {  	[sflag:s18] =	ssyncadd.s32 $0xFFFFC000  }
0x134: {  	[tilespmem:s8], [sflag:$0x6] =	stream.indirect.gather [hbm4b:s1+s0], $0x80, s0, s0, $0xb8;
	[tilespmem:$0x1C000] =	vst v63  }
0x135: {  	s20 =	rddreg [dreg:$0x17]  }
0x136: {  	[tilespmem:s9], [sflag:$0x3] =	stream.linear.gather [hbm4b:s20+s4], $0x80, $0x38;
	[tilespmem:$0x1C000] =	vst v63  }
0x137: {  	s21 =	rddreg [dreg:$0x18]  }
0x138: {  	[tilespmem:s10], [sflag:$0x3] =	stream.linear.gather [hbm4b:s21+s4], $0x80, $0x38;
	[tilespmem:$0x1C000] =	vst v63  }
0x139: {  	_ =	swait.ge [sflag:s11], $0x4000  }
0x13a: {  	[sflag:s11] =	ssyncset.done $0x0  }
0x13b: {  	[sflag:s11] =	ssyncadd.s32 $0xFFFFC000  }
0x13c: {  	[spmem:s3] =	stream.indirect.scatter.add.f32 [tilespmem:s29], [sflag:$0x7], $0x80, s31, s0, $0xb8;
	[tilespmem:$0x1C000] =	vst v63  }
0x13d: {  	_ =	swait.ge [sflag:s12], $0x80  }
0x13e: {  	[sflag:s12] =	ssyncset.done $0x0  }
0x13f: {  	[sflag:s12] =	ssyncadd.s32 $0xFFFFFF80  }
0x140: {  	_ =	swait.ge [sflag:s12], $0x80  }
0x141: {  	[sflag:s12] =	ssyncset.done $0x0  }
0x142: {  	[sflag:s12] =	ssyncadd.s32 $0xFFFFFF80  }
0x143: {  	_ =	swait.ge [sflag:s13], $0x4000  }
0x144: {  	[sflag:s13] =	ssyncset.done $0x0  }
0x145: {  	[sflag:s13] =	ssyncadd.s32 $0xFFFFC000  }
0x146: {  	[tilespmem:s29], [sflag:$0x5] =	stream.indirect.gather [hbm4b:s1+s0], $0x80, s9, s0, $0xb8;
	[tilespmem:$0x1C000] =	vst v63  }
0x147: {  	_ =	swait.ge [sflag:s16], $0x4000  }
0x148: {  	[sflag:s16] =	ssyncset.done $0x0  }
0x149: {  	[sflag:s16] =	ssyncadd.s32 $0xFFFFC000  }
0x14a: {  	[spmem:s3] =	stream.indirect.scatter.add.f32 [tilespmem:s8], [sflag:$0x8], $0x80, s2, s0, $0xb8;
	[tilespmem:$0x1C000] =	vst v63  }
0x14b: {  	_ =	swait.ge [sflag:s18], $0x4000  }
0x14c: {  	[sflag:s18] =	ssyncset.done $0x0  }
0x14d: {  	[sflag:s18] =	ssyncadd.s32 $0xFFFFC000  }
0x14e: {  	_ =	swait.ge [sflag:s11], $0x4000  }
0x14f: {  	[sflag:s11] =	ssyncset.done $0x0  }
0x150: {  	[sflag:s11] =	ssyncadd.s32 $0xFFFFC000  }
0x151: {  	[spmem:s3] =	stream.indirect.scatter.add.f32 [tilespmem:s29], [sflag:$0x7], $0x80, s10, s0, $0xb8;
	[tilespmem:$0x1C000] =	vst v63  }
0x152: {  	_ =	swait.ge [sflag:s13], $0x4000  }
0x153: {  	[sflag:s13] =	ssyncset.done $0x0  }
0x154: {  	s22 =	stileid.u32;
	[sflag:s13] =	ssyncadd.s32 $0xFFFFC000  }
0x155: {  	s20 =	sshll.u32 s22, $0x6;
	[bflag:$0x0] =	sbarrier.arrive $0xFFFF  }
0x156: {  	s20 =	sor.u32 $0x1C09, s20;
	s21 =	sshrl.u32 s5, $0x3;
	s22 =	rddreg [dreg:$0x19]  }
0x157: {  	[hbm:s22], [sflag:s20] =	dma.local [spmem:s21], $0x2780  }
0x158: {  	_ =	swait.ge [sflag:s30], $0x2780  }
0x159: {  	s19 =	sadd.s32 $0x1, s19;
	s25 =	rddreg [dreg:$0x1a]  }
0x15a: {  	p0 =	sne.s32 s19, s25  }
.Ltmp2:
0x15b: {  	_ = 	snop;
	(pc) =	sbr.rel @p0 .LBB2_1-.Ltmp2, $3  }
0x15c: {  	_ =	sdelay $0x1  }
0x15d: {  	[sflag:s30] =	ssyncset.done $0x0  }
0x15e: {  	[sflag:s30] =	ssyncadd.s32 $0xFFFFD880  }
0x15f: {  	_ =	sfence.sel $0x180000  }
0x160: {  	[bflag:$0x0] =	sbarrier.arrive $0xFFFF  }
0x161: {  	_ =	strace $0x9000004A  }
0x162: {  	s0 =	stileid.u32;
	[bflag:$0x2] =	sbarrier.arrive $0xFFFF  }
0x163: {  	p0 =	sne.s32 s0, $0x0;
	s0 =	rddreg [dreg:$0x3]  }
0x164: {  	s0 =	sadd.s32 @!p0 $0x100000, s0  }
0x165: {  	[sflag:s0] =	ssyncadd.tile.s32 @!p0 $0x1;
	_ =	shalt  }
.Lfunc_end2:
_tile_overlayer_lowered:
.L_overlay_start_2:
0x166: {  	(tag) =	ssettag $0x2  }
0x167: {  	s0 =	rddreg [dreg:$0x0];
	s2 =	stileid.u32  }
0x168: {  	s1 =	rddreg [dreg:$0x1];
	p0 =	sne.s32 s2, $0x0  }
0x169: {  	s3 =	rddreg [dreg:$0x2];
	[bflag:$0x3] =	sbarrier.arrive $0xFFFF;
	s2 =	simm.s32 @!p0 $0x1C09  }
0x16a: {  	[timem:s3], [sflag:s2] =	dma.local @!p0 [hbm:s0], s1  }
0x16b: {  	s0 =	simm.s32 @!p0 $0x9  }
0x16c: {  	_ =	swait.ge @!p0 [sflag:s0], s1  }
0x16d: {  	s1 =	ssub.s32 @!p0 $0x0, s1;
	[sflag:s0] =	ssyncset.done @!p0 $0x0  }
0x16e: {  	[sflag:s0] =	ssyncadd.s32 @!p0 s1  }
0x16f: {  	[bflag:$0x3] =	sbarrier.arrive $0xFFFF  }
0x170: {  	_ =	shalt  }

// kernel: kernel.14.cloned.1.call-start
scs
__scs_entry_jumppad:
0x0: {  	(pc) =	sbr.rel $0x88, $3  }
0x1: {  	(tag) =	ssettag $0x0;
	lr =	simm.s32 $0x1  }
0x2: {  	[smem:$0x3F9B] =	sst lr;
	_ =	strace $0xD0000000  }
0x3: {  	_ = 	snop  }
0x4: {  	_ = 	snop  }
0x5: {  	_ = 	snop  }
0x6: {  	_ = 	snop  }
0x7: {  	_ = 	snop  }
__scs_overlays_trampoline_lowered:
0x8: {  	[smem:$0x3FAA] =	sst s0  }
0x9: {  	[smem:$0x3FAB] =	sst s1  }
0xa: {  	[smem:$0x3FAC] =	sst s2  }
0xb: {  	[smem:$0x3FAD] =	sst s3  }
0xc: {  	[smem:$0x3FAE] =	sst s4  }
0xd: {  	[smem:$0x3FAF] =	sst s5  }
0xe: {  	[smem:$0x3FB0] =	sst s6  }
0xf: {  	[smem:$0x3FB1] =	sst s7  }
0x10: {  	[smem:$0x3FB2] =	sst s8  }
0x11: {  	[smem:$0x3FB3] =	sst s9;
	s0 =	simm.s32 @!p0 $0x0  }
0x12: {  	s1 =	sld [smem:$0x3F99];
	s0 =	simm.s32 @p0 $0x1  }
0x13: {  	[smem:$0x3FB4] =	sst s0;
	s0 =	simm.s32 @!p1 $0x0  }
0x14: {  	s2 =	sld [smem:$0x3F98];
	s0 =	simm.s32 @p1 $0x1  }
0x15: {  	[smem:$0x3FB5] =	sst s0;
	s0 =	simm.s32 @!p2 $0x0  }
0x16: {  	s3 =	sld [smem:$0x3FDB];
	s0 =	simm.s32 @p2 $0x1  }
0x17: {  	s4 =	simm.s32 $0x1BF5;
	[smem:$0x3FB7] =	sst s0  }
0x18: {  	s0 =	sld [smem:$0x3F9A];
	_ =	swait.ge [sflag:s4], $0x0  }
0x19: {  	s7 =	sld [smem:$0x3F9B]  }
0x1a: {  	s8 =	sadd.s32 $0xFFFFE003, lr  }
0x1b: {  	s9 =	sadd.s32 $0xFFFFFEF7, lr;
	s5 =	simm.s32 $0xFFFFFFFF;
	p2 =	slt.u32 s8, $0xFFFFF086  }
0x1c: {  	p1 =	slt.u32 s9, $0xF7A;
	s5 =	simm.s32 @!p2 $0x0  }
0x1d: {  	s5 =	simm.s32 @p1 $0x1;
	p0 =	seq.s32 s7, s2  }
0x1e: {  	s7 =	smul.u32 @!p0 $0xF7A, s2;
	p2 =	seq.s32 @!p0 s5, $0x0  }
0x1f: {  	s9 =	smul.u32 $0xF7A, s1;
	s8 =	simm.s32 @!p0 $0x1BF5;
	p2 =	por !p2, p0  }
0x20: {  	[sflag:s8] =	ssyncset.s32 @!p0 $0xFFFFF086;
	s6 =	sadd.s32 @!p0 s3, s7;
	s7 =	simm.s32 @!p0 $0x108  }
0x21: {  	s3 =	sadd.s32 s3, s9;
	s6 =	sadd.s32 @!p0 $0x88, s6;
	s7 =	simm.s32 @p2 $0x1082  }
0x22: {  	[simem:s7], [sflag:s8] =	dma.local @!p0 [hbm:s6], $0xF7A  }
0x23: {  	s9 =	sor.u32 $0xD0000000, s2;
	s6 =	simm.s32 $0x108;
	_ =	swait.ge @!p0 [sflag:s8], $0x0  }
0x24: {  	s3 =	sadd.s32 $0x88, s3;
	s6 =	simm.s32 @!p1 $0x1082;
	[sflag:s4] =	ssyncset.s32 $0xFFFFF086  }
0x25: {  	[simem:s6], [sflag:s4] =	dma.local [hbm:s3], $0xF7A  }
0x26: {  	[smem:$0x3F9B] =	sst s1;
	(tag) =	ssettag s2;
	_ =	strace s9  }
0x27: {  	s1 =	sld [smem:$0x3FAB]  }
0x28: {  	s2 =	sld [smem:$0x3FAC]  }
0x29: {  	s4 =	sld [smem:$0x3FAE]  }
0x2a: {  	p0 =	seq.s32 s5, $0x0;
	s5 =	sld [smem:$0x3FAF]  }
0x2b: {  	s6 =	sld [smem:$0x3FB0]  }
0x2c: {  	s7 =	sld [smem:$0x3FB1]  }
0x2d: {  	s3 =	simm.s32 $0x108;
	s8 =	sld [smem:$0x3FB2]  }
0x2e: {  	s3 =	simm.s32 @!p0 $0x1082;
	s9 =	sld [smem:$0x3FB3]  }
0x2f: {  	lr =	sadd.s32 s0, s3;
	s0 =	sld [smem:$0x3FAA]  }
0x30: {  	s3 =	sld [smem:$0x3FAD]  }
0x31: {  	[smem:$0x3FB6] =	sst s10  }
0x32: {  	s10 =	sld [smem:$0x3FB4];
	_ =	sdelay $0x3  }
0x33: {  	p0 =	seq.s32 s10, $0x1;
	s10 =	sld [smem:$0x3FB6];
	_ =	sdelay $0x3  }
0x34: {  	[smem:$0x3FB6] =	sst s10  }
0x35: {  	s10 =	sld [smem:$0x3FB5];
	_ =	sdelay $0x3  }
0x36: {  	p1 =	seq.s32 s10, $0x1;
	s10 =	sld [smem:$0x3FB6];
	_ =	sdelay $0x3  }
0x37: {  	[smem:$0x3FB6] =	sst s10  }
0x38: {  	s10 =	sld [smem:$0x3FB7]  }
0x39: {  	_ = 	snop;
	(pc) =	sbr.ind lr, $3  }
0x3a: {  	_ = 	snop  }
0x3b: {  	_ = 	snop  }
0x3c: {  	p2 =	seq.s32 s10, $0x1;
	s10 =	sld [smem:$0x3FB6]  }
0x3d: {  	_ =	shalt  }
0x3e: {  	_ =	shalt  }
0x3f: {  	_ =	shalt  }
0x40: {  	_ =	shalt  }
0x41: {  	_ =	shalt  }
0x42: {  	_ =	shalt  }
0x43: {  	_ =	shalt  }
0x44: {  	_ =	shalt  }
0x45: {  	_ =	shalt  }
0x46: {  	_ =	shalt  }
0x47: {  	_ =	shalt  }
0x48: {  	_ =	shalt  }
0x49: {  	_ =	shalt  }
0x4a: {  	_ =	shalt  }
0x4b: {  	_ =	shalt  }
0x4c: {  	_ =	shalt  }
0x4d: {  	_ =	shalt  }
0x4e: {  	_ =	shalt  }
0x4f: {  	_ =	shalt  }
0x50: {  	_ =	shalt  }
0x51: {  	_ =	shalt  }
0x52: {  	_ =	shalt  }
0x53: {  	_ =	shalt  }
0x54: {  	_ =	shalt  }
0x55: {  	_ =	shalt  }
0x56: {  	_ =	shalt  }
0x57: {  	_ =	shalt  }
0x58: {  	_ =	shalt  }
0x59: {  	_ =	shalt  }
0x5a: {  	_ =	shalt  }
0x5b: {  	_ =	shalt  }
0x5c: {  	_ =	shalt  }
0x5d: {  	_ =	shalt  }
0x5e: {  	_ =	shalt  }
0x5f: {  	_ =	shalt  }
0x60: {  	_ =	shalt  }
0x61: {  	_ =	shalt  }
0x62: {  	_ =	shalt  }
0x63: {  	_ =	shalt  }
0x64: {  	_ =	shalt  }
0x65: {  	_ =	shalt  }
0x66: {  	_ =	shalt  }
0x67: {  	_ =	shalt  }
0x68: {  	_ =	shalt  }
0x69: {  	_ =	shalt  }
0x6a: {  	_ =	shalt  }
0x6b: {  	_ =	shalt  }
0x6c: {  	_ =	shalt  }
0x6d: {  	_ =	shalt  }
0x6e: {  	_ =	shalt  }
0x6f: {  	_ =	shalt  }
0x70: {  	_ =	shalt  }
0x71: {  	_ =	shalt  }
0x72: {  	_ =	shalt  }
0x73: {  	_ =	shalt  }
0x74: {  	_ =	shalt  }
0x75: {  	_ =	shalt  }
0x76: {  	_ =	shalt  }
0x77: {  	_ =	shalt  }
0x78: {  	_ =	shalt  }
0x79: {  	_ =	shalt  }
0x7a: {  	_ =	shalt  }
0x7b: {  	_ =	shalt  }
0x7c: {  	_ =	shalt  }
0x7d: {  	_ =	shalt  }
0x7e: {  	_ =	shalt  }
0x7f: {  	_ =	shalt  }
0x80: {  	_ =	shalt  }
0x81: {  	_ =	shalt  }
0x82: {  	_ =	shalt  }
0x83: {  	_ =	shalt  }
0x84: {  	_ =	shalt  }
0x85: {  	_ =	shalt  }
0x86: {  	_ =	shalt  }
0x87: {  	_ =	shalt  }
.Lfunc_end0:
.L_simem_size_0:
called_computation.2_lowered:
.L_overlay_start_0:
0x88: {  	s2 =	sld [smem:$0x3FD9]  }
0x89: {  	s3 =	sld [smem:$0x3FFE];
	_ =	sdelay $0x1  }
0x8a: {  	s1 =	srdreg.scid  }
0x8b: {  	s0 =	sand.u32 $0x1, s1  }
0x8c: {  	s17 =	sshll.u32 s0, $0xA;
	s2 =	sadd.s32 s3, s2  }
0x8d: {  	s2 =	sadd.s32 s2, s17  }
0x8e: {  	[smem:$0x3FC2] =	sst s2  }
0x8f: {  	_ = 	snop  }
0x90: {  	s2 =	sld [smem:$0x3FD0];
	(tm) =	ssettm $0x1  }
0x91: {  	s18 =	sld [smem:$0x3FFB];
	_ =	sdelay $0x3  }
0x92: {  	_ =	strace s18  }
0x93: {  	s3 =	sld [smem:$0x3FFC];
	_ =	sdelay $0x3  }
0x94: {  	_ =	strace s3  }
0x95: {  	s3 =	sld [smem:$0x3FFD];
	_ =	sdelay $0x3  }
0x96: {  	_ =	strace s3  }
0x97: {  	_ =	strace $0x8FFFFFFF  }
0x98: {  	s19 =	sld [smem:$0x3FDB];
	_ =	sdelay $0x1  }
0x99: {  	s4 =	simm.s32 $_scs_section_size  }
0x9a: {  	s5 =	simm.s32 $_size__tile_overlayer_lowered;
	s6 =	simm.s32 $_tile_overlayer_lowered  }
0x9b: {  	s22 =	simm.s32 $0x1BFF;
	s21 =	sshll.u32 s6, $0x1;
	s3 =	sadd.s32 s4, s19  }
0x9c: {  	s7 =	simm.s32 $0x0;
	s20 =	sshll.u32 s5, $0x1;
	s5 =	sadd.s32 s21, s3  }
0x9d: {  	[timem:s7], [sflag:s22] =	dma.local [hbm:s5], s20  }
0x9e: {  	_ =	swait.ge [sflag:s22], s20  }
0x9f: {  	s4 =	ssub.s32 $0x0, s20;
	[sflag:s22] =	ssyncset.done $0x0  }
0xa0: {  	[sflag:s22] =	ssyncadd.s32 s4;
	_ =	sdelay $0x1  }
0xa1: {  	s23 =	simm.s32 $0x1B8B  }
0xa2: {  	_ =	swait.ge [sflag:s23], $0x1  }
0xa3: {  	[sflag:s23] =	ssyncset.done $0x0  }
0xa4: {  	s25 =	simm.s32 $0x1B8E;
	s24 =	sld [smem:$0x3FFE];
	[sflag:s23] =	ssyncadd.s32 $0xFFFFFFFF  }
0xa5: {  	s26 =	simm.s32 $execute0_lowered;
	[smem:$0x3FD2] =	sst s25  }
0xa6: {  	s5 =	sshll.u32 s26, $0x1;
	_ =	strace $0x8000004C;
	[dreg:$0x1] =	wrdreg $0xFFFFFFFF  }
0xa7: {  	s28 =	simm.s32 $_size_execute0_lowered;
	s3 =	sadd.s32 s3, s5;
	[dreg:$0x0] =	wrdreg $0x0  }
0xa8: {  	s5 =	sshll.u32 s28, $0x1;
	[dreg:$0x2] =	wrdreg s3  }
0xa9: {  	[dreg:$0x3] =	wrdreg s5  }
0xaa: {  	[dreg:$0x4] =	wrdreg $0xC0  }
0xab: {  	_ =	task [dreg:s7], $0x5FFFF  }
0xac: {  	[dreg:$0x1] =	wrdreg $0xFFFFFFFF  }
0xad: {  	[dreg:$0x0] =	wrdreg $0x60  }
0xae: {  	[dreg:$0x2] =	wrdreg s2  }
0xaf: {  	[dreg:$0x3] =	wrdreg s24  }
0xb0: {  	[dreg:$0x4] =	wrdreg $0x84000  }
0xb1: {  	[dreg:$0x5] =	wrdreg $0x9  }
0xb2: {  	_ =	task.clear_ibuf [dreg:s7], $0x6FFFF;
	_ =	strace $0x9000004C  }
0xb3: {  	s29 =	simm.s32 $0x9;
	_ =	strace $0x8000004E  }
0xb4: {  	_ =	swait.ge [sflag:s29], $0x1  }
0xb5: {  	[sflag:s29] =	ssyncadd.s32 $0xFFFFFFFF  }
0xb6: {  	_ =	strace $0x9000004E  }
0xb7: {  	_ =	sfence  }
0xb8: {  	s30 =	sld [smem:$0x0];
	_ =	sdelay $0x2  }
0xb9: {  	s31 =	sshll.u32 s1, $0xD;
	s1 =	sshrl.u32 s1, $0x2  }
0xba: {  	s3 =	sand.u32 $0x4000, s31;
	s1 =	sadd.s32 s1, s30  }
0xbb: {  	s0 =	sor.u32 s3, s0;
	s1 =	sshll.u32 s1, $0x11  }
0xbc: {  	s0 =	sor.u32 s1, s0  }
0xbd: {  	s0 =	sadd.s32 $0x8F2B, s0  }
0xbe: {  	[sflag:s0] =	ssyncadd.remote.s32 $0x1  }
0xbf: {  	_ =	sfence.sel $0xFFFF  }
0xc0: {  	[dreg:$0x0] =	wrdreg $0xFFFFFFFF;
	(pc) =	sbr.abs _section_cstart, $3  }
0xc1: {  	[dreg:$0x1] =	wrdreg $0xFFFFFFFF  }
0xc2: {  	_ =	task.clear_ibuf [dreg:s7], $0x2FFFF;
	_ =	strace $0x9FFFFFFF  }
0xc3: {  	(tm) =	ssettm $0x7FFFFFFF  }
tec
execute0_lowered:
.L_overlay_start_1:
0x0: {  	(tag) =	ssettag $0x1  }
0x1: {  	s1 =	rddreg [dreg:$0x0]  }
0x2: {  	s0 =	rddreg [dreg:$0x1]  }
0x3: {  	s3 =	rddreg [dreg:$0x2];
	s4 =	simm.s32 $0x0;
	s2 =	srdreg.scid  }
0x4: {  	s12 =	stileid.u32;
	s29 =	simm.s32 $0x400;
	s30 =	simm.s32 $0x9  }
0x5: {  	s31 =	simm.s32 $0x200;
	[smem:$0x7FF] =	sst s4;
	s5 =	smul.u32 $0x2780, s12  }
0x6: {  	s2 =	sand.u32 $0x1, s2;
	s7 =	sadd.s32 $0x5C200, s0;
	s9 =	smul.u32 $0x4F000, s12  }
0x7: {  	s8 =	sshll.u32 s12, $0x1;
	s10 =	sadd.s32 $0x3400, s0;
	s14 =	smul.u32 $0x4F00, s12  }
0x8: {  	s12 =	simm.s32 $0x3;
	_ =	strace $0x8000004D;
	s6 =	smul.u32 $0x27800, s2  }
0x9: {  	s25 =	sor.u32 s2, s8;
	s26 =	ssub.s32 $0x2, s2;
	s2 =	smul.u32 $0x2780, s2  }
0xa: {  	s9 =	sshrl.u32 s9, $0x2;
	s11 =	sshrl.u32 s26, $0x1;
	s5 =	sadd.s32 s5, s6  }
0xb: {  	s6 =	smul.u32 $0x2780, s25;
	s0 =	sadd.s32 s5, s0;
	s5 =	sadd.s32 s9, s3  }
0xc: {  	s8 =	ssub.s32 s26, s11;
	s2 =	sadd.s32 s2, s14;
	s9 =	sadd.s32 $0x10000, s5  }
0xd: {  	s6 =	sshrl.u32 s6, $0x3;
	s0 =	sadd.s32 $0x66000, s0;
	[dreg:$0xa] =	wrdreg s9  }
0xe: {  	s22 =	sadd.s32 $0x480, s2;
	s11 =	sadd.s32 s7, s6;
	[dreg:$0x19] =	wrdreg s0  }
0xf: {  	s24 =	sshrl.u32 s22, $0x3;
	s13 =	sadd.s32 s10, s6;
	[dreg:$0xb] =	wrdreg s11  }
0x10: {  	s15 =	sadd.s32 $0x10, s6;
	s25 =	sadd.s32 s24, s10;
	[dreg:$0xc] =	wrdreg s13  }
0x11: {  	s26 =	sadd.s32 $0x400, s2;
	s13 =	sadd.s32 s7, s15;
	[dreg:$0x4] =	wrdreg s25  }
0x12: {  	s16 =	sadd.s32 $0x20, s6;
	s11 =	sadd.s32 s10, s15;
	[dreg:$0xd] =	wrdreg s13  }
0x13: {  	s28 =	sadd.s32 $0xC000, s5;
	s17 =	sadd.s32 s7, s16;
	[dreg:$0xe] =	wrdreg s11  }
0x14: {  	s19 =	sadd.s32 $0x30, s6;
	s18 =	sadd.s32 s10, s16;
	[dreg:$0xf] =	wrdreg s17  }
0x15: {  	s21 =	sadd.s32 $0x40, s6;
	s20 =	sadd.s32 s7, s19;
	[dreg:$0x10] =	wrdreg s18  }
0x16: {  	s0 =	simm.s32 $0x80;
	s23 =	sadd.s32 s7, s21;
	[dreg:$0x11] =	wrdreg s20  }
0x17: {  	s9 =	sadd.s32 s10, s21;
	s15 =	sadd.s32 $0x380, s2;
	[dreg:$0x13] =	wrdreg s23  }
0x18: {  	s2 =	sadd.s32 $0x300, s2;
	s11 =	sadd.s32 s10, s19;
	[dreg:$0x14] =	wrdreg s9  }
0x19: {  	s13 =	sshrl.u32 s26, $0x3;
	s26 =	sadd.s32 $0x4000, s5;
	[dreg:$0x12] =	wrdreg s11  }
0x1a: {  	s17 =	sshrl.u32 s15, $0x3;
	s11 =	sadd.s32 s24, s7;
	[dreg:$0x1b] =	wrdreg s26  }
0x1b: {  	s18 =	sadd.s32 $0x50, s6;
	s14 =	sadd.s32 s13, s10;
	[dreg:$0x5] =	wrdreg s11  }
0x1c: {  	s6 =	sadd.s32 $0x4E0, s6;
	s16 =	sadd.s32 s13, s7;
	[dreg:$0x6] =	wrdreg s14  }
0x1d: {  	s25 =	sshrl.u32 s2, $0x3;
	s19 =	sadd.s32 s17, s10;
	[dreg:$0x7] =	wrdreg s16  }
0x1e: {  	s2 =	simm.s32 $0x280;
	s20 =	sadd.s32 s7, s18;
	[dreg:$0x8] =	wrdreg s19  }
0x1f: {  	s9 =	simm.s32 $0x100;
	s22 =	sadd.s32 s10, s18;
	[dreg:$0x15] =	wrdreg s20  }
0x20: {  	s15 =	simm.s32 $0x380;
	s21 =	sadd.s32 s17, s7;
	[dreg:$0x16] =	wrdreg s22  }
0x21: {  	s23 =	sadd.s32 s7, s6;
	s6 =	sadd.s32 s10, s6;
	[dreg:$0x9] =	wrdreg s21  }
0x22: {  	s24 =	smax.u32 s8, $0x1;
	s26 =	sadd.s32 $0x8000, s5;
	[dreg:$0x17] =	wrdreg s23  }
0x23: {  	s8 =	simm.s32 $0x4400;
	s13 =	simm.s32 $0x7;
	[dreg:$0x18] =	wrdreg s6  }
0x24: {  	s17 =	simm.s32 $0x4;
	s18 =	simm.s32 $0x8;
	[dreg:$0x1a] =	wrdreg s24  }
0x25: {  	s23 =	sadd.s32 s25, s10;
	s24 =	sadd.s32 s25, s7;
	s6 =	simm.s32 $0x1  }
0x26: {  	s7 =	simm.s32 $0x2;
	s10 =	simm.s32 $0x300;
	s11 =	simm.s32 $0x5  }
0x27: {  	v0 =	vimm.f32 $0.0e+00;
	s14 =	simm.s32 $0x180;
	s16 =	simm.s32 $0x6;
	s19 =	simm.s32 $0x0  }
.LBB2_1:
0x28: {  	s20 =	sand.u32 $0xFE00, s4  }
0x29: {  	s21 =	sand.u32 $0x70, s4;
	s22 =	sshrl.u32 s20, $0x2  }
0x2a: {  	s20 =	simm.s32 $0x40;
	s22 =	sor.u32 s21, s22;
	s21 =	simm.s32 $0x0  }
.LBB2_2:
0x2b: {  	p0 =	sne.s32 s20, $0xFFC0  }
0x2c: {  	[tilespmem:s22+$0x400] =	vst v0;
	s21 =	sadd.s32 $0x10, s21;
	s22 =	smov.u32 s20;
	s20 =	sadd.s32 $0x40, s20  }
.Ltmp0:
0x2d: {  	(pc) =	sbr.rel @p0 .LBB2_2-.Ltmp0, $4  }
0x2e: {  	_ = 	snop  }
0x2f: {  	s22 =	sand.u32 $0xFE00, s22  }
0x30: {  	s25 =	sand.u32 $0x70, s21;
	s22 =	sshrl.u32 s22, $0x2  }
0x31: {  	s22 =	sor.u32 s25, s22  }
0x32: {  	[tilespmem:s22+$0x400] =	vst v0  }
0x33: {  	[spmem:s5] =	stream.linear.scatter [tilespmem:s29], [sflag:$0x9], $0x4000, $0x38;
	[tilespmem:$0x1C000] =	vst v63  }
0x34: {  	_ =	swait.ge [sflag:s30], $0x4000  }
0x35: {  	[sflag:s30] =	ssyncset.done $0x0  }
0x36: {  	s20 =	rddreg [dreg:$0x1b];
	[sflag:s30] =	ssyncadd.s32 $0xFFFFC000  }
0x37: {  	[spmem:s20] =	stream.linear.scatter [tilespmem:s29], [sflag:$0x9], $0x4000, $0x38;
	[tilespmem:$0x1C000] =	vst v63  }
0x38: {  	_ =	swait.ge [sflag:s30], $0x4000  }
0x39: {  	[sflag:s30] =	ssyncset.done $0x0  }
0x3a: {  	[sflag:s30] =	ssyncadd.s32 $0xFFFFC000  }
0x3b: {  	[spmem:s26] =	stream.linear.scatter [tilespmem:s29], [sflag:$0x9], $0x4000, $0x38;
	[tilespmem:$0x1C000] =	vst v63  }
0x3c: {  	_ =	swait.ge [sflag:s30], $0x4000  }
0x3d: {  	[sflag:s30] =	ssyncset.done $0x0  }
0x3e: {  	[sflag:s30] =	ssyncadd.s32 $0xFFFFC000  }
0x3f: {  	[spmem:s28] =	stream.linear.scatter [tilespmem:s29], [sflag:$0x9], $0x4000, $0x38;
	[tilespmem:$0x1C000] =	vst v63  }
0x40: {  	_ =	swait.ge [sflag:s30], $0x4000  }
0x41: {  	[sflag:s30] =	ssyncset.done $0x0  }
0x42: {  	s22 =	rddreg [dreg:$0xa];
	[sflag:s30] =	ssyncadd.s32 $0xFFFFC000  }
0x43: {  	[spmem:s22] =	stream.linear.scatter [tilespmem:s29], [sflag:$0x9], $0x3C00, $0x38;
	[tilespmem:$0x1C000] =	vst v63  }
0x44: {  	_ =	swait.ge [sflag:s30], $0x3C00  }
0x45: {  	[sflag:s30] =	ssyncset.done $0x0  }
0x46: {  	s20 =	simm.s32 $0x0;
	s21 =	rddreg [dreg:$0xb];
	[sflag:s30] =	ssyncadd.s32 $0xFFFFC400  }
0x47: {  	[tilespmem:s20], [sflag:$0x1] =	stream.linear.gather [hbm4b:s21+s20], $0x80, $0x38;
	[tilespmem:$0x1C000] =	vst v63  }
0x48: {  	s25 =	rddreg [dreg:$0xc]  }
0x49: {  	[tilespmem:s31], [sflag:$0x1] =	stream.linear.gather [hbm4b:s25+s20], $0x80, $0x38;
	[tilespmem:$0x1C000] =	vst v63  }
0x4a: {  	s22 =	rddreg [dreg:$0xd]  }
0x4b: {  	[tilespmem:s0], [sflag:$0x2] =	stream.linear.gather [hbm4b:s22+s20], $0x80, $0x38;
	[tilespmem:$0x1C000] =	vst v63  }
0x4c: {  	s25 =	rddreg [dreg:$0xe]  }
0x4d: {  	[tilespmem:s2], [sflag:$0x2] =	stream.linear.gather [hbm4b:s25+s20], $0x80, $0x38;
	[tilespmem:$0x1C000] =	vst v63  }
0x4e: {  	_ =	swait.ge [sflag:s6], $0x80  }
0x4f: {  	[sflag:s6] =	ssyncset.done $0x0  }
0x50: {  	[sflag:s6] =	ssyncadd.s32 $0xFFFFFF80  }
0x51: {  	_ =	swait.ge [sflag:s6], $0x80  }
0x52: {  	[sflag:s6] =	ssyncset.done $0x0  }
0x53: {  	[sflag:s6] =	ssyncadd.s32 $0xFFFFFF80  }
0x54: {  	[tilespmem:s29], [sflag:$0x5] =	stream.indirect.gather [hbm4b:s1+s0], $0x80, s20, s0, $0xb8;
	[tilespmem:$0x1C000] =	vst v63  }
0x55: {  	[bflag:$0x0] =	sbarrier.arrive $0xFFFF  }
0x56: {  	_ =	swait.ge [sflag:s7], $0x80  }
0x57: {  	[sflag:s7] =	ssyncset.done $0x0  }
0x58: {  	[sflag:s7] =	ssyncadd.s32 $0xFFFFFF80  }
0x59: {  	_ =	swait.ge [sflag:s7], $0x80  }
0x5a: {  	[sflag:s7] =	ssyncset.done $0x0  }
0x5b: {  	[sflag:s7] =	ssyncadd.s32 $0xFFFFFF80  }
0x5c: {  	[tilespmem:s8], [sflag:$0x6] =	stream.indirect.gather [hbm4b:s1+s0], $0x80, s0, s0, $0xb8;
	[tilespmem:$0x1C000] =	vst v63  }
0x5d: {  	s22 =	rddreg [dreg:$0xf]  }
0x5e: {  	[tilespmem:s9], [sflag:$0x3] =	stream.linear.gather [hbm4b:s22+s20], $0x80, $0x38;
	[tilespmem:$0x1C000] =	vst v63  }
0x5f: {  	s25 =	rddreg [dreg:$0x10]  }
0x60: {  	[tilespmem:s10], [sflag:$0x3] =	stream.linear.gather [hbm4b:s25+s20], $0x80, $0x38;
	[tilespmem:$0x1C000] =	vst v63  }
0x61: {  	_ =	swait.ge [sflag:s11], $0x4000  }
0x62: {  	[sflag:s11] =	ssyncset.done $0x0  }
0x63: {  	[sflag:s11] =	ssyncadd.s32 $0xFFFFC000  }
0x64: {  	[spmem:s3] =	stream.indirect.scatter.add.f32 [tilespmem:s29], [sflag:$0x7], $0x80, s31, s0, $0xb8;
	[tilespmem:$0x1C000] =	vst v63  }
0x65: {  	_ =	swait.ge [sflag:s12], $0x80  }
0x66: {  	[sflag:s12] =	ssyncset.done $0x0  }
0x67: {  	[sflag:s12] =	ssyncadd.s32 $0xFFFFFF80  }
0x68: {  	_ =	swait.ge [sflag:s12], $0x80  }
0x69: {  	[sflag:s12] =	ssyncset.done $0x0  }
0x6a: {  	[sflag:s12] =	ssyncadd.s32 $0xFFFFFF80  }
0x6b: {  	_ =	swait.ge [sflag:s13], $0x4000  }
0x6c: {  	[sflag:s13] =	ssyncset.done $0x0  }
0x6d: {  	[sflag:s13] =	ssyncadd.s32 $0xFFFFC000  }
0x6e: {  	[tilespmem:s29], [sflag:$0x5] =	stream.indirect.gather [hbm4b:s1+s0], $0x80, s9, s0, $0xb8;
	[tilespmem:$0x1C000] =	vst v63  }
0x6f: {  	s22 =	rddreg [dreg:$0x11]  }
0x70: {  	[tilespmem:s14], [sflag:$0x4] =	stream.linear.gather [hbm4b:s22+s20], $0x80, $0x38;
	[tilespmem:$0x1C000] =	vst v63  }
0x71: {  	s25 =	rddreg [dreg:$0x12]  }
0x72: {  	[tilespmem:s15], [sflag:$0x4] =	stream.linear.gather [hbm4b:s25+s20], $0x80, $0x38;
	[tilespmem:$0x1C000] =	vst v63  }
0x73: {  	_ =	swait.ge [sflag:s16], $0x4000  }
0x74: {  	[sflag:s16] =	ssyncset.done $0x0  }
0x75: {  	[sflag:s16] =	ssyncadd.s32 $0xFFFFC000  }
0x76: {  	[spmem:s3] =	stream.indirect.scatter.add.f32 [tilespmem:s8], [sflag:$0x8], $0x80, s2, s0, $0xb8;
	[tilespmem:$0x1C000] =	vst v63  }
0x77: {  	_ =	swait.ge [sflag:s17], $0x80  }
0x78: {  	[sflag:s17] =	ssyncset.done $0x0  }
0x79: {  	[sflag:s17] =	ssyncadd.s32 $0xFFFFFF80  }
0x7a: {  	_ =	swait.ge [sflag:s17], $0x80  }
0x7b: {  	[sflag:s17] =	ssyncset.done $0x0  }
0x7c: {  	[sflag:s17] =	ssyncadd.s32 $0xFFFFFF80  }
0x7d: {  	_ =	swait.ge [sflag:s18], $0x4000  }
0x7e: {  	[sflag:s18] =	ssyncset.done $0x0  }
0x7f: {  	[sflag:s18] =	ssyncadd.s32 $0xFFFFC000  }
0x80: {  	[tilespmem:s8], [sflag:$0x6] =	stream.indirect.gather [hbm4b:s1+s0], $0x80, s14, s0, $0xb8;
	[tilespmem:$0x1C000] =	vst v63  }
0x81: {  	s22 =	rddreg [dreg:$0x13]  }
0x82: {  	[tilespmem:s20], [sflag:$0x1] =	stream.linear.gather [hbm4b:s22+s20], $0x80, $0x38;
	[tilespmem:$0x1C000] =	vst v63  }
0x83: {  	s25 =	rddreg [dreg:$0x14]  }
0x84: {  	[tilespmem:s31], [sflag:$0x1] =	stream.linear.gather [hbm4b:s25+s20], $0x80, $0x38;
	[tilespmem:$0x1C000] =	vst v63  }
0x85: {  	_ =	swait.ge [sflag:s11], $0x4000  }
0x86: {  	[sflag:s11] =	ssyncset.done $0x0  }
0x87: {  	[sflag:s11] =	ssyncadd.s32 $0xFFFFC000  }
0x88: {  	[spmem:s3] =	stream.indirect.scatter.add.f32 [tilespmem:s29], [sflag:$0x7], $0x80, s10, s0, $0xb8;
	[tilespmem:$0x1C000] =	vst v63  }
0x89: {  	_ =	swait.ge [sflag:s6], $0x80  }
0x8a: {  	[sflag:s6] =	ssyncset.done $0x0  }
0x8b: {  	[sflag:s6] =	ssyncadd.s32 $0xFFFFFF80  }
0x8c: {  	_ =	swait.ge [sflag:s6], $0x80  }
0x8d: {  	[sflag:s6] =	ssyncset.done $0x0  }
0x8e: {  	[sflag:s6] =	ssyncadd.s32 $0xFFFFFF80  }
0x8f: {  	_ =	swait.ge [sflag:s13], $0x4000  }
0x90: {  	[sflag:s13] =	ssyncset.done $0x0  }
0x91: {  	[sflag:s13] =	ssyncadd.s32 $0xFFFFC000  }
0x92: {  	[tilespmem:s29], [sflag:$0x5] =	stream.indirect.gather [hbm4b:s1+s0], $0x80, s20, s0, $0xb8;
	[tilespmem:$0x1C000] =	vst v63  }
0x93: {  	s22 =	rddreg [dreg:$0x15]  }
0x94: {  	[tilespmem:s0], [sflag:$0x2] =	stream.linear.gather [hbm4b:s22+s20], $0x80, $0x38;
	[tilespmem:$0x1C000] =	vst v63  }
0x95: {  	s25 =	rddreg [dreg:$0x16]  }
0x96: {  	[tilespmem:s2], [sflag:$0x2] =	stream.linear.gather [hbm4b:s25+s20], $0x80, $0x38;
	[tilespmem:$0x1C000] =	vst v63  }
0x97: {  	_ =	swait.ge [sflag:s16], $0x4000  }
0x98: {  	[sflag:s16] =	ssyncset.done $0x0  }
0x99: {  	[sflag:s16] =	ssyncadd.s32 $0xFFFFC000  }
0x9a: {  	[spmem:s3] =	stream.indirect.scatter.add.f32 [tilespmem:s8], [sflag:$0x8], $0x80, s15, s0, $0xb8;
	[tilespmem:$0x1C000] =	vst v63  }
0x9b: {  	_ =	swait.ge [sflag:s7], $0x80  }
0x9c: {  	[sflag:s7] =	ssyncset.done $0x0  }
0x9d: {  	[sflag:s7] =	ssyncadd.s32 $0xFFFFFF80  }
0x9e: {  	_ =	swait.ge [sflag:s7], $0x80  }
0x9f: {  	[sflag:s7] =	ssyncset.done $0x0  }
0xa0: {  	[sflag:s7] =	ssyncadd.s32 $0xFFFFFF80  }
0xa1: {  	_ =	swait.ge [sflag:s18], $0x4000  }
0xa2: {  	[sflag:s18] =	ssyncset.done $0x0  }
0xa3: {  	[sflag:s18] =	ssyncadd.s32 $0xFFFFC000  }
0xa4: {  	[tilespmem:s8], [sflag:$0x6] =	stream.indirect.gather [hbm4b:s1+s0], $0x80, s0, s0, $0xb8;
	[tilespmem:$0x1C000] =	vst v63  }
0xa5: {  	s22 =	sadd.s32 $0x0, s24  }
0xa6: {  	[tilespmem:s9], [sflag:$0x3] =	stream.linear.gather [hbm4b:s22+s4], $0x80, $0x38;
	[tilespmem:$0x1C000] =	vst v63  }
0xa7: {  	s25 =	sadd.s32 $0x0, s23  }
0xa8: {  	[tilespmem:s10], [sflag:$0x3] =	stream.linear.gather [hbm4b:s25+s4], $0x80, $0x38;
	[tilespmem:$0x1C000] =	vst v63  }
0xa9: {  	_ =	swait.ge [sflag:s11], $0x4000  }
0xaa: {  	[sflag:s11] =	ssyncset.done $0x0  }
0xab: {  	[sflag:s11] =	ssyncadd.s32 $0xFFFFC000  }
0xac: {  	[spmem:s3] =	stream.indirect.scatter.add.f32 [tilespmem:s29], [sflag:$0x7], $0x80, s31, s0, $0xb8;
	[tilespmem:$0x1C000] =	vst v63  }
0xad: {  	_ =	swait.ge [sflag:s12], $0x80  }
0xae: {  	[sflag:s12] =	ssyncset.done $0x0  }
0xaf: {  	[sflag:s12] =	ssyncadd.s32 $0xFFFFFF80  }
0xb0: {  	_ =	swait.ge [sflag:s12], $0x80  }
0xb1: {  	[sflag:s12] =	ssyncset.done $0x0  }
0xb2: {  	[sflag:s12] =	ssyncadd.s32 $0xFFFFFF80  }
0xb3: {  	_ =	swait.ge [sflag:s13], $0x4000  }
0xb4: {  	[sflag:s13] =	ssyncset.done $0x0  }
0xb5: {  	s21 =	rddreg [dreg:$0x9];
	[sflag:s13] =	ssyncadd.s32 $0xFFFFC000  }
0xb6: {  	[tilespmem:s29], [sflag:$0x5] =	stream.indirect.gather [hbm4b:s1+s0], $0x80, s9, s0, $0xb8;
	[tilespmem:$0x1C000] =	vst v63  }
0xb7: {  	s22 =	rddreg [dreg:$0x8];
	s20 =	sadd.s32 $0x0, s21  }
0xb8: {  	[tilespmem:s14], [sflag:$0x4] =	stream.linear.gather [hbm4b:s20+s4], $0x80, $0x38;
	[tilespmem:$0x1C000] =	vst v63  }
0xb9: {  	s25 =	sadd.s32 $0x0, s22  }
0xba: {  	[tilespmem:s15], [sflag:$0x4] =	stream.linear.gather [hbm4b:s25+s4], $0x80, $0x38;
	[tilespmem:$0x1C000] =	vst v63  }
0xbb: {  	_ =	swait.ge [sflag:s16], $0x4000  }
0xbc: {  	[sflag:s16] =	ssyncset.done $0x0  }
0xbd: {  	[sflag:s16] =	ssyncadd.s32 $0xFFFFC000  }
0xbe: {  	[spmem:s3] =	stream.indirect.scatter.add.f32 [tilespmem:s8], [sflag:$0x8], $0x80, s2, s0, $0xb8;
	[tilespmem:$0x1C000] =	vst v63  }
0xbf: {  	_ =	swait.ge [sflag:s17], $0x80  }
0xc0: {  	[sflag:s17] =	ssyncset.done $0x0  }
0xc1: {  	[sflag:s17] =	ssyncadd.s32 $0xFFFFFF80  }
0xc2: {  	_ =	swait.ge [sflag:s17], $0x80  }
0xc3: {  	[sflag:s17] =	ssyncset.done $0x0  }
0xc4: {  	[sflag:s17] =	ssyncadd.s32 $0xFFFFFF80  }
0xc5: {  	_ =	swait.ge [sflag:s18], $0x4000  }
0xc6: {  	[sflag:s18] =	ssyncset.done $0x0  }
0xc7: {  	s21 =	rddreg [dreg:$0x7];
	[sflag:s18] =	ssyncadd.s32 $0xFFFFC000  }
0xc8: {  	[tilespmem:s8], [sflag:$0x6] =	stream.indirect.gather [hbm4b:s1+s0], $0x80, s14, s0, $0xb8;
	[tilespmem:$0x1C000] =	vst v63  }
0xc9: {  	s22 =	rddreg [dreg:$0x6];
	s20 =	sadd.s32 $0x0, s21  }
0xca: {  	[tilespmem:s4], [sflag:$0x1] =	stream.linear.gather [hbm4b:s20+s4], $0x80, $0x38;
	[tilespmem:$0x1C000] =	vst v63  }
0xcb: {  	s25 =	sadd.s32 $0x0, s22  }
0xcc: {  	[tilespmem:s31], [sflag:$0x1] =	stream.linear.gather [hbm4b:s25+s4], $0x80, $0x38;
	[tilespmem:$0x1C000] =	vst v63  }
0xcd: {  	_ =	swait.ge [sflag:s11], $0x4000  }
0xce: {  	[sflag:s11] =	ssyncset.done $0x0  }
0xcf: {  	[sflag:s11] =	ssyncadd.s32 $0xFFFFC000  }
0xd0: {  	[spmem:s3] =	stream.indirect.scatter.add.f32 [tilespmem:s29], [sflag:$0x7], $0x80, s10, s0, $0xb8;
	[tilespmem:$0x1C000] =	vst v63  }
0xd1: {  	_ =	swait.ge [sflag:s6], $0x80  }
0xd2: {  	[sflag:s6] =	ssyncset.done $0x0  }
0xd3: {  	[sflag:s6] =	ssyncadd.s32 $0xFFFFFF80  }
0xd4: {  	_ =	swait.ge [sflag:s6], $0x80  }
0xd5: {  	[sflag:s6] =	ssyncset.done $0x0  }
0xd6: {  	[sflag:s6] =	ssyncadd.s32 $0xFFFFFF80  }
0xd7: {  	_ =	swait.ge [sflag:s13], $0x4000  }
0xd8: {  	[sflag:s13] =	ssyncset.done $0x0  }
0xd9: {  	s21 =	rddreg [dreg:$0x5];
	[sflag:s13] =	ssyncadd.s32 $0xFFFFC000  }
0xda: {  	[tilespmem:s29], [sflag:$0x5] =	stream.indirect.gather [hbm4b:s1+s0], $0x80, s4, s0, $0xb8;
	[tilespmem:$0x1C000] =	vst v63  }
0xdb: {  	s22 =	rddreg [dreg:$0x4];
	s20 =	sadd.s32 $0x0, s21  }
0xdc: {  	[tilespmem:s0], [sflag:$0x2] =	stream.linear.gather [hbm4b:s20+s4], $0x80, $0x38;
	[tilespmem:$0x1C000] =	vst v63  }
0xdd: {  	s25 =	sadd.s32 $0x0, s22  }
0xde: {  	[tilespmem:s2], [sflag:$0x2] =	stream.linear.gather [hbm4b:s25+s4], $0x80, $0x38;
	[tilespmem:$0x1C000] =	vst v63  }
0xdf: {  	_ =	swait.ge [sflag:s16], $0x4000  }
0xe0: {  	[sflag:s16] =	ssyncset.done $0x0  }
0xe1: {  	s20 =	simm.s32 $0x40;
	[sflag:s16] =	ssyncadd.s32 $0xFFFFC000  }
.LBB2_4:
0xe2: {  	[spmem:s3] =	stream.indirect.scatter.add.f32 [tilespmem:s8], [sflag:$0x8], $0x80, s15, s0, $0xb8;
	[tilespmem:$0x1C000] =	vst v63  }
0xe3: {  	_ =	swait.ge [sflag:s7], $0x80  }
0xe4: {  	[sflag:s7] =	ssyncset.done $0x0  }
0xe5: {  	[sflag:s7] =	ssyncadd.s32 $0xFFFFFF80  }
0xe6: {  	_ =	swait.ge [sflag:s7], $0x80  }
0xe7: {  	[sflag:s7] =	ssyncset.done $0x0  }
0xe8: {  	[sflag:s7] =	ssyncadd.s32 $0xFFFFFF80  }
0xe9: {  	_ =	swait.ge [sflag:s18], $0x4000  }
0xea: {  	[sflag:s18] =	ssyncset.done $0x0  }
0xeb: {  	s21 =	smov.u32 s20;
	[sflag:s18] =	ssyncadd.s32 $0xFFFFC000  }
0xec: {  	[tilespmem:s8], [sflag:$0x6] =	stream.indirect.gather [hbm4b:s1+s0], $0x80, s0, s0, $0xb8;
	[tilespmem:$0x1C000] =	vst v63  }
0xed: {  	s22 =	sadd.s32 s21, s24  }
0xee: {  	[tilespmem:s9], [sflag:$0x3] =	stream.linear.gather [hbm4b:s22+s4], $0x80, $0x38;
	[tilespmem:$0x1C000] =	vst v63  }
0xef: {  	s25 =	sadd.s32 s21, s23  }
0xf0: {  	[tilespmem:s10], [sflag:$0x3] =	stream.linear.gather [hbm4b:s25+s4], $0x80, $0x38;
	[tilespmem:$0x1C000] =	vst v63  }
0xf1: {  	_ =	swait.ge [sflag:s11], $0x4000  }
0xf2: {  	[sflag:s11] =	ssyncset.done $0x0  }
0xf3: {  	[sflag:s11] =	ssyncadd.s32 $0xFFFFC000  }
0xf4: {  	[spmem:s3] =	stream.indirect.scatter.add.f32 [tilespmem:s29], [sflag:$0x7], $0x80, s31, s0, $0xb8;
	[tilespmem:$0x1C000] =	vst v63  }
0xf5: {  	_ =	swait.ge [sflag:s12], $0x80  }
0xf6: {  	[sflag:s12] =	ssyncset.done $0x0  }
0xf7: {  	[sflag:s12] =	ssyncadd.s32 $0xFFFFFF80  }
0xf8: {  	_ =	swait.ge [sflag:s12], $0x80  }
0xf9: {  	[sflag:s12] =	ssyncset.done $0x0  }
0xfa: {  	[sflag:s12] =	ssyncadd.s32 $0xFFFFFF80  }
0xfb: {  	_ =	swait.ge [sflag:s13], $0x4000  }
0xfc: {  	[sflag:s13] =	ssyncset.done $0x0  }
0xfd: {  	s22 =	rddreg [dreg:$0x9];
	[sflag:s13] =	ssyncadd.s32 $0xFFFFC000  }
0xfe: {  	[tilespmem:s29], [sflag:$0x5] =	stream.indirect.gather [hbm4b:s1+s0], $0x80, s9, s0, $0xb8;
	[tilespmem:$0x1C000] =	vst v63  }
0xff: {  	s25 =	rddreg [dreg:$0x8];
	s22 =	sadd.s32 s21, s22  }
0x100: {  	[tilespmem:s14], [sflag:$0x4] =	stream.linear.gather [hbm4b:s22+s4], $0x80, $0x38;
	[tilespmem:$0x1C000] =	vst v63  }
0x101: {  	s25 =	sadd.s32 s21, s25  }
0x102: {  	[tilespmem:s15], [sflag:$0x4] =	stream.linear.gather [hbm4b:s25+s4], $0x80, $0x38;
	[tilespmem:$0x1C000] =	vst v63  }
0x103: {  	_ =	swait.ge [sflag:s16], $0x4000  }
0x104: {  	[sflag:s16] =	ssyncset.done $0x0  }
0x105: {  	[sflag:s16] =	ssyncadd.s32 $0xFFFFC000  }
0x106: {  	[spmem:s3] =	stream.indirect.scatter.add.f32 [tilespmem:s8], [sflag:$0x8], $0x80, s2, s0, $0xb8;
	[tilespmem:$0x1C000] =	vst v63  }
0x107: {  	_ =	swait.ge [sflag:s17], $0x80  }
0x108: {  	[sflag:s17] =	ssyncset.done $0x0  }
0x109: {  	[sflag:s17] =	ssyncadd.s32 $0xFFFFFF80  }
0x10a: {  	_ =	swait.ge [sflag:s17], $0x80  }
0x10b: {  	[sflag:s17] =	ssyncset.done $0x0  }
0x10c: {  	[sflag:s17] =	ssyncadd.s32 $0xFFFFFF80  }
0x10d: {  	_ =	swait.ge [sflag:s18], $0x4000  }
0x10e: {  	[sflag:s18] =	ssyncset.done $0x0  }
0x10f: {  	s22 =	rddreg [dreg:$0x7];
	[sflag:s18] =	ssyncadd.s32 $0xFFFFC000  }
0x110: {  	[tilespmem:s8], [sflag:$0x6] =	stream.indirect.gather [hbm4b:s1+s0], $0x80, s14, s0, $0xb8;
	[tilespmem:$0x1C000] =	vst v63  }
0x111: {  	s25 =	rddreg [dreg:$0x6];
	s22 =	sadd.s32 s21, s22  }
0x112: {  	[tilespmem:s4], [sflag:$0x1] =	stream.linear.gather [hbm4b:s22+s4], $0x80, $0x38;
	[tilespmem:$0x1C000] =	vst v63  }
0x113: {  	s25 =	sadd.s32 s21, s25  }
0x114: {  	[tilespmem:s31], [sflag:$0x1] =	stream.linear.gather [hbm4b:s25+s4], $0x80, $0x38;
	[tilespmem:$0x1C000] =	vst v63  }
0x115: {  	_ =	swait.ge [sflag:s11], $0x4000  }
0x116: {  	[sflag:s11] =	ssyncset.done $0x0  }
0x117: {  	[sflag:s11] =	ssyncadd.s32 $0xFFFFC000  }
0x118: {  	[spmem:s3] =	stream.indirect.scatter.add.f32 [tilespmem:s29], [sflag:$0x7], $0x80, s10, s0, $0xb8;
	[tilespmem:$0x1C000] =	vst v63  }
0x119: {  	_ =	swait.ge [sflag:s6], $0x80  }
0x11a: {  	[sflag:s6] =	ssyncset.done $0x0  }
0x11b: {  	[sflag:s6] =	ssyncadd.s32 $0xFFFFFF80  }
0x11c: {  	_ =	swait.ge [sflag:s6], $0x80  }
0x11d: {  	[sflag:s6] =	ssyncset.done $0x0  }
0x11e: {  	[sflag:s6] =	ssyncadd.s32 $0xFFFFFF80  }
0x11f: {  	_ =	swait.ge [sflag:s13], $0x4000  }
0x120: {  	[sflag:s13] =	ssyncset.done $0x0  }
0x121: {  	s22 =	rddreg [dreg:$0x5];
	[sflag:s13] =	ssyncadd.s32 $0xFFFFC000  }
0x122: {  	[tilespmem:s29], [sflag:$0x5] =	stream.indirect.gather [hbm4b:s1+s0], $0x80, s4, s0, $0xb8;
	[tilespmem:$0x1C000] =	vst v63  }
0x123: {  	p0 =	sne.s32 s20, $0x440;
	s25 =	rddreg [dreg:$0x4];
	s22 =	sadd.s32 s21, s22  }
0x124: {  	[tilespmem:s0], [sflag:$0x2] =	stream.linear.gather [hbm4b:s22+s4], $0x80, $0x38;
	[tilespmem:$0x1C000] =	vst v63  }
.Ltmp1:
0x125: {  	s21 =	sadd.s32 s21, s25;
	(pc) =	sbr.rel @p0 .LBB2_4-.Ltmp1, $4  }
0x126: {  	[tilespmem:s2], [sflag:$0x2] =	stream.linear.gather [hbm4b:s21+s4], $0x80, $0x38;
	[tilespmem:$0x1C000] =	vst v63  }
0x127: {  	_ =	swait.ge [sflag:s16], $0x4000  }
0x128: {  	[sflag:s16] =	ssyncset.done $0x0  }
0x129: {  	s20 =	sadd.s32 $0x40, s20;
	[sflag:s16] =	ssyncadd.s32 $0xFFFFC000  }
0x12a: {  	[spmem:s3] =	stream.indirect.scatter.add.f32 [tilespmem:s8], [sflag:$0x8], $0x80, s15, s0, $0xb8;
	[tilespmem:$0x1C000] =	vst v63  }
0x12b: {  	_ =	swait.ge [sflag:s7], $0x80  }
0x12c: {  	[sflag:s7] =	ssyncset.done $0x0  }
0x12d: {  	[sflag:s7] =	ssyncadd.s32 $0xFFFFFF80  }
0x12e: {  	_ =	swait.ge [sflag:s7], $0x80  }
0x12f: {  	[sflag:s7] =	ssyncset.done $0x0  }
0x130: {  	[sflag:s7] =	ssyncadd.s32 $0xFFFFFF80  }
0x131: {  	_ =	swait.ge [sflag:s18], $0x4000  }
0x132: {  	[sflag:s18] =	ssyncset.done $0x0  }
0x133: {  	[sflag:s18] =	ssyncadd.s32 $0xFFFFC000  }
0x134: {  	[tilespmem:s8], [sflag:$0x6] =	stream.indirect.gather [hbm4b:s1+s0], $0x80, s0, s0, $0xb8;
	[tilespmem:$0x1C000] =	vst v63  }
0x135: {  	s20 =	rddreg [dreg:$0x17]  }
0x136: {  	[tilespmem:s9], [sflag:$0x3] =	stream.linear.gather [hbm4b:s20+s4], $0x80, $0x38;
	[tilespmem:$0x1C000] =	vst v63  }
0x137: {  	s21 =	rddreg [dreg:$0x18]  }
0x138: {  	[tilespmem:s10], [sflag:$0x3] =	stream.linear.gather [hbm4b:s21+s4], $0x80, $0x38;
	[tilespmem:$0x1C000] =	vst v63  }
0x139: {  	_ =	swait.ge [sflag:s11], $0x4000  }
0x13a: {  	[sflag:s11] =	ssyncset.done $0x0  }
0x13b: {  	[sflag:s11] =	ssyncadd.s32 $0xFFFFC000  }
0x13c: {  	[spmem:s3] =	stream.indirect.scatter.add.f32 [tilespmem:s29], [sflag:$0x7], $0x80, s31, s0, $0xb8;
	[tilespmem:$0x1C000] =	vst v63  }
0x13d: {  	_ =	swait.ge [sflag:s12], $0x80  }
0x13e: {  	[sflag:s12] =	ssyncset.done $0x0  }
0x13f: {  	[sflag:s12] =	ssyncadd.s32 $0xFFFFFF80  }
0x140: {  	_ =	swait.ge [sflag:s12], $0x80  }
0x141: {  	[sflag:s12] =	ssyncset.done $0x0  }
0x142: {  	[sflag:s12] =	ssyncadd.s32 $0xFFFFFF80  }
0x143: {  	_ =	swait.ge [sflag:s13], $0x4000  }
0x144: {  	[sflag:s13] =	ssyncset.done $0x0  }
0x145: {  	[sflag:s13] =	ssyncadd.s32 $0xFFFFC000  }
0x146: {  	[tilespmem:s29], [sflag:$0x5] =	stream.indirect.gather [hbm4b:s1+s0], $0x80, s9, s0, $0xb8;
	[tilespmem:$0x1C000] =	vst v63  }
0x147: {  	_ =	swait.ge [sflag:s16], $0x4000  }
0x148: {  	[sflag:s16] =	ssyncset.done $0x0  }
0x149: {  	[sflag:s16] =	ssyncadd.s32 $0xFFFFC000  }
0x14a: {  	[spmem:s3] =	stream.indirect.scatter.add.f32 [tilespmem:s8], [sflag:$0x8], $0x80, s2, s0, $0xb8;
	[tilespmem:$0x1C000] =	vst v63  }
0x14b: {  	_ =	swait.ge [sflag:s18], $0x4000  }
0x14c: {  	[sflag:s18] =	ssyncset.done $0x0  }
0x14d: {  	[sflag:s18] =	ssyncadd.s32 $0xFFFFC000  }
0x14e: {  	_ =	swait.ge [sflag:s11], $0x4000  }
0x14f: {  	[sflag:s11] =	ssyncset.done $0x0  }
0x150: {  	[sflag:s11] =	ssyncadd.s32 $0xFFFFC000  }
0x151: {  	[spmem:s3] =	stream.indirect.scatter.add.f32 [tilespmem:s29], [sflag:$0x7], $0x80, s10, s0, $0xb8;
	[tilespmem:$0x1C000] =	vst v63  }
0x152: {  	_ =	swait.ge [sflag:s13], $0x4000  }
0x153: {  	[sflag:s13] =	ssyncset.done $0x0  }
0x154: {  	s22 =	stileid.u32;
	[sflag:s13] =	ssyncadd.s32 $0xFFFFC000  }
0x155: {  	s20 =	sshll.u32 s22, $0x6;
	[bflag:$0x0] =	sbarrier.arrive $0xFFFF  }
0x156: {  	s20 =	sor.u32 $0x1C09, s20;
	s21 =	sshrl.u32 s5, $0x3;
	s22 =	rddreg [dreg:$0x19]  }
0x157: {  	[hbm:s22], [sflag:s20] =	dma.local [spmem:s21], $0x2780  }
0x158: {  	_ =	swait.ge [sflag:s30], $0x2780  }
0x159: {  	s19 =	sadd.s32 $0x1, s19;
	s25 =	rddreg [dreg:$0x1a]  }
0x15a: {  	p0 =	sne.s32 s19, s25  }
.Ltmp2:
0x15b: {  	_ = 	snop;
	(pc) =	sbr.rel @p0 .LBB2_1-.Ltmp2, $3  }
0x15c: {  	_ =	sdelay $0x1  }
0x15d: {  	[sflag:s30] =	ssyncset.done $0x0  }
0x15e: {  	[sflag:s30] =	ssyncadd.s32 $0xFFFFD880  }
0x15f: {  	_ =	sfence.sel $0x180000  }
0x160: {  	[bflag:$0x0] =	sbarrier.arrive $0xFFFF  }
0x161: {  	_ =	strace $0x9000004D  }
0x162: {  	s0 =	stileid.u32;
	[bflag:$0x2] =	sbarrier.arrive $0xFFFF  }
0x163: {  	p0 =	sne.s32 s0, $0x0;
	s0 =	rddreg [dreg:$0x3]  }
0x164: {  	s0 =	sadd.s32 @!p0 $0x100000, s0  }
0x165: {  	[sflag:s0] =	ssyncadd.tile.s32 @!p0 $0x1;
	_ =	shalt  }
.Lfunc_end2:
_tile_overlayer_lowered:
.L_overlay_start_2:
0x166: {  	(tag) =	ssettag $0x2  }
0x167: {  	s0 =	rddreg [dreg:$0x0];
	s2 =	stileid.u32  }
0x168: {  	s1 =	rddreg [dreg:$0x1];
	p0 =	sne.s32 s2, $0x0  }
0x169: {  	s3 =	rddreg [dreg:$0x2];
	[bflag:$0x3] =	sbarrier.arrive $0xFFFF;
	s2 =	simm.s32 @!p0 $0x1C09  }
0x16a: {  	[timem:s3], [sflag:s2] =	dma.local @!p0 [hbm:s0], s1  }
0x16b: {  	s0 =	simm.s32 @!p0 $0x9  }
0x16c: {  	_ =	swait.ge @!p0 [sflag:s0], s1  }
0x16d: {  	s1 =	ssub.s32 @!p0 $0x0, s1;
	[sflag:s0] =	ssyncset.done @!p0 $0x0  }
0x16e: {  	[sflag:s0] =	ssyncadd.s32 @!p0 s1  }
0x16f: {  	[bflag:$0x3] =	sbarrier.arrive $0xFFFF  }
0x170: {  	_ =	shalt  }

// kernel: kernel.8.cloned.1.call-start
scs
__scs_entry_jumppad:
0x0: {  	(pc) =	sbr.rel $0x88, $3  }
0x1: {  	(tag) =	ssettag $0x0;
	lr =	simm.s32 $0x1  }
0x2: {  	[smem:$0x3F9B] =	sst lr;
	_ =	strace $0xD0000000  }
0x3: {  	_ = 	snop  }
0x4: {  	_ = 	snop  }
0x5: {  	_ = 	snop  }
0x6: {  	_ = 	snop  }
0x7: {  	_ = 	snop  }
__scs_overlays_trampoline_lowered:
0x8: {  	[smem:$0x3FAA] =	sst s0  }
0x9: {  	[smem:$0x3FAB] =	sst s1  }
0xa: {  	[smem:$0x3FAC] =	sst s2  }
0xb: {  	[smem:$0x3FAD] =	sst s3  }
0xc: {  	[smem:$0x3FAE] =	sst s4  }
0xd: {  	[smem:$0x3FAF] =	sst s5  }
0xe: {  	[smem:$0x3FB0] =	sst s6  }
0xf: {  	[smem:$0x3FB1] =	sst s7  }
0x10: {  	[smem:$0x3FB2] =	sst s8  }
0x11: {  	[smem:$0x3FB3] =	sst s9;
	s0 =	simm.s32 @!p0 $0x0  }
0x12: {  	s1 =	sld [smem:$0x3F99];
	s0 =	simm.s32 @p0 $0x1  }
0x13: {  	[smem:$0x3FB4] =	sst s0;
	s0 =	simm.s32 @!p1 $0x0  }
0x14: {  	s2 =	sld [smem:$0x3F98];
	s0 =	simm.s32 @p1 $0x1  }
0x15: {  	[smem:$0x3FB5] =	sst s0;
	s0 =	simm.s32 @!p2 $0x0  }
0x16: {  	s3 =	sld [smem:$0x3FDB];
	s0 =	simm.s32 @p2 $0x1  }
0x17: {  	s4 =	simm.s32 $0x1BF5;
	[smem:$0x3FB7] =	sst s0  }
0x18: {  	s0 =	sld [smem:$0x3F9A];
	_ =	swait.ge [sflag:s4], $0x0  }
0x19: {  	s7 =	sld [smem:$0x3F9B]  }
0x1a: {  	s8 =	sadd.s32 $0xFFFFE003, lr  }
0x1b: {  	s9 =	sadd.s32 $0xFFFFFEF7, lr;
	s5 =	simm.s32 $0xFFFFFFFF;
	p2 =	slt.u32 s8, $0xFFFFF086  }
0x1c: {  	p1 =	slt.u32 s9, $0xF7A;
	s5 =	simm.s32 @!p2 $0x0  }
0x1d: {  	s5 =	simm.s32 @p1 $0x1;
	p0 =	seq.s32 s7, s2  }
0x1e: {  	s7 =	smul.u32 @!p0 $0xF7A, s2;
	p2 =	seq.s32 @!p0 s5, $0x0  }
0x1f: {  	s9 =	smul.u32 $0xF7A, s1;
	s8 =	simm.s32 @!p0 $0x1BF5;
	p2 =	por !p2, p0  }
0x20: {  	[sflag:s8] =	ssyncset.s32 @!p0 $0xFFFFF086;
	s6 =	sadd.s32 @!p0 s3, s7;
	s7 =	simm.s32 @!p0 $0x108  }
0x21: {  	s3 =	sadd.s32 s3, s9;
	s6 =	sadd.s32 @!p0 $0x88, s6;
	s7 =	simm.s32 @p2 $0x1082  }
0x22: {  	[simem:s7], [sflag:s8] =	dma.local @!p0 [hbm:s6], $0xF7A  }
0x23: {  	s9 =	sor.u32 $0xD0000000, s2;
	s6 =	simm.s32 $0x108;
	_ =	swait.ge @!p0 [sflag:s8], $0x0  }
0x24: {  	s3 =	sadd.s32 $0x88, s3;
	s6 =	simm.s32 @!p1 $0x1082;
	[sflag:s4] =	ssyncset.s32 $0xFFFFF086  }
0x25: {  	[simem:s6], [sflag:s4] =	dma.local [hbm:s3], $0xF7A  }
0x26: {  	[smem:$0x3F9B] =	sst s1;
	(tag) =	ssettag s2;
	_ =	strace s9  }
0x27: {  	s1 =	sld [smem:$0x3FAB]  }
0x28: {  	s2 =	sld [smem:$0x3FAC]  }
0x29: {  	s4 =	sld [smem:$0x3FAE]  }
0x2a: {  	p0 =	seq.s32 s5, $0x0;
	s5 =	sld [smem:$0x3FAF]  }
0x2b: {  	s6 =	sld [smem:$0x3FB0]  }
0x2c: {  	s7 =	sld [smem:$0x3FB1]  }
0x2d: {  	s3 =	simm.s32 $0x108;
	s8 =	sld [smem:$0x3FB2]  }
0x2e: {  	s3 =	simm.s32 @!p0 $0x1082;
	s9 =	sld [smem:$0x3FB3]  }
0x2f: {  	lr =	sadd.s32 s0, s3;
	s0 =	sld [smem:$0x3FAA]  }
0x30: {  	s3 =	sld [smem:$0x3FAD]  }
0x31: {  	[smem:$0x3FB6] =	sst s10  }
0x32: {  	s10 =	sld [smem:$0x3FB4];
	_ =	sdelay $0x3  }
0x33: {  	p0 =	seq.s32 s10, $0x1;
	s10 =	sld [smem:$0x3FB6];
	_ =	sdelay $0x3  }
0x34: {  	[smem:$0x3FB6] =	sst s10  }
0x35: {  	s10 =	sld [smem:$0x3FB5];
	_ =	sdelay $0x3  }
0x36: {  	p1 =	seq.s32 s10, $0x1;
	s10 =	sld [smem:$0x3FB6];
	_ =	sdelay $0x3  }
0x37: {  	[smem:$0x3FB6] =	sst s10  }
0x38: {  	s10 =	sld [smem:$0x3FB7]  }
0x39: {  	_ = 	snop;
	(pc) =	sbr.ind lr, $3  }
0x3a: {  	_ = 	snop  }
0x3b: {  	_ = 	snop  }
0x3c: {  	p2 =	seq.s32 s10, $0x1;
	s10 =	sld [smem:$0x3FB6]  }
0x3d: {  	_ =	shalt  }
0x3e: {  	_ =	shalt  }
0x3f: {  	_ =	shalt  }
0x40: {  	_ =	shalt  }
0x41: {  	_ =	shalt  }
0x42: {  	_ =	shalt  }
0x43: {  	_ =	shalt  }
0x44: {  	_ =	shalt  }
0x45: {  	_ =	shalt  }
0x46: {  	_ =	shalt  }
0x47: {  	_ =	shalt  }
0x48: {  	_ =	shalt  }
0x49: {  	_ =	shalt  }
0x4a: {  	_ =	shalt  }
0x4b: {  	_ =	shalt  }
0x4c: {  	_ =	shalt  }
0x4d: {  	_ =	shalt  }
0x4e: {  	_ =	shalt  }
0x4f: {  	_ =	shalt  }
0x50: {  	_ =	shalt  }
0x51: {  	_ =	shalt  }
0x52: {  	_ =	shalt  }
0x53: {  	_ =	shalt  }
0x54: {  	_ =	shalt  }
0x55: {  	_ =	shalt  }
0x56: {  	_ =	shalt  }
0x57: {  	_ =	shalt  }
0x58: {  	_ =	shalt  }
0x59: {  	_ =	shalt  }
0x5a: {  	_ =	shalt  }
0x5b: {  	_ =	shalt  }
0x5c: {  	_ =	shalt  }
0x5d: {  	_ =	shalt  }
0x5e: {  	_ =	shalt  }
0x5f: {  	_ =	shalt  }
0x60: {  	_ =	shalt  }
0x61: {  	_ =	shalt  }
0x62: {  	_ =	shalt  }
0x63: {  	_ =	shalt  }
0x64: {  	_ =	shalt  }
0x65: {  	_ =	shalt  }
0x66: {  	_ =	shalt  }
0x67: {  	_ =	shalt  }
0x68: {  	_ =	shalt  }
0x69: {  	_ =	shalt  }
0x6a: {  	_ =	shalt  }
0x6b: {  	_ =	shalt  }
0x6c: {  	_ =	shalt  }
0x6d: {  	_ =	shalt  }
0x6e: {  	_ =	shalt  }
0x6f: {  	_ =	shalt  }
0x70: {  	_ =	shalt  }
0x71: {  	_ =	shalt  }
0x72: {  	_ =	shalt  }
0x73: {  	_ =	shalt  }
0x74: {  	_ =	shalt  }
0x75: {  	_ =	shalt  }
0x76: {  	_ =	shalt  }
0x77: {  	_ =	shalt  }
0x78: {  	_ =	shalt  }
0x79: {  	_ =	shalt  }
0x7a: {  	_ =	shalt  }
0x7b: {  	_ =	shalt  }
0x7c: {  	_ =	shalt  }
0x7d: {  	_ =	shalt  }
0x7e: {  	_ =	shalt  }
0x7f: {  	_ =	shalt  }
0x80: {  	_ =	shalt  }
0x81: {  	_ =	shalt  }
0x82: {  	_ =	shalt  }
0x83: {  	_ =	shalt  }
0x84: {  	_ =	shalt  }
0x85: {  	_ =	shalt  }
0x86: {  	_ =	shalt  }
0x87: {  	_ =	shalt  }
.Lfunc_end0:
.L_simem_size_0:
called_computation_lowered:
.L_overlay_start_0:
0x88: {  	s2 =	sld [smem:$0x3FD9]  }
0x89: {  	s3 =	sld [smem:$0x3FFE];
	_ =	sdelay $0x1  }
0x8a: {  	s1 =	srdreg.scid  }
0x8b: {  	s0 =	sand.u32 $0x1, s1  }
0x8c: {  	s16 =	sshll.u32 s0, $0xA;
	s2 =	sadd.s32 s3, s2  }
0x8d: {  	s2 =	sadd.s32 s2, s16  }
0x8e: {  	[smem:$0x3FC2] =	sst s2  }
0x8f: {  	_ = 	snop  }
0x90: {  	(tm) =	ssettm $0x1  }
0x91: {  	s17 =	sld [smem:$0x3FFB];
	_ =	sdelay $0x3  }
0x92: {  	_ =	strace s17  }
0x93: {  	s2 =	sld [smem:$0x3FFC];
	_ =	sdelay $0x3  }
0x94: {  	_ =	strace s2  }
0x95: {  	s2 =	sld [smem:$0x3FFD];
	_ =	sdelay $0x3  }
0x96: {  	_ =	strace s2  }
0x97: {  	_ =	strace $0x8FFFFFFF  }
0x98: {  	s18 =	sld [smem:$0x3FDB];
	_ =	sdelay $0x1  }
0x99: {  	s19 =	simm.s32 $_scs_section_size  }
0x9a: {  	s4 =	simm.s32 $_size__tile_overlayer_lowered;
	s5 =	simm.s32 $_tile_overlayer_lowered  }
0x9b: {  	s22 =	simm.s32 $0x1BFF;
	s21 =	sshll.u32 s5, $0x1;
	s2 =	sadd.s32 s19, s18  }
0x9c: {  	s6 =	simm.s32 $0x0;
	s20 =	sshll.u32 s4, $0x1;
	s4 =	sadd.s32 s21, s2  }
0x9d: {  	[timem:s6], [sflag:s22] =	dma.local [hbm:s4], s20  }
0x9e: {  	_ =	swait.ge [sflag:s22], s20  }
0x9f: {  	s3 =	ssub.s32 $0x0, s20;
	[sflag:s22] =	ssyncset.done $0x0  }
0xa0: {  	[sflag:s22] =	ssyncadd.s32 s3;
	_ =	sdelay $0x1  }
0xa1: {  	s23 =	simm.s32 $0x1B8B  }
0xa2: {  	_ =	swait.ge [sflag:s23], $0x1  }
0xa3: {  	[sflag:s23] =	ssyncset.done $0x0  }
0xa4: {  	s25 =	simm.s32 $0x1B8E;
	s24 =	sld [smem:$0x3FFE];
	[sflag:s23] =	ssyncadd.s32 $0xFFFFFFFF  }
0xa5: {  	s26 =	simm.s32 $execute0_lowered;
	[smem:$0x3FD2] =	sst s25  }
0xa6: {  	s4 =	sshll.u32 s26, $0x1;
	_ =	strace $0x80000046;
	[dreg:$0x1] =	wrdreg $0xFFFFFFFF  }
0xa7: {  	s28 =	simm.s32 $_size_execute0_lowered;
	s2 =	sadd.s32 s2, s4;
	[dreg:$0x0] =	wrdreg $0x0  }
0xa8: {  	s4 =	sshll.u32 s28, $0x1;
	[dreg:$0x2] =	wrdreg s2  }
0xa9: {  	[dreg:$0x3] =	wrdreg s4  }
0xaa: {  	[dreg:$0x4] =	wrdreg $0xC0  }
0xab: {  	_ =	task [dreg:s6], $0x5FFFF  }
0xac: {  	[dreg:$0x1] =	wrdreg $0xFFFFFFFF  }
0xad: {  	[dreg:$0x0] =	wrdreg $0x60  }
0xae: {  	[dreg:$0x2] =	wrdreg s24  }
0xaf: {  	[dreg:$0x3] =	wrdreg $0x41000  }
0xb0: {  	[dreg:$0x4] =	wrdreg $0x9  }
0xb1: {  	_ =	task.clear_ibuf [dreg:s6], $0x5FFFF;
	_ =	strace $0x90000046  }
0xb2: {  	s29 =	simm.s32 $0x9;
	_ =	strace $0x80000048  }
0xb3: {  	_ =	swait.ge [sflag:s29], $0x1  }
0xb4: {  	[sflag:s29] =	ssyncadd.s32 $0xFFFFFFFF  }
0xb5: {  	_ =	strace $0x90000048  }
0xb6: {  	_ =	sfence  }
0xb7: {  	s30 =	sld [smem:$0x0];
	_ =	sdelay $0x2  }
0xb8: {  	s31 =	sshll.u32 s1, $0xD;
	s1 =	sshrl.u32 s1, $0x2  }
0xb9: {  	s3 =	sand.u32 $0x4000, s31;
	s1 =	sadd.s32 s1, s30  }
0xba: {  	s0 =	sor.u32 s3, s0;
	s1 =	sshll.u32 s1, $0x11  }
0xbb: {  	s0 =	sor.u32 s1, s0  }
0xbc: {  	s0 =	sadd.s32 $0x8F2B, s0  }
0xbd: {  	[sflag:s0] =	ssyncadd.remote.s32 $0x1  }
0xbe: {  	_ =	sfence.sel $0xFFFF  }
0xbf: {  	[dreg:$0x0] =	wrdreg $0xFFFFFFFF;
	(pc) =	sbr.abs _section_cstart, $3  }
0xc0: {  	[dreg:$0x1] =	wrdreg $0xFFFFFFFF  }
0xc1: {  	_ =	task.clear_ibuf [dreg:s6], $0x2FFFF;
	_ =	strace $0x9FFFFFFF  }
0xc2: {  	(tm) =	ssettm $0x7FFFFFFF  }
0xc3: {  	_ =	shalt  }
tec
execute0_lowered:
.L_overlay_start_1:
0x0: {  	(tag) =	ssettag $0x1  }
0x1: {  	s5 =	rddreg [dreg:$0x0]  }
0x2: {  	s2 =	rddreg [dreg:$0x1]  }
0x3: {  	s0 =	rddreg [dreg:$0x2];
	s4 =	srdreg.scid  }
0x4: {  	s1 =	stileid.u32;
	s3 =	simm.s32 $0x0;
	s15 =	simm.s32 $0x100  }
0x5: {  	s16 =	simm.s32 $0x3;
	s17 =	simm.s32 $0x1;
	s18 =	simm.s32 $0x80  }
0x6: {  	s19 =	simm.s32 $0x2;
	s21 =	simm.s32 $0x0;
	s7 =	smul.u32 $0x2780, s1  }
0x7: {  	s6 =	sand.u32 $0x1, s4;
	[smem:$0x7FF] =	sst s3;
	s26 =	smul.u32 $0x4F000, s1  }
0x8: {  	s4 =	sadd.s32 $0x3400, s5;
	s9 =	sshll.u32 s1, $0x1;
	s11 =	smul.u32 $0x4F00, s1  }
0x9: {  	s20 =	sshll.u32 s1, $0x6;
	s8 =	smul.u32 $0x27800, s6;
	_ =	strace $0x80000047  }
0xa: {  	s25 =	sor.u32 s6, s9;
	s28 =	ssub.s32 $0x2, s6;
	s13 =	smul.u32 $0x2780, s6  }
0xb: {  	s20 =	sor.u32 $0x1C03, s20;
	s29 =	smul.u32 $0x2780, s25;
	s30 =	sshrl.u32 s28, $0x1  }
0xc: {  	s9 =	sshrl.u32 s26, $0x2;
	s7 =	sadd.s32 s7, s8;
	s31 =	ssub.s32 s28, s30  }
0xd: {  	s13 =	sadd.s32 s13, s11;
	s10 =	sadd.s32 s7, s5;
	s12 =	sshrl.u32 s29, $0x3  }
0xe: {  	s5 =	sadd.s32 s9, s2;
	s9 =	smax.u32 s31, $0x1;
	s14 =	sadd.s32 $0x80, s13  }
0xf: {  	s13 =	sadd.s32 $0x100, s13;
	s6 =	sadd.s32 s4, s12;
	s7 =	sadd.s32 $0x10000, s5  }
0x10: {  	s8 =	sadd.s32 $0xD200, s10;
	s10 =	sadd.s32 $0x4000, s5;
	s14 =	sshrl.u32 s14, $0x3  }
0x11: {  	v0 =	vimm.f32 $0.0e+00;
	v1 =	vimm.f32 $1.000000000e+00;
	s11 =	sadd.s32 $0x8000, s5;
	s12 =	sadd.s32 $0xC000, s5;
	s14 =	sadd.s32 s14, s4  }
.LBB2_1:
0x12: {  	[tilespmem:s3], [sflag:$0x1] =	stream.linear.gather [hbm4b:s6+s3], $0x80, $0x38;
	[tilespmem:$0x6880] =	vst v63  }
0x13: {  	s22 =	simm.s32 $0x200;
	s23 =	simm.s32 $0x0  }
.LBB2_2:
0x14: {  	p0 =	sne.s32 s22, $0xFE00;
	[tilespmem:s23+$0x100] =	vst v0;
	s23 =	smov.u32 s22;
	s22 =	sadd.s32 $0x200, s22  }
.Ltmp0:
0x15: {  	(pc) =	sbr.rel @p0 .LBB2_2-.Ltmp0, $2  }
0x16: {  	_ =	sdelay $0x2  }
0x17: {  	s23 =	sshra.s32 s23, $0x2  }
0x18: {  	[tilespmem:s23+$0x100] =	vst v0  }
0x19: {  	[spmem:s5] =	stream.linear.scatter [tilespmem:s15], [sflag:$0x3], $0x4000, $0x38;
	[tilespmem:$0x6880] =	vst v63  }
0x1a: {  	_ =	swait.ge [sflag:s16], $0x4000  }
0x1b: {  	[sflag:s16] =	ssyncset.done $0x0  }
0x1c: {  	[sflag:s16] =	ssyncadd.s32 $0xFFFFC000  }
0x1d: {  	[spmem:s10] =	stream.linear.scatter [tilespmem:s15], [sflag:$0x3], $0x4000, $0x38;
	[tilespmem:$0x6880] =	vst v63  }
0x1e: {  	_ =	swait.ge [sflag:s16], $0x4000  }
0x1f: {  	[sflag:s16] =	ssyncset.done $0x0  }
0x20: {  	[sflag:s16] =	ssyncadd.s32 $0xFFFFC000  }
0x21: {  	[spmem:s11] =	stream.linear.scatter [tilespmem:s15], [sflag:$0x3], $0x4000, $0x38;
	[tilespmem:$0x6880] =	vst v63  }
0x22: {  	_ =	swait.ge [sflag:s16], $0x4000  }
0x23: {  	[sflag:s16] =	ssyncset.done $0x0  }
0x24: {  	[sflag:s16] =	ssyncadd.s32 $0xFFFFC000  }
0x25: {  	[spmem:s12] =	stream.linear.scatter [tilespmem:s15], [sflag:$0x3], $0x4000, $0x38;
	[tilespmem:$0x6880] =	vst v63  }
0x26: {  	_ =	swait.ge [sflag:s16], $0x4000  }
0x27: {  	[sflag:s16] =	ssyncset.done $0x0  }
0x28: {  	[sflag:s16] =	ssyncadd.s32 $0xFFFFC000  }
0x29: {  	[spmem:s7] =	stream.linear.scatter [tilespmem:s15], [sflag:$0x3], $0x3C00, $0x38;
	[tilespmem:$0x6880] =	vst v63  }
0x2a: {  	_ =	swait.ge [sflag:s16], $0x3C00  }
0x2b: {  	[sflag:s16] =	ssyncset.done $0x0  }
0x2c: {  	s22 =	simm.s32 $0x200;
	s23 =	simm.s32 $0x0;
	[sflag:s16] =	ssyncadd.s32 $0xFFFFC400  }
.LBB2_4:
0x2d: {  	p0 =	sne.s32 s22, $0xFE00;
	[tilespmem:s23+$0x100] =	vst v1;
	s23 =	smov.u32 s22;
	s22 =	sadd.s32 $0x200, s22  }
.Ltmp1:
0x2e: {  	(pc) =	sbr.rel @p0 .LBB2_4-.Ltmp1, $2  }
0x2f: {  	_ =	sdelay $0x2  }
0x30: {  	s23 =	sshra.s32 s23, $0x2  }
0x31: {  	[tilespmem:s23+$0x100] =	vst v1  }
0x32: {  	[bflag:$0x0] =	sbarrier.arrive $0xFFFF  }
0x33: {  	_ =	swait.ge [sflag:s17], $0x80  }
0x34: {  	[sflag:s17] =	ssyncset.done $0x0  }
0x35: {  	s22 =	sadd.s32 $0x0, s14;
	[sflag:s17] =	ssyncadd.s32 $0xFFFFFF80  }
0x36: {  	[tilespmem:s18], [sflag:$0x2] =	stream.linear.gather [hbm4b:s22+s3], $0x80, $0x38;
	[tilespmem:$0x6880] =	vst v63  }
0x37: {  	_ = 	snop  }
0x38: {  	[spmem:s2] =	stream.indirect.scatter.add.f32 [tilespmem:s15], [sflag:$0x3], $0x10, s3, s18, $0xb8;
	[tilespmem:$0x6880] =	vst v63  }
0x39: {  	_ =	swait.ge [sflag:s16], $0x800  }
0x3a: {  	[sflag:s16] =	ssyncset.done $0x0  }
0x3b: {  	[sflag:s16] =	ssyncadd.s32 $0xFFFFF800  }
0x3c: {  	_ =	swait.ge [sflag:s19], $0x80  }
0x3d: {  	s31 =	sshrl.u32 s13, $0x3;
	[sflag:s19] =	ssyncset.done $0x0  }
0x3e: {  	s22 =	sadd.s32 s4, s31;
	[sflag:s19] =	ssyncadd.s32 $0xFFFFFF80  }
0x3f: {  	[tilespmem:s3], [sflag:$0x1] =	stream.linear.gather [hbm4b:s22+s3], $0x80, $0x38;
	[tilespmem:$0x6880] =	vst v63  }
0x40: {  	_ = 	snop  }
0x41: {  	[spmem:s2] =	stream.indirect.scatter.add.f32 [tilespmem:s15], [sflag:$0x3], $0x10, s18, s18, $0xb8;
	[tilespmem:$0x6880] =	vst v63  }
0x42: {  	_ =	swait.ge [sflag:s16], $0x800  }
0x43: {  	s23 =	smov.u32 s13;
	s22 =	simm.s32 $0x20;
	[sflag:s16] =	ssyncset.done $0x0  }
.LBB2_6:
0x44: {  	p0 =	sne.s32 s22, $0x4C0;
	[sflag:s16] =	ssyncadd.s32 $0xFFFFF800;
	s23 =	sadd.s32 $0x100, s23  }
0x45: {  	s24 =	smov.u32 s22;
	s22 =	sadd.s32 $0x20, s22  }
0x46: {  	_ =	swait.ge [sflag:s17], $0x80  }
0x47: {  	[sflag:s17] =	ssyncset.done $0x0  }
0x48: {  	s24 =	sadd.s32 s24, s14;
	[sflag:s17] =	ssyncadd.s32 $0xFFFFFF80  }
0x49: {  	[tilespmem:s18], [sflag:$0x2] =	stream.linear.gather [hbm4b:s24+s3], $0x80, $0x38;
	[tilespmem:$0x6880] =	vst v63  }
0x4a: {  	_ = 	snop  }
0x4b: {  	[spmem:s2] =	stream.indirect.scatter.add.f32 [tilespmem:s15], [sflag:$0x3], $0x10, s3, s18, $0xb8;
	[tilespmem:$0x6880] =	vst v63  }
0x4c: {  	_ =	swait.ge [sflag:s16], $0x800  }
0x4d: {  	[sflag:s16] =	ssyncset.done $0x0  }
0x4e: {  	[sflag:s16] =	ssyncadd.s32 $0xFFFFF800  }
0x4f: {  	_ =	swait.ge [sflag:s19], $0x80  }
0x50: {  	s24 =	sshrl.u32 s23, $0x3;
	[sflag:s19] =	ssyncset.done $0x0  }
0x51: {  	s24 =	sadd.s32 s4, s24;
	[sflag:s19] =	ssyncadd.s32 $0xFFFFFF80  }
0x52: {  	[tilespmem:s3], [sflag:$0x1] =	stream.linear.gather [hbm4b:s24+s3], $0x80, $0x38;
	[tilespmem:$0x6880] =	vst v63  }
.Ltmp2:
0x53: {  	_ = 	snop;
	(pc) =	sbr.rel @p0 .LBB2_6-.Ltmp2, $4  }
0x54: {  	_ = 	snop  }
0x55: {  	[spmem:s2] =	stream.indirect.scatter.add.f32 [tilespmem:s15], [sflag:$0x3], $0x10, s18, s18, $0xb8;
	[tilespmem:$0x6880] =	vst v63  }
0x56: {  	_ =	swait.ge [sflag:s16], $0x800  }
0x57: {  	[sflag:s16] =	ssyncset.done $0x0  }
0x58: {  	[sflag:s16] =	ssyncadd.s32 $0xFFFFF800  }
0x59: {  	_ =	swait.ge [sflag:s17], $0x80  }
0x5a: {  	[sflag:s17] =	ssyncset.done $0x0  }
0x5b: {  	[sflag:s17] =	ssyncadd.s32 $0xFFFFFF80  }
0x5c: {  	[spmem:s2] =	stream.indirect.scatter.add.f32 [tilespmem:s15], [sflag:$0x3], $0x10, s3, s18, $0xb8;
	[tilespmem:$0x6880] =	vst v63  }
0x5d: {  	_ =	swait.ge [sflag:s16], $0x800  }
0x5e: {  	s21 =	sadd.s32 $0x1, s21;
	[sflag:s16] =	ssyncset.done $0x0  }
0x5f: {  	p0 =	sne.s32 s21, s9;
	[sflag:s16] =	ssyncadd.s32 $0xFFFFF800  }
.Ltmp3:
0x60: {  	s22 =	sshrl.u32 s5, $0x3;
	[bflag:$0x0] =	sbarrier.arrive $0xFFFF;
	(pc) =	sbr.rel @p0 .LBB2_1-.Ltmp3, $4  }
0x61: {  	[hbm:s8], [sflag:s20] =	dma.local [spmem:s22], $0x2780  }
0x62: {  	_ =	swait.ge [sflag:s16], $0x2780  }
0x63: {  	[sflag:s16] =	ssyncset.done $0x0  }
0x64: {  	[sflag:s16] =	ssyncadd.s32 $0xFFFFD880  }
0x65: {  	_ =	sfence.sel $0x180000  }
0x66: {  	[bflag:$0x0] =	sbarrier.arrive $0xFFFF  }
0x67: {  	p0 =	sne.s32 s1, $0x0;
	_ =	strace $0x90000047  }
0x68: {  	s0 =	sadd.s32 @!p0 $0x100000, s0;
	[bflag:$0x2] =	sbarrier.arrive $0xFFFF  }
0x69: {  	[sflag:s0] =	ssyncadd.tile.s32 @!p0 $0x1;
	_ =	shalt  }
.Lfunc_end2:
_tile_overlayer_lowered:
.L_overlay_start_2:
0x6a: {  	(tag) =	ssettag $0x2  }
0x6b: {  	s0 =	rddreg [dreg:$0x0];
	s2 =	stileid.u32  }
0x6c: {  	s1 =	rddreg [dreg:$0x1];
	p0 =	sne.s32 s2, $0x0  }
0x6d: {  	s3 =	rddreg [dreg:$0x2];
	[bflag:$0x3] =	sbarrier.arrive $0xFFFF;
	s2 =	simm.s32 @!p0 $0x1C03  }
0x6e: {  	[timem:s3], [sflag:s2] =	dma.local @!p0 [hbm:s0], s1  }
0x6f: {  	s0 =	simm.s32 @!p0 $0x3  }
0x70: {  	_ =	swait.ge @!p0 [sflag:s0], s1  }
0x71: {  	s1 =	ssub.s32 @!p0 $0x0, s1;
	[sflag:s0] =	ssyncset.done @!p0 $0x0  }
0x72: {  	[sflag:s0] =	ssyncadd.s32 @!p0 s1  }
0x73: {  	[bflag:$0x3] =	sbarrier.arrive $0xFFFF  }
0x74: {  	_ =	shalt  }

</sc_bundles>
